<compile_context>
chip_gen: v7x
topology: tpu7x:2x2x1
jax: 0.10.2.dev20260603
libtpu: 0.0.44.dev20260713+nightly
codegen_flags: <defaults>
</compile_context>

<pallas_src>
import functools

import jax
import jax.numpy as jnp
from jax import lax
from jax.experimental import pallas as pl
from jax.experimental.pallas import tpu as pltpu
from jax.experimental.pallas import tpu_sc as plsc

N = 10000
E = 320000
D = 128
R = 500
RPAD = 512
HALF = E // 2

NC = 2
NS = 16
NW = NC * NS
K = 128
G = 8
GD = 16
DEG_W = 128
E_PAD = 327680
ITERS = E_PAD // (NW * K)
ROWS = E_PAD // K
N_ACC = 10112
RPS = N_ACC // NS



def _mm_body(x_ref, w_ref, b_ref, o_ref):
    o_ref[0] = (
        jnp.dot(x_ref[...], w_ref[0], preferred_element_type=jnp.float32)
        + b_ref[0]
    )


def _node_tables(ent_emb, W_I_e, W_O_e, W_S, b_S):
    w = jnp.stack([W_I_e, W_O_e, W_S])
    zb = jnp.zeros((128,), jnp.float32)
    b = jnp.stack([zb, zb, b_S]).reshape(3, 1, 128)
    blk = N // 10
    return pl.pallas_call(
        _mm_body,
        grid=(3, 10),
        in_specs=[
            pl.BlockSpec((blk, D), lambda i, j: (j, 0)),
            pl.BlockSpec((1, D, D), lambda i, j: (i, 0, 0)),
            pl.BlockSpec((1, 1, D), lambda i, j: (i, 0, 0)),
        ],
        out_specs=pl.BlockSpec((1, blk, D), lambda i, j: (i, j, 0)),
        out_shape=jax.ShapeDtypeStruct((3, N, D), jnp.float32),
    )(ent_emb, w, b)


def _rel_tables(rel_pad, W_I_r, W_O_r, W_R, b_I_e, b_I_r, b_O_e, b_O_r, b_R):
    w = jnp.stack([W_I_r, W_O_r, W_R])
    b = jnp.stack([b_I_e + b_I_r, b_O_e + b_O_r, b_R]).reshape(3, 1, 128)
    return pl.pallas_call(
        _mm_body,
        grid=(3,),
        in_specs=[
            pl.BlockSpec((RPAD, D), lambda i: (0, 0)),
            pl.BlockSpec((1, D, D), lambda i: (i, 0, 0)),
            pl.BlockSpec((1, 1, D), lambda i: (i, 0, 0)),
        ],
        out_specs=pl.BlockSpec((1, RPAD, D), lambda i: (i, 0, 0)),
        out_shape=jax.ShapeDtypeStruct((3, RPAD, D), jnp.float32),
    )(rel_pad, w, b)



_CHUNKS = [(0, 128), (128, 128), (256, 128), (384, 128), (512, 120)]


def _sc_msg_body(p_hbm, q_hbm, src_hbm, rel_hbm, dst_hbm, acc_out,
                 src_v, rel_v, dst_v, rows_v, acc_sh, gsem):
    c = lax.axis_index("c")
    s = lax.axis_index("s")
    w = c * NS + s
    zv = jnp.zeros((16,), jnp.float32)

    def fill(r, carry):
        for j in range(D // 16):
            rows_v[r, pl.ds(j * 16, 16)] = zv
        return carry

    lax.fori_loop(0, K, fill, 0)

    row0 = s * RPS
    for t, n in _CHUNKS:
        pltpu.sync_copy(rows_v.at[pl.ds(0, n)], acc_sh.at[pl.ds(row0 + t, n)])
    plsc.subcore_barrier()

    base = w * ITERS

    def outer(g, carry):
        pltpu.sync_copy(src_hbm.at[pl.ds(base + g * G, G)], src_v)
        pltpu.sync_copy(rel_hbm.at[pl.ds(base + g * G, G)], rel_v)
        pltpu.sync_copy(dst_hbm.at[pl.ds(base + g * G, G)], dst_v)

        def step(j, carry2):
            pltpu.async_copy(p_hbm.at[src_v.at[j]], rows_v, gsem).wait()
            pltpu.sync_copy(rows_v, acc_sh.at[dst_v.at[j]], add=True)
            pltpu.async_copy(q_hbm.at[rel_v.at[j]], rows_v, gsem).wait()
            pltpu.sync_copy(rows_v, acc_sh.at[dst_v.at[j]], add=True)
            return carry2

        return lax.fori_loop(0, G, step, carry)

    lax.fori_loop(0, ITERS // G, outer, 0)
    plsc.subcore_barrier()

    out0 = c * N_ACC + row0
    for t, n in _CHUNKS:
        pltpu.sync_copy(acc_sh.at[pl.ds(row0 + t, n)], rows_v.at[pl.ds(0, n)])
        pltpu.sync_copy(rows_v.at[pl.ds(0, n)], acc_out.at[pl.ds(out0 + t, n)])


def _sc_deg_body(dst_hbm, deg_out, dst_v, ones_v, deg_sh, gsem):
    c = lax.axis_index("c")
    s = lax.axis_index("s")
    w = c * NS + s
    zv = jnp.zeros((16,), jnp.float32)
    ov = jnp.ones((16,), jnp.float32)

    def fill0(r, carry):
        for j in range(DEG_W // 16):
            ones_v[r, pl.ds(j * 16, 16)] = zv
        return carry

    lax.fori_loop(0, K, fill0, 0)
    row0 = s * RPS
    for t, n in _CHUNKS:
        pltpu.sync_copy(ones_v.at[pl.ds(0, n)], deg_sh.at[pl.ds(row0 + t, n)])

    def fill1(r, carry):
        for j in range(DEG_W // 16):
            ones_v[r, pl.ds(j * 16, 16)] = ov
        return carry

    lax.fori_loop(0, K, fill1, 0)
    plsc.subcore_barrier()

    base = w * ITERS

    def outer(g, carry):
        pltpu.sync_copy(dst_hbm.at[pl.ds(base + g * GD, GD)], dst_v)

        def step(j, carry2):
            pltpu.sync_copy(ones_v, deg_sh.at[dst_v.at[j]], add=True)
            return carry2

        return lax.fori_loop(0, GD, step, carry)

    lax.fori_loop(0, ITERS // GD, outer, 0)
    plsc.subcore_barrier()

    out0 = c * N_ACC + row0
    for t, n in _CHUNKS:
        pltpu.sync_copy(deg_sh.at[pl.ds(row0 + t, n)], ones_v.at[pl.ds(0, n)])
        pltpu.sync_copy(ones_v.at[pl.ds(0, n)], deg_out.at[pl.ds(out0 + t, n)])


def _sc_scatter(p_cat, q_cat, src_w, rel_w, dst_w):
    mesh = plsc.VectorSubcoreMesh(core_axis_name="c", subcore_axis_name="s",
                                  num_cores=NC, num_subcores=NS)
    msg_kern = functools.partial(
        pl.kernel,
        mesh=mesh,
        out_type=jax.ShapeDtypeStruct((NC * N_ACC, D), jnp.float32),
        scratch_types=[
            pltpu.VMEM((G, K), jnp.int32),
            pltpu.VMEM((G, K), jnp.int32),
            pltpu.VMEM((G, K), jnp.int32),
            pltpu.VMEM((K, D), jnp.float32),
            pltpu.VMEM_SHARED((N_ACC, D), jnp.float32),
            pltpu.SemaphoreType.DMA,
        ],
    )(_sc_msg_body)
    deg_kern = functools.partial(
        pl.kernel,
        mesh=mesh,
        out_type=jax.ShapeDtypeStruct((NC * N_ACC, DEG_W), jnp.float32),
        scratch_types=[
            pltpu.VMEM((GD, K), jnp.int32),
            pltpu.VMEM((K, DEG_W), jnp.float32),
            pltpu.VMEM_SHARED((N_ACC, DEG_W), jnp.float32),
            pltpu.SemaphoreType.DMA,
        ],
    )(_sc_deg_body)
    acc = msg_kern(p_cat, q_cat, src_w, rel_w, dst_w)
    deg = deg_kern(dst_w)
    return acc, deg



def _combine_body(h_ref, a0_ref, a1_ref, d0_ref, d1_ref, o_ref):
    d = d0_ref[:, 0:1] + d1_ref[:, 0:1]
    o_ref[...] = h_ref[...] + (a0_ref[...] + a1_ref[...]) / jnp.maximum(d, 1.0)


def _combine(h_self, acc0, acc1, deg0, deg1):
    blk = N // 10
    return pl.pallas_call(
        _combine_body,
        grid=(10,),
        in_specs=[
            pl.BlockSpec((blk, D), lambda j: (j, 0)),
            pl.BlockSpec((blk, D), lambda j: (j, 0)),
            pl.BlockSpec((blk, D), lambda j: (j, 0)),
            pl.BlockSpec((blk, DEG_W), lambda j: (j, 0)),
            pl.BlockSpec((blk, DEG_W), lambda j: (j, 0)),
        ],
        out_specs=pl.BlockSpec((blk, D), lambda j: (j, 0)),
        out_shape=jax.ShapeDtypeStruct((N, D), jnp.float32),
    )(h_self, acc0, acc1, deg0, deg1)



def kernel(ent_emb, rel_emb, src, dst, rel,
           W_I_e, b_I_e, W_I_r, b_I_r,
           W_O_e, b_O_e, W_O_r, b_O_r,
           W_S, b_S, W_R, b_R):
    ar = jnp.arange(E, dtype=jnp.int32)
    off_n = jnp.where(ar < HALF, 0, N).astype(jnp.int32)
    off_r = jnp.where(ar < HALF, 0, RPAD).astype(jnp.int32)
    pad = E_PAD - E
    arp = jnp.arange(pad, dtype=jnp.int32)
    src_adj = jnp.concatenate([src + off_n, arp % (2 * N)])
    rel_adj = jnp.concatenate([rel + off_r, arp % (2 * RPAD)])
    dst_pad = jnp.concatenate([dst, N + (arp % (N_ACC - N))])
    src_w = src_adj.reshape(ROWS, K)
    rel_w = rel_adj.reshape(ROWS, K)
    dst_w = dst_pad.reshape(ROWS, K)
    rel_pad_emb = jnp.pad(rel_emb, ((0, RPAD - R), (0, 0)))

    node_t = _node_tables(ent_emb, W_I_e, W_O_e, W_S, b_S)
    rel_t = _rel_tables(rel_pad_emb, W_I_r, W_O_r, W_R,
                        b_I_e, b_I_r, b_O_e, b_O_r, b_R)
    p_cat = node_t[:2].reshape(2 * N, D)
    h_self = node_t[2]
    q_cat = rel_t[:2].reshape(2 * RPAD, D)
    rel_new = rel_t[2, :R]

    acc, deg = _sc_scatter(p_cat, q_cat, src_w, rel_w, dst_w)

    acc0, acc1 = acc[:N], acc[N_ACC:N_ACC + N]
    deg0, deg1 = deg[:N], deg[N_ACC:N_ACC + N]
    h_new = _combine(h_self, acc0, acc1, deg0, deg1)
    return (h_new, rel_new)

# --- scband reference (transcript-rebuilt; emitter-appended) ---
"""Pipeline reference for scband-gnnlayer-601295421716 (READ-ONLY COPY).

The authoritative reference and input builder live on the scoring server;
editing this copy changes nothing except your own understanding.
"""

import jax, jax.numpy as jnp
import numpy as np

N = 10000
E = 320000
D = 128
R = 500


def _lin_init(key, din, dout):
    kw, kb = jax.random.split(key)
    W = jax.random.normal(kw, (din, dout), dtype=jnp.float32) * (1.0 / np.sqrt(din))
    b = jax.random.normal(kb, (dout,), dtype=jnp.float32) * 0.01
    return W, b


def setup_inputs(seed: int = 0) -> dict:
    key = jax.random.key(seed)
    ks = jax.random.split(key, 12)
    inp = {}
    inp['ent_emb'] = jax.random.normal(ks[0], (N, D), dtype=jnp.float32)
    inp['rel_emb'] = jax.random.normal(ks[1], (R, D), dtype=jnp.float32)
    inp['src'] = jax.random.randint(ks[2], (E,), 0, N, dtype=jnp.int32)
    inp['dst'] = jax.random.randint(ks[3], (E,), 0, N, dtype=jnp.int32)
    inp['rel'] = jax.random.randint(ks[4], (E,), 0, R, dtype=jnp.int32)
    inp['W_I_e'], inp['b_I_e'] = _lin_init(ks[5], D, D)
    inp['W_I_r'], inp['b_I_r'] = _lin_init(ks[6], D, D)
    inp['W_O_e'], inp['b_O_e'] = _lin_init(ks[7], D, D)
    inp['W_O_r'], inp['b_O_r'] = _lin_init(ks[8], D, D)
    inp['W_S'], inp['b_S'] = _lin_init(ks[9], D, D)
    inp['W_R'], inp['b_R'] = _lin_init(ks[10], D, D)
    return inp


def reference(ent_emb, rel_emb, src, dst, rel,
              W_I_e, b_I_e, W_I_r, b_I_r,
              W_O_e, b_O_e, W_O_r, b_O_r,
              W_S, b_S, W_R, b_R):
    # Edges are split: first half are non-inverse (W_I_* path),
    # second half are inverse (W_O_* path), mirroring non_inv_g / inv_g in DGL.
    half = E // 2
    src_n, src_i = src[:half], src[half:]
    rel_n, rel_i = rel[:half], rel[half:]
    # non-inverse messages: W_I_e(h_src) + W_I_r(h_rel)  (u_add_e)
    msg_n = (jnp.take(ent_emb, src_n, axis=0) @ W_I_e + b_I_e) + \
            (jnp.take(rel_emb, rel_n, axis=0) @ W_I_r + b_I_r)
    # inverse messages: W_O_e(h_src) + W_O_r(h_rel)
    msg_i = (jnp.take(ent_emb, src_i, axis=0) @ W_O_e + b_O_e) + \
            (jnp.take(rel_emb, rel_i, axis=0) @ W_O_r + b_O_r)
    msg = jnp.concatenate([msg_n, msg_i], axis=0)
    # update_all(copy_e, mean): mean over incoming edges by dst node
    agg_sum = jax.ops.segment_sum(msg, dst, num_segments=N)
    deg = jax.ops.segment_sum(jnp.ones((E,), dtype=jnp.float32), dst, num_segments=N)
    h_agg = agg_sum / jnp.maximum(deg, 1.0)[:, None]
    # apply_node_func with self_update=True, act=None, feat_drop=0 (eval)
    h_new = (ent_emb @ W_S + b_S) + h_agg
    # edge_update: rel_emb' = W_R(rel_emb), act=None
    rel_new = rel_emb @ W_R + b_R
    return (h_new, rel_new)

if __name__ == "__main__":
    import jax
    _d = setup_inputs()
    print(jax.jit(kernel)(*tuple(_d.values())))

</pallas_src>

<mosaic_0001>
#map = affine_map<(d0, d1) -> (0, 0)>
module attributes {stable_mosaic.version = 14 : i64} {
  func.func @_sc_msg_body(%arg0: i32, %arg1: i32, %arg2: memref<20000x128xf32, #tpu.memory_space<hbm>>, %arg3: memref<1024x128xf32, #tpu.memory_space<hbm>>, %arg4: memref<2560x128xi32, #tpu.memory_space<hbm>>, %arg5: memref<2560x128xi32, #tpu.memory_space<hbm>>, %arg6: memref<2560x128xi32, #tpu.memory_space<hbm>>, %arg7: memref<20224x128xf32, #tpu.memory_space<hbm>>, %arg8: memref<8x128xi32, #tpu.memory_space<vmem>>, %arg9: memref<8x128xi32, #tpu.memory_space<vmem>>, %arg10: memref<8x128xi32, #tpu.memory_space<vmem>>, %arg11: memref<128x128xf32, #tpu.memory_space<vmem>>, %arg12: memref<10112x128xf32, #tpu.memory_space<vmem_shared>>, %arg13: memref<!tpu.dma_semaphore, #tpu.memory_space<semaphore_mem>>) attributes {dimension_semantics = [#tpu.dimension_semantics<core_parallel>, #tpu.dimension_semantics<subcore_parallel>], iteration_bounds = array<i64: 2, 16>, scalar_prefetch = 0 : i64, scratch_operands = 6 : i64, tpu.core_type = #tpu.core_type<sc_vector_subcore>, window_params = [{transform_indices = #map}, {transform_indices = #map}, {transform_indices = #map}, {transform_indices = #map}, {transform_indices = #map}, {transform_indices = #map}]} {
    %mul3A = arith.constant 16 : i32
    %mul3A_0 = arith.muli %arg0, %mul3A : i32
    %add3A = arith.addi %mul3A_0, %arg1 : i32
    %broadcast_in_dim3A = arith.constant 0.000000e+00 : f32
    %broadcast_in_dim3A_1 = vector.broadcast %broadcast_in_dim3A : f32 to vector<16xf32>
    %scan3A = arith.constant 0 : i32
    %scan3A_2 = arith.constant 0 : i32
    %scan3A_3 = arith.constant 128 : i32
    %scan3A_4 = arith.addi %scan3A_2, %scan3A_3 : i32
    %scan3A_5 = arith.constant 1 : i32
    scf.for %scan3A_51 = %scan3A_2 to %scan3A_4 step %scan3A_5  : i32 {
      %swap3A = arith.index_cast %scan3A_51 : i32 to index
      %swap3A_52 = arith.constant 0 : index
      %swap3A_53 = tpu.vector_load %arg11[%swap3A, %swap3A_52] {strides = array<i32>} : memref<128x128xf32, #tpu.memory_space<vmem>>, vector<1x16xf32>,
      %swap3A_54 = vector.shape_cast %swap3A_53 : vector<1x16xf32> to vector<16xf32>
      %swap3A_55 = vector.shape_cast %broadcast_in_dim3A_1 : vector<16xf32> to vector<1x16xf32>
      tpu.vector_store %arg11[%swap3A, %swap3A_52], %swap3A_55 {strides = array<i32>} : memref<128x128xf32, #tpu.memory_space<vmem>>, vector<1x16xf32>,
      %swap3A_56 = arith.index_cast %scan3A_51 : i32 to index
      %swap3A_57 = arith.constant 16 : index
      %swap3A_58 = tpu.vector_load %arg11[%swap3A_56, %swap3A_57] {strides = array<i32>} : memref<128x128xf32, #tpu.memory_space<vmem>>, vector<1x16xf32>,
      %swap3A_59 = vector.shape_cast %swap3A_58 : vector<1x16xf32> to vector<16xf32>
      %swap3A_60 = vector.shape_cast %broadcast_in_dim3A_1 : vector<16xf32> to vector<1x16xf32>
      tpu.vector_store %arg11[%swap3A_56, %swap3A_57], %swap3A_60 {strides = array<i32>} : memref<128x128xf32, #tpu.memory_space<vmem>>, vector<1x16xf32>,
      %swap3A_61 = arith.index_cast %scan3A_51 : i32 to index
      %swap3A_62 = arith.constant 32 : index
      %swap3A_63 = tpu.vector_load %arg11[%swap3A_61, %swap3A_62] {strides = array<i32>} : memref<128x128xf32, #tpu.memory_space<vmem>>, vector<1x16xf32>,
      %swap3A_64 = vector.shape_cast %swap3A_63 : vector<1x16xf32> to vector<16xf32>
      %swap3A_65 = vector.shape_cast %broadcast_in_dim3A_1 : vector<16xf32> to vector<1x16xf32>
      tpu.vector_store %arg11[%swap3A_61, %swap3A_62], %swap3A_65 {strides = array<i32>} : memref<128x128xf32, #tpu.memory_space<vmem>>, vector<1x16xf32>,
      %swap3A_66 = arith.index_cast %scan3A_51 : i32 to index
      %swap3A_67 = arith.constant 48 : index
      %swap3A_68 = tpu.vector_load %arg11[%swap3A_66, %swap3A_67] {strides = array<i32>} : memref<128x128xf32, #tpu.memory_space<vmem>>, vector<1x16xf32>,
      %swap3A_69 = vector.shape_cast %swap3A_68 : vector<1x16xf32> to vector<16xf32>
      %swap3A_70 = vector.shape_cast %broadcast_in_dim3A_1 : vector<16xf32> to vector<1x16xf32>
      tpu.vector_store %arg11[%swap3A_66, %swap3A_67], %swap3A_70 {strides = array<i32>} : memref<128x128xf32, #tpu.memory_space<vmem>>, vector<1x16xf32>,
      %swap3A_71 = arith.index_cast %scan3A_51 : i32 to index
      %swap3A_72 = arith.constant 64 : index
      %swap3A_73 = tpu.vector_load %arg11[%swap3A_71, %swap3A_72] {strides = array<i32>} : memref<128x128xf32, #tpu.memory_space<vmem>>, vector<1x16xf32>,
      %swap3A_74 = vector.shape_cast %swap3A_73 : vector<1x16xf32> to vector<16xf32>
      %swap3A_75 = vector.shape_cast %broadcast_in_dim3A_1 : vector<16xf32> to vector<1x16xf32>
      tpu.vector_store %arg11[%swap3A_71, %swap3A_72], %swap3A_75 {strides = array<i32>} : memref<128x128xf32, #tpu.memory_space<vmem>>, vector<1x16xf32>,
      %swap3A_76 = arith.index_cast %scan3A_51 : i32 to index
      %swap3A_77 = arith.constant 80 : index
      %swap3A_78 = tpu.vector_load %arg11[%swap3A_76, %swap3A_77] {strides = array<i32>} : memref<128x128xf32, #tpu.memory_space<vmem>>, vector<1x16xf32>,
      %swap3A_79 = vector.shape_cast %swap3A_78 : vector<1x16xf32> to vector<16xf32>
      %swap3A_80 = vector.shape_cast %broadcast_in_dim3A_1 : vector<16xf32> to vector<1x16xf32>
      tpu.vector_store %arg11[%swap3A_76, %swap3A_77], %swap3A_80 {strides = array<i32>} : memref<128x128xf32, #tpu.memory_space<vmem>>, vector<1x16xf32>,
      %swap3A_81 = arith.index_cast %scan3A_51 : i32 to index
      %swap3A_82 = arith.constant 96 : index
      %swap3A_83 = tpu.vector_load %arg11[%swap3A_81, %swap3A_82] {strides = array<i32>} : memref<128x128xf32, #tpu.memory_space<vmem>>, vector<1x16xf32>,
      %swap3A_84 = vector.shape_cast %swap3A_83 : vector<1x16xf32> to vector<16xf32>
      %swap3A_85 = vector.shape_cast %broadcast_in_dim3A_1 : vector<16xf32> to vector<1x16xf32>
      tpu.vector_store %arg11[%swap3A_81, %swap3A_82], %swap3A_85 {strides = array<i32>} : memref<128x128xf32, #tpu.memory_space<vmem>>, vector<1x16xf32>,
      %swap3A_86 = arith.index_cast %scan3A_51 : i32 to index
      %swap3A_87 = arith.constant 112 : index
      %swap3A_88 = tpu.vector_load %arg11[%swap3A_86, %swap3A_87] {strides = array<i32>} : memref<128x128xf32, #tpu.memory_space<vmem>>, vector<1x16xf32>,
      %swap3A_89 = vector.shape_cast %swap3A_88 : vector<1x16xf32> to vector<16xf32>
      %swap3A_90 = vector.shape_cast %broadcast_in_dim3A_1 : vector<16xf32> to vector<1x16xf32>
      tpu.vector_store %arg11[%swap3A_86, %swap3A_87], %swap3A_90 {strides = array<i32>} : memref<128x128xf32, #tpu.memory_space<vmem>>, vector<1x16xf32>,
    }
    %scan3A_6 = arith.constant 128 : i32
    %mul3A_7 = arith.constant 632 : i32
    %mul3A_8 = arith.muli %arg1, %mul3A_7 : i32
    %add3A_9 = arith.constant 0 : i32
    %add3A_10 = arith.addi %mul3A_8, %add3A_9 : i32
    "tpu.region"() ({
      %run_scoped3A = tpu.sem_alloc : memref<!tpu.dma_semaphore, #tpu.memory_space<semaphore_mem>>
      %dma_start3A = arith.constant 0 : i32
      %dma_start3A_51 = arith.constant 0 : i32
      %dma_start3A_52 = tpu.memref_slice %arg11[%dma_start3A, %dma_start3A_51] : memref<128x128xf32, #tpu.memory_space<vmem>> -> memref<128x128xf32, #tpu.memory_space<vmem>>
      %dma_start3A_53 = arith.constant 0 : i32
      %dma_start3A_54 = tpu.memref_slice %arg12[%add3A_10, %dma_start3A_53] : memref<10112x128xf32, #tpu.memory_space<vmem_shared>> -> memref<128x128xf32, #tpu.memory_space<vmem_shared>>
      %dma_start3A_55 = arith.constant 0 : i32
      %dma_start3A_56 = tpu.memref_slice %arg12[%add3A_10, %dma_start3A_55] : memref<10112x128xf32, #tpu.memory_space<vmem_shared>> -> memref<128x128xf32, #tpu.memory_space<vmem_shared>>
      %dma_start3A_57 = arith.constant 0 : i32
      %dma_start3A_58 = arith.constant 0 : i32
      %dma_start3A_59 = tpu.memref_slice %arg11[%dma_start3A_57, %dma_start3A_58] : memref<128x128xf32, #tpu.memory_space<vmem>> -> memref<128x128xf32, #tpu.memory_space<vmem>>
      tpu.enqueue_dma source(%dma_start3A_59 : memref<128x128xf32, #tpu.memory_space<vmem>>) target(%dma_start3A_56 : memref<128x128xf32, #tpu.memory_space<vmem_shared>>) target_semaphore(%run_scoped3A : memref<!tpu.dma_semaphore, #tpu.memory_space<semaphore_mem>>)
      %dma_wait3A = arith.constant 0 : i32
      %dma_wait3A_60 = arith.constant 0 : i32
      %dma_wait3A_61 = tpu.memref_slice %arg11[%dma_wait3A, %dma_wait3A_60] : memref<128x128xf32, #tpu.memory_space<vmem>> -> memref<128x128xf32, #tpu.memory_space<vmem>>
      %dma_wait3A_62 = arith.constant 0 : i32
      %dma_wait3A_63 = tpu.memref_slice %arg12[%add3A_10, %dma_wait3A_62] : memref<10112x128xf32, #tpu.memory_space<vmem_shared>> -> memref<128x128xf32, #tpu.memory_space<vmem_shared>>
      %dma_wait3A_64 = arith.constant 0 : i32
      %dma_wait3A_65 = tpu.memref_slice %arg12[%add3A_10, %dma_wait3A_64] : memref<10112x128xf32, #tpu.memory_space<vmem_shared>> -> memref<128x128xf32, #tpu.memory_space<vmem_shared>>
      %dma_wait3A_66 = arith.constant 0 : i32
      %dma_wait3A_67 = arith.constant 0 : i32
      %dma_wait3A_68 = tpu.memref_slice %arg11[%dma_wait3A_66, %dma_wait3A_67] : memref<128x128xf32, #tpu.memory_space<vmem>> -> memref<128x128xf32, #tpu.memory_space<vmem>>
      tpu.wait_dma2 semaphore(%run_scoped3A : memref<!tpu.dma_semaphore, #tpu.memory_space<semaphore_mem>>) src(%dma_wait3A_68 : memref<128x128xf32, #tpu.memory_space<vmem>>) dst(%dma_wait3A_65 : memref<128x128xf32, #tpu.memory_space<vmem_shared>>)
      tpu.yield
    }) : () -> ()
    %add3A_11 = arith.constant 128 : i32
    %add3A_12 = arith.addi %mul3A_8, %add3A_11 : i32
    "tpu.region"() ({
      %run_scoped3A = tpu.sem_alloc : memref<!tpu.dma_semaphore, #tpu.memory_space<semaphore_mem>>
      %dma_start3A = arith.constant 0 : i32
      %dma_start3A_51 = arith.constant 0 : i32
      %dma_start3A_52 = tpu.memref_slice %arg11[%dma_start3A, %dma_start3A_51] : memref<128x128xf32, #tpu.memory_space<vmem>> -> memref<128x128xf32, #tpu.memory_space<vmem>>
      %dma_start3A_53 = arith.constant 0 : i32
      %dma_start3A_54 = tpu.memref_slice %arg12[%add3A_12, %dma_start3A_53] : memref<10112x128xf32, #tpu.memory_space<vmem_shared>> -> memref<128x128xf32, #tpu.memory_space<vmem_shared>>
      %dma_start3A_55 = arith.constant 0 : i32
      %dma_start3A_56 = tpu.memref_slice %arg12[%add3A_12, %dma_start3A_55] : memref<10112x128xf32, #tpu.memory_space<vmem_shared>> -> memref<128x128xf32, #tpu.memory_space<vmem_shared>>
      %dma_start3A_57 = arith.constant 0 : i32
      %dma_start3A_58 = arith.constant 0 : i32
      %dma_start3A_59 = tpu.memref_slice %arg11[%dma_start3A_57, %dma_start3A_58] : memref<128x128xf32, #tpu.memory_space<vmem>> -> memref<128x128xf32, #tpu.memory_space<vmem>>
      tpu.enqueue_dma source(%dma_start3A_59 : memref<128x128xf32, #tpu.memory_space<vmem>>) target(%dma_start3A_56 : memref<128x128xf32, #tpu.memory_space<vmem_shared>>) target_semaphore(%run_scoped3A : memref<!tpu.dma_semaphore, #tpu.memory_space<semaphore_mem>>)
      %dma_wait3A = arith.constant 0 : i32
      %dma_wait3A_60 = arith.constant 0 : i32
      %dma_wait3A_61 = tpu.memref_slice %arg11[%dma_wait3A, %dma_wait3A_60] : memref<128x128xf32, #tpu.memory_space<vmem>> -> memref<128x128xf32, #tpu.memory_space<vmem>>
      %dma_wait3A_62 = arith.constant 0 : i32
      %dma_wait3A_63 = tpu.memref_slice %arg12[%add3A_12, %dma_wait3A_62] : memref<10112x128xf32, #tpu.memory_space<vmem_shared>> -> memref<128x128xf32, #tpu.memory_space<vmem_shared>>
      %dma_wait3A_64 = arith.constant 0 : i32
      %dma_wait3A_65 = tpu.memref_slice %arg12[%add3A_12, %dma_wait3A_64] : memref<10112x128xf32, #tpu.memory_space<vmem_shared>> -> memref<128x128xf32, #tpu.memory_space<vmem_shared>>
      %dma_wait3A_66 = arith.constant 0 : i32
      %dma_wait3A_67 = arith.constant 0 : i32
      %dma_wait3A_68 = tpu.memref_slice %arg11[%dma_wait3A_66, %dma_wait3A_67] : memref<128x128xf32, #tpu.memory_space<vmem>> -> memref<128x128xf32, #tpu.memory_space<vmem>>
      tpu.wait_dma2 semaphore(%run_scoped3A : memref<!tpu.dma_semaphore, #tpu.memory_space<semaphore_mem>>) src(%dma_wait3A_68 : memref<128x128xf32, #tpu.memory_space<vmem>>) dst(%dma_wait3A_65 : memref<128x128xf32, #tpu.memory_space<vmem_shared>>)
      tpu.yield
    }) : () -> ()
    %add3A_13 = arith.constant 256 : i32
    %add3A_14 = arith.addi %mul3A_8, %add3A_13 : i32
    "tpu.region"() ({
      %run_scoped3A = tpu.sem_alloc : memref<!tpu.dma_semaphore, #tpu.memory_space<semaphore_mem>>
      %dma_start3A = arith.constant 0 : i32
      %dma_start3A_51 = arith.constant 0 : i32
      %dma_start3A_52 = tpu.memref_slice %arg11[%dma_start3A, %dma_start3A_51] : memref<128x128xf32, #tpu.memory_space<vmem>> -> memref<128x128xf32, #tpu.memory_space<vmem>>
      %dma_start3A_53 = arith.constant 0 : i32
      %dma_start3A_54 = tpu.memref_slice %arg12[%add3A_14, %dma_start3A_53] : memref<10112x128xf32, #tpu.memory_space<vmem_shared>> -> memref<128x128xf32, #tpu.memory_space<vmem_shared>>
      %dma_start3A_55 = arith.constant 0 : i32
      %dma_start3A_56 = tpu.memref_slice %arg12[%add3A_14, %dma_start3A_55] : memref<10112x128xf32, #tpu.memory_space<vmem_shared>> -> memref<128x128xf32, #tpu.memory_space<vmem_shared>>
      %dma_start3A_57 = arith.constant 0 : i32
      %dma_start3A_58 = arith.constant 0 : i32
      %dma_start3A_59 = tpu.memref_slice %arg11[%dma_start3A_57, %dma_start3A_58] : memref<128x128xf32, #tpu.memory_space<vmem>> -> memref<128x128xf32, #tpu.memory_space<vmem>>
      tpu.enqueue_dma source(%dma_start3A_59 : memref<128x128xf32, #tpu.memory_space<vmem>>) target(%dma_start3A_56 : memref<128x128xf32, #tpu.memory_space<vmem_shared>>) target_semaphore(%run_scoped3A : memref<!tpu.dma_semaphore, #tpu.memory_space<semaphore_mem>>)
      %dma_wait3A = arith.constant 0 : i32
      %dma_wait3A_60 = arith.constant 0 : i32
      %dma_wait3A_61 = tpu.memref_slice %arg11[%dma_wait3A, %dma_wait3A_60] : memref<128x128xf32, #tpu.memory_space<vmem>> -> memref<128x128xf32, #tpu.memory_space<vmem>>
      %dma_wait3A_62 = arith.constant 0 : i32
      %dma_wait3A_63 = tpu.memref_slice %arg12[%add3A_14, %dma_wait3A_62] : memref<10112x128xf32, #tpu.memory_space<vmem_shared>> -> memref<128x128xf32, #tpu.memory_space<vmem_shared>>
      %dma_wait3A_64 = arith.constant 0 : i32
      %dma_wait3A_65 = tpu.memref_slice %arg12[%add3A_14, %dma_wait3A_64] : memref<10112x128xf32, #tpu.memory_space<vmem_shared>> -> memref<128x128xf32, #tpu.memory_space<vmem_shared>>
      %dma_wait3A_66 = arith.constant 0 : i32
      %dma_wait3A_67 = arith.constant 0 : i32
      %dma_wait3A_68 = tpu.memref_slice %arg11[%dma_wait3A_66, %dma_wait3A_67] : memref<128x128xf32, #tpu.memory_space<vmem>> -> memref<128x128xf32, #tpu.memory_space<vmem>>
      tpu.wait_dma2 semaphore(%run_scoped3A : memref<!tpu.dma_semaphore, #tpu.memory_space<semaphore_mem>>) src(%dma_wait3A_68 : memref<128x128xf32, #tpu.memory_space<vmem>>) dst(%dma_wait3A_65 : memref<128x128xf32, #tpu.memory_space<vmem_shared>>)
      tpu.yield
    }) : () -> ()
    %add3A_15 = arith.constant 384 : i32
    %add3A_16 = arith.addi %mul3A_8, %add3A_15 : i32
    "tpu.region"() ({
      %run_scoped3A = tpu.sem_alloc : memref<!tpu.dma_semaphore, #tpu.memory_space<semaphore_mem>>
      %dma_start3A = arith.constant 0 : i32
      %dma_start3A_51 = arith.constant 0 : i32
      %dma_start3A_52 = tpu.memref_slice %arg11[%dma_start3A, %dma_start3A_51] : memref<128x128xf32, #tpu.memory_space<vmem>> -> memref<128x128xf32, #tpu.memory_space<vmem>>
      %dma_start3A_53 = arith.constant 0 : i32
      %dma_start3A_54 = tpu.memref_slice %arg12[%add3A_16, %dma_start3A_53] : memref<10112x128xf32, #tpu.memory_space<vmem_shared>> -> memref<128x128xf32, #tpu.memory_space<vmem_shared>>
      %dma_start3A_55 = arith.constant 0 : i32
      %dma_start3A_56 = tpu.memref_slice %arg12[%add3A_16, %dma_start3A_55] : memref<10112x128xf32, #tpu.memory_space<vmem_shared>> -> memref<128x128xf32, #tpu.memory_space<vmem_shared>>
      %dma_start3A_57 = arith.constant 0 : i32
      %dma_start3A_58 = arith.constant 0 : i32
      %dma_start3A_59 = tpu.memref_slice %arg11[%dma_start3A_57, %dma_start3A_58] : memref<128x128xf32, #tpu.memory_space<vmem>> -> memref<128x128xf32, #tpu.memory_space<vmem>>
      tpu.enqueue_dma source(%dma_start3A_59 : memref<128x128xf32, #tpu.memory_space<vmem>>) target(%dma_start3A_56 : memref<128x128xf32, #tpu.memory_space<vmem_shared>>) target_semaphore(%run_scoped3A : memref<!tpu.dma_semaphore, #tpu.memory_space<semaphore_mem>>)
      %dma_wait3A = arith.constant 0 : i32
      %dma_wait3A_60 = arith.constant 0 : i32
      %dma_wait3A_61 = tpu.memref_slice %arg11[%dma_wait3A, %dma_wait3A_60] : memref<128x128xf32, #tpu.memory_space<vmem>> -> memref<128x128xf32, #tpu.memory_space<vmem>>
      %dma_wait3A_62 = arith.constant 0 : i32
      %dma_wait3A_63 = tpu.memref_slice %arg12[%add3A_16, %dma_wait3A_62] : memref<10112x128xf32, #tpu.memory_space<vmem_shared>> -> memref<128x128xf32, #tpu.memory_space<vmem_shared>>
      %dma_wait3A_64 = arith.constant 0 : i32
      %dma_wait3A_65 = tpu.memref_slice %arg12[%add3A_16, %dma_wait3A_64] : memref<10112x128xf32, #tpu.memory_space<vmem_shared>> -> memref<128x128xf32, #tpu.memory_space<vmem_shared>>
      %dma_wait3A_66 = arith.constant 0 : i32
      %dma_wait3A_67 = arith.constant 0 : i32
      %dma_wait3A_68 = tpu.memref_slice %arg11[%dma_wait3A_66, %dma_wait3A_67] : memref<128x128xf32, #tpu.memory_space<vmem>> -> memref<128x128xf32, #tpu.memory_space<vmem>>
      tpu.wait_dma2 semaphore(%run_scoped3A : memref<!tpu.dma_semaphore, #tpu.memory_space<semaphore_mem>>) src(%dma_wait3A_68 : memref<128x128xf32, #tpu.memory_space<vmem>>) dst(%dma_wait3A_65 : memref<128x128xf32, #tpu.memory_space<vmem_shared>>)
      tpu.yield
    }) : () -> ()
    %add3A_17 = arith.constant 512 : i32
    %add3A_18 = arith.addi %mul3A_8, %add3A_17 : i32
    "tpu.region"() ({
      %run_scoped3A = tpu.sem_alloc : memref<!tpu.dma_semaphore, #tpu.memory_space<semaphore_mem>>
      %dma_start3A = arith.constant 0 : i32
      %dma_start3A_51 = arith.constant 0 : i32
      %dma_start3A_52 = tpu.memref_slice %arg11[%dma_start3A, %dma_start3A_51] : memref<128x128xf32, #tpu.memory_space<vmem>> -> memref<120x128xf32, #tpu.memory_space<vmem>>
      %dma_start3A_53 = arith.constant 0 : i32
      %dma_start3A_54 = tpu.memref_slice %arg12[%add3A_18, %dma_start3A_53] : memref<10112x128xf32, #tpu.memory_space<vmem_shared>> -> memref<120x128xf32, #tpu.memory_space<vmem_shared>>
      %dma_start3A_55 = arith.constant 0 : i32
      %dma_start3A_56 = tpu.memref_slice %arg12[%add3A_18, %dma_start3A_55] : memref<10112x128xf32, #tpu.memory_space<vmem_shared>> -> memref<120x128xf32, #tpu.memory_space<vmem_shared>>
      %dma_start3A_57 = arith.constant 0 : i32
      %dma_start3A_58 = arith.constant 0 : i32
      %dma_start3A_59 = tpu.memref_slice %arg11[%dma_start3A_57, %dma_start3A_58] : memref<128x128xf32, #tpu.memory_space<vmem>> -> memref<120x128xf32, #tpu.memory_space<vmem>>
      tpu.enqueue_dma source(%dma_start3A_59 : memref<120x128xf32, #tpu.memory_space<vmem>>) target(%dma_start3A_56 : memref<120x128xf32, #tpu.memory_space<vmem_shared>>) target_semaphore(%run_scoped3A : memref<!tpu.dma_semaphore, #tpu.memory_space<semaphore_mem>>)
      %dma_wait3A = arith.constant 0 : i32
      %dma_wait3A_60 = arith.constant 0 : i32
      %dma_wait3A_61 = tpu.memref_slice %arg11[%dma_wait3A, %dma_wait3A_60] : memref<128x128xf32, #tpu.memory_space<vmem>> -> memref<120x128xf32, #tpu.memory_space<vmem>>
      %dma_wait3A_62 = arith.constant 0 : i32
      %dma_wait3A_63 = tpu.memref_slice %arg12[%add3A_18, %dma_wait3A_62] : memref<10112x128xf32, #tpu.memory_space<vmem_shared>> -> memref<120x128xf32, #tpu.memory_space<vmem_shared>>
      %dma_wait3A_64 = arith.constant 0 : i32
      %dma_wait3A_65 = tpu.memref_slice %arg12[%add3A_18, %dma_wait3A_64] : memref<10112x128xf32, #tpu.memory_space<vmem_shared>> -> memref<120x128xf32, #tpu.memory_space<vmem_shared>>
      %dma_wait3A_66 = arith.constant 0 : i32
      %dma_wait3A_67 = arith.constant 0 : i32
      %dma_wait3A_68 = tpu.memref_slice %arg11[%dma_wait3A_66, %dma_wait3A_67] : memref<128x128xf32, #tpu.memory_space<vmem>> -> memref<120x128xf32, #tpu.memory_space<vmem>>
      tpu.wait_dma2 semaphore(%run_scoped3A : memref<!tpu.dma_semaphore, #tpu.memory_space<semaphore_mem>>) src(%dma_wait3A_68 : memref<120x128xf32, #tpu.memory_space<vmem>>) dst(%dma_wait3A_65 : memref<120x128xf32, #tpu.memory_space<vmem_shared>>)
      tpu.yield
    }) : () -> ()
    %barrier3A = arith.constant 0 : index
    tpu.barrier barrier_id(%barrier3A)
    %mul3A_19 = arith.constant 80 : i32
    %mul3A_20 = arith.muli %add3A, %mul3A_19 : i32
    %scan3A_21 = arith.constant 0 : i32
    %scan3A_22 = arith.constant 0 : i32
    %scan3A_23 = arith.constant 10 : i32
    %scan3A_24 = arith.addi %scan3A_22, %scan3A_23 : i32
    %scan3A_25 = arith.constant 1 : i32
    scf.for %scan3A_51 = %scan3A_22 to %scan3A_24 step %scan3A_25  : i32 {
      %mul3A_52 = arith.constant 8 : i32
      %mul3A_53 = arith.muli %scan3A_51, %mul3A_52 : i32
      %add3A_54 = arith.addi %mul3A_20, %mul3A_53 : i32
      "tpu.region"() ({
        %run_scoped3A = tpu.sem_alloc : memref<!tpu.dma_semaphore, #tpu.memory_space<semaphore_mem>>
        %dma_start3A = arith.constant 0 : i32
        %dma_start3A_66 = tpu.memref_slice %arg4[%add3A_54, %dma_start3A] : memref<2560x128xi32, #tpu.memory_space<hbm>> -> memref<8x128xi32, #tpu.memory_space<hbm>>
        %dma_start3A_67 = arith.constant 0 : i32
        %dma_start3A_68 = tpu.memref_slice %arg4[%add3A_54, %dma_start3A_67] : memref<2560x128xi32, #tpu.memory_space<hbm>> -> memref<8x128xi32, #tpu.memory_space<hbm>>
        tpu.enqueue_dma source(%dma_start3A_68 : memref<8x128xi32, #tpu.memory_space<hbm>>) target(%arg8 : memref<8x128xi32, #tpu.memory_space<vmem>>) target_semaphore(%run_scoped3A : memref<!tpu.dma_semaphore, #tpu.memory_space<semaphore_mem>>)
        %dma_wait3A = arith.constant 0 : i32
        %dma_wait3A_69 = tpu.memref_slice %arg4[%add3A_54, %dma_wait3A] : memref<2560x128xi32, #tpu.memory_space<hbm>> -> memref<8x128xi32, #tpu.memory_space<hbm>>
        %dma_wait3A_70 = arith.constant 0 : i32
        %dma_wait3A_71 = tpu.memref_slice %arg4[%add3A_54, %dma_wait3A_70] : memref<2560x128xi32, #tpu.memory_space<hbm>> -> memref<8x128xi32, #tpu.memory_space<hbm>>
        tpu.wait_dma2 semaphore(%run_scoped3A : memref<!tpu.dma_semaphore, #tpu.memory_space<semaphore_mem>>) src(%dma_wait3A_71 : memref<8x128xi32, #tpu.memory_space<hbm>>) dst(%arg8 : memref<8x128xi32, #tpu.memory_space<vmem>>)
        tpu.yield
      }) : () -> ()
      %mul3A_55 = arith.constant 8 : i32
      %mul3A_56 = arith.muli %scan3A_51, %mul3A_55 : i32
      %add3A_57 = arith.addi %mul3A_20, %mul3A_56 : i32
      "tpu.region"() ({
        %run_scoped3A = tpu.sem_alloc : memref<!tpu.dma_semaphore, #tpu.memory_space<semaphore_mem>>
        %dma_start3A = arith.constant 0 : i32
        %dma_start3A_66 = tpu.memref_slice %arg5[%add3A_57, %dma_start3A] : memref<2560x128xi32, #tpu.memory_space<hbm>> -> memref<8x128xi32, #tpu.memory_space<hbm>>
        %dma_start3A_67 = arith.constant 0 : i32
        %dma_start3A_68 = tpu.memref_slice %arg5[%add3A_57, %dma_start3A_67] : memref<2560x128xi32, #tpu.memory_space<hbm>> -> memref<8x128xi32, #tpu.memory_space<hbm>>
        tpu.enqueue_dma source(%dma_start3A_68 : memref<8x128xi32, #tpu.memory_space<hbm>>) target(%arg9 : memref<8x128xi32, #tpu.memory_space<vmem>>) target_semaphore(%run_scoped3A : memref<!tpu.dma_semaphore, #tpu.memory_space<semaphore_mem>>)
        %dma_wait3A = arith.constant 0 : i32
        %dma_wait3A_69 = tpu.memref_slice %arg5[%add3A_57, %dma_wait3A] : memref<2560x128xi32, #tpu.memory_space<hbm>> -> memref<8x128xi32, #tpu.memory_space<hbm>>
        %dma_wait3A_70 = arith.constant 0 : i32
        %dma_wait3A_71 = tpu.memref_slice %arg5[%add3A_57, %dma_wait3A_70] : memref<2560x128xi32, #tpu.memory_space<hbm>> -> memref<8x128xi32, #tpu.memory_space<hbm>>
        tpu.wait_dma2 semaphore(%run_scoped3A : memref<!tpu.dma_semaphore, #tpu.memory_space<semaphore_mem>>) src(%dma_wait3A_71 : memref<8x128xi32, #tpu.memory_space<hbm>>) dst(%arg9 : memref<8x128xi32, #tpu.memory_space<vmem>>)
        tpu.yield
      }) : () -> ()
      %mul3A_58 = arith.constant 8 : i32
      %mul3A_59 = arith.muli %scan3A_51, %mul3A_58 : i32
      %add3A_60 = arith.addi %mul3A_20, %mul3A_59 : i32
      "tpu.region"() ({
        %run_scoped3A = tpu.sem_alloc : memref<!tpu.dma_semaphore, #tpu.memory_space<semaphore_mem>>
        %dma_start3A = arith.constant 0 : i32
        %dma_start3A_66 = tpu.memref_slice %arg6[%add3A_60, %dma_start3A] : memref<2560x128xi32, #tpu.memory_space<hbm>> -> memref<8x128xi32, #tpu.memory_space<hbm>>
        %dma_start3A_67 = arith.constant 0 : i32
        %dma_start3A_68 = tpu.memref_slice %arg6[%add3A_60, %dma_start3A_67] : memref<2560x128xi32, #tpu.memory_space<hbm>> -> memref<8x128xi32, #tpu.memory_space<hbm>>
        tpu.enqueue_dma source(%dma_start3A_68 : memref<8x128xi32, #tpu.memory_space<hbm>>) target(%arg10 : memref<8x128xi32, #tpu.memory_space<vmem>>) target_semaphore(%run_scoped3A : memref<!tpu.dma_semaphore, #tpu.memory_space<semaphore_mem>>)
        %dma_wait3A = arith.constant 0 : i32
        %dma_wait3A_69 = tpu.memref_slice %arg6[%add3A_60, %dma_wait3A] : memref<2560x128xi32, #tpu.memory_space<hbm>> -> memref<8x128xi32, #tpu.memory_space<hbm>>
        %dma_wait3A_70 = arith.constant 0 : i32
        %dma_wait3A_71 = tpu.memref_slice %arg6[%add3A_60, %dma_wait3A_70] : memref<2560x128xi32, #tpu.memory_space<hbm>> -> memref<8x128xi32, #tpu.memory_space<hbm>>
        tpu.wait_dma2 semaphore(%run_scoped3A : memref<!tpu.dma_semaphore, #tpu.memory_space<semaphore_mem>>) src(%dma_wait3A_71 : memref<8x128xi32, #tpu.memory_space<hbm>>) dst(%arg10 : memref<8x128xi32, #tpu.memory_space<vmem>>)
        tpu.yield
      }) : () -> ()
      %scan3A_61 = arith.constant 0 : i32
      %scan3A_62 = arith.constant 8 : i32
      %scan3A_63 = arith.addi %scan3A_61, %scan3A_62 : i32
      %scan3A_64 = arith.constant 1 : i32
      scf.for %scan3A_66 = %scan3A_61 to %scan3A_63 step %scan3A_64  : i32 {
        %dma_start3A = arith.constant 0 : i32
        %dma_start3A_67 = tpu.memref_slice %arg8[%scan3A_66, %dma_start3A] : memref<8x128xi32, #tpu.memory_space<vmem>> -> memref<1x128xi32, #tpu.memory_space<vmem>>
        %dma_start3A_68 = tpu.memref_squeeze %dma_start3A_67 : memref<1x128xi32, #tpu.memory_space<vmem>> -> memref<128xi32, #tpu.memory_space<vmem>>
        %dma_start3A_69 = arith.constant 0 : i32
        %dma_start3A_70 = arith.constant 0 : i32
        %dma_start3A_71 = tpu.memref_slice %arg2[%dma_start3A_69, %dma_start3A_70] : memref<20000x128xf32, #tpu.memory_space<hbm>> -> memref<20000x128xf32, #tpu.memory_space<hbm>>
        tpu.enqueue_indirect_dma source(%dma_start3A_71 : memref<20000x128xf32, #tpu.memory_space<hbm>>) target(%arg11 : memref<128x128xf32, #tpu.memory_space<vmem>>) offsets(%dma_start3A_68 : memref<128xi32, #tpu.memory_space<vmem>>) semaphore(%arg13 : memref<!tpu.dma_semaphore, #tpu.memory_space<semaphore_mem>>)
        %dma_wait3A = arith.constant 0 : i32
        %dma_wait3A_72 = tpu.memref_slice %arg8[%scan3A_66, %dma_wait3A] : memref<8x128xi32, #tpu.memory_space<vmem>> -> memref<1x128xi32, #tpu.memory_space<vmem>>
        %dma_wait3A_73 = tpu.memref_squeeze %dma_wait3A_72 : memref<1x128xi32, #tpu.memory_space<vmem>> -> memref<128xi32, #tpu.memory_space<vmem>>
        %dma_wait3A_74 = arith.constant 0 : i32
        %dma_wait3A_75 = arith.constant 0 : i32
        %dma_wait3A_76 = tpu.memref_slice %arg2[%dma_wait3A_74, %dma_wait3A_75] : memref<20000x128xf32, #tpu.memory_space<hbm>> -> memref<20000x128xf32, #tpu.memory_space<hbm>>
        tpu.wait_indirect_dma semaphore(%arg13 : memref<!tpu.dma_semaphore, #tpu.memory_space<semaphore_mem>>) src(%dma_wait3A_76 : memref<20000x128xf32, #tpu.memory_space<hbm>>) dst(%arg11 : memref<128x128xf32, #tpu.memory_space<vmem>>)
        "tpu.region"() ({
          %run_scoped3A = tpu.sem_alloc : memref<!tpu.dma_semaphore, #tpu.memory_space<semaphore_mem>>
          %dma_start3A_89 = arith.constant 0 : i32
          %dma_start3A_90 = tpu.memref_slice %arg10[%scan3A_66, %dma_start3A_89] : memref<8x128xi32, #tpu.memory_space<vmem>> -> memref<1x128xi32, #tpu.memory_space<vmem>>
          %dma_start3A_91 = tpu.memref_squeeze %dma_start3A_90 : memref<1x128xi32, #tpu.memory_space<vmem>> -> memref<128xi32, #tpu.memory_space<vmem>>
          %dma_start3A_92 = arith.constant 0 : i32
          %dma_start3A_93 = arith.constant 0 : i32
          %dma_start3A_94 = tpu.memref_slice %arg12[%dma_start3A_92, %dma_start3A_93] : memref<10112x128xf32, #tpu.memory_space<vmem_shared>> -> memref<10112x128xf32, #tpu.memory_space<vmem_shared>>
          tpu.enqueue_indirect_dma source(%arg11 : memref<128x128xf32, #tpu.memory_space<vmem>>) target(%dma_start3A_94 : memref<10112x128xf32, #tpu.memory_space<vmem_shared>>) offsets(%dma_start3A_91 : memref<128xi32, #tpu.memory_space<vmem>>) semaphore(%run_scoped3A : memref<!tpu.dma_semaphore, #tpu.memory_space<semaphore_mem>>) {add = true}
          %dma_wait3A_95 = arith.constant 0 : i32
          %dma_wait3A_96 = tpu.memref_slice %arg10[%scan3A_66, %dma_wait3A_95] : memref<8x128xi32, #tpu.memory_space<vmem>> -> memref<1x128xi32, #tpu.memory_space<vmem>>
          %dma_wait3A_97 = tpu.memref_squeeze %dma_wait3A_96 : memref<1x128xi32, #tpu.memory_space<vmem>> -> memref<128xi32, #tpu.memory_space<vmem>>
          %dma_wait3A_98 = arith.constant 0 : i32
          %dma_wait3A_99 = arith.constant 0 : i32
          %dma_wait3A_100 = tpu.memref_slice %arg12[%dma_wait3A_98, %dma_wait3A_99] : memref<10112x128xf32, #tpu.memory_space<vmem_shared>> -> memref<10112x128xf32, #tpu.memory_space<vmem_shared>>
          tpu.wait_indirect_dma semaphore(%run_scoped3A : memref<!tpu.dma_semaphore, #tpu.memory_space<semaphore_mem>>) src(%arg11 : memref<128x128xf32, #tpu.memory_space<vmem>>) dst(%dma_wait3A_100 : memref<10112x128xf32, #tpu.memory_space<vmem_shared>>)
          tpu.yield
        }) : () -> ()
        %dma_start3A_77 = arith.constant 0 : i32
        %dma_start3A_78 = tpu.memref_slice %arg9[%scan3A_66, %dma_start3A_77] : memref<8x128xi32, #tpu.memory_space<vmem>> -> memref<1x128xi32, #tpu.memory_space<vmem>>
        %dma_start3A_79 = tpu.memref_squeeze %dma_start3A_78 : memref<1x128xi32, #tpu.memory_space<vmem>> -> memref<128xi32, #tpu.memory_space<vmem>>
        %dma_start3A_80 = arith.constant 0 : i32
        %dma_start3A_81 = arith.constant 0 : i32
        %dma_start3A_82 = tpu.memref_slice %arg3[%dma_start3A_80, %dma_start3A_81] : memref<1024x128xf32, #tpu.memory_space<hbm>> -> memref<1024x128xf32, #tpu.memory_space<hbm>>
        tpu.enqueue_indirect_dma source(%dma_start3A_82 : memref<1024x128xf32, #tpu.memory_space<hbm>>) target(%arg11 : memref<128x128xf32, #tpu.memory_space<vmem>>) offsets(%dma_start3A_79 : memref<128xi32, #tpu.memory_space<vmem>>) semaphore(%arg13 : memref<!tpu.dma_semaphore, #tpu.memory_space<semaphore_mem>>)
        %dma_wait3A_83 = arith.constant 0 : i32
        %dma_wait3A_84 = tpu.memref_slice %arg9[%scan3A_66, %dma_wait3A_83] : memref<8x128xi32, #tpu.memory_space<vmem>> -> memref<1x128xi32, #tpu.memory_space<vmem>>
        %dma_wait3A_85 = tpu.memref_squeeze %dma_wait3A_84 : memref<1x128xi32, #tpu.memory_space<vmem>> -> memref<128xi32, #tpu.memory_space<vmem>>
        %dma_wait3A_86 = arith.constant 0 : i32
        %dma_wait3A_87 = arith.constant 0 : i32
        %dma_wait3A_88 = tpu.memref_slice %arg3[%dma_wait3A_86, %dma_wait3A_87] : memref<1024x128xf32, #tpu.memory_space<hbm>> -> memref<1024x128xf32, #tpu.memory_space<hbm>>
        tpu.wait_indirect_dma semaphore(%arg13 : memref<!tpu.dma_semaphore, #tpu.memory_space<semaphore_mem>>) src(%dma_wait3A_88 : memref<1024x128xf32, #tpu.memory_space<hbm>>) dst(%arg11 : memref<128x128xf32, #tpu.memory_space<vmem>>)
        "tpu.region"() ({
          %run_scoped3A = tpu.sem_alloc : memref<!tpu.dma_semaphore, #tpu.memory_space<semaphore_mem>>
          %dma_start3A_89 = arith.constant 0 : i32
          %dma_start3A_90 = tpu.memref_slice %arg10[%scan3A_66, %dma_start3A_89] : memref<8x128xi32, #tpu.memory_space<vmem>> -> memref<1x128xi32, #tpu.memory_space<vmem>>
          %dma_start3A_91 = tpu.memref_squeeze %dma_start3A_90 : memref<1x128xi32, #tpu.memory_space<vmem>> -> memref<128xi32, #tpu.memory_space<vmem>>
          %dma_start3A_92 = arith.constant 0 : i32
          %dma_start3A_93 = arith.constant 0 : i32
          %dma_start3A_94 = tpu.memref_slice %arg12[%dma_start3A_92, %dma_start3A_93] : memref<10112x128xf32, #tpu.memory_space<vmem_shared>> -> memref<10112x128xf32, #tpu.memory_space<vmem_shared>>
          tpu.enqueue_indirect_dma source(%arg11 : memref<128x128xf32, #tpu.memory_space<vmem>>) target(%dma_start3A_94 : memref<10112x128xf32, #tpu.memory_space<vmem_shared>>) offsets(%dma_start3A_91 : memref<128xi32, #tpu.memory_space<vmem>>) semaphore(%run_scoped3A : memref<!tpu.dma_semaphore, #tpu.memory_space<semaphore_mem>>) {add = true}
          %dma_wait3A_95 = arith.constant 0 : i32
          %dma_wait3A_96 = tpu.memref_slice %arg10[%scan3A_66, %dma_wait3A_95] : memref<8x128xi32, #tpu.memory_space<vmem>> -> memref<1x128xi32, #tpu.memory_space<vmem>>
          %dma_wait3A_97 = tpu.memref_squeeze %dma_wait3A_96 : memref<1x128xi32, #tpu.memory_space<vmem>> -> memref<128xi32, #tpu.memory_space<vmem>>
          %dma_wait3A_98 = arith.constant 0 : i32
          %dma_wait3A_99 = arith.constant 0 : i32
          %dma_wait3A_100 = tpu.memref_slice %arg12[%dma_wait3A_98, %dma_wait3A_99] : memref<10112x128xf32, #tpu.memory_space<vmem_shared>> -> memref<10112x128xf32, #tpu.memory_space<vmem_shared>>
          tpu.wait_indirect_dma semaphore(%run_scoped3A : memref<!tpu.dma_semaphore, #tpu.memory_space<semaphore_mem>>) src(%arg11 : memref<128x128xf32, #tpu.memory_space<vmem>>) dst(%dma_wait3A_100 : memref<10112x128xf32, #tpu.memory_space<vmem_shared>>)
          tpu.yield
        }) : () -> ()
      }
      %scan3A_65 = arith.constant 8 : i32
    }
    %scan3A_26 = arith.constant 10 : i32
    %barrier3A_27 = arith.constant 0 : index
    tpu.barrier barrier_id(%barrier3A_27)
    %mul3A_28 = arith.constant 10112 : i32
    %mul3A_29 = arith.muli %arg0, %mul3A_28 : i32
    %add3A_30 = arith.addi %mul3A_29, %mul3A_8 : i32
    %add3A_31 = arith.constant 0 : i32
    %add3A_32 = arith.addi %mul3A_8, %add3A_31 : i32
    "tpu.region"() ({
      %run_scoped3A = tpu.sem_alloc : memref<!tpu.dma_semaphore, #tpu.memory_space<semaphore_mem>>
      %dma_start3A = arith.constant 0 : i32
      %dma_start3A_51 = arith.constant 0 : i32
      %dma_start3A_52 = tpu.memref_slice %arg11[%dma_start3A, %dma_start3A_51] : memref<128x128xf32, #tpu.memory_space<vmem>> -> memref<128x128xf32, #tpu.memory_space<vmem>>
      %dma_start3A_53 = arith.constant 0 : i32
      %dma_start3A_54 = tpu.memref_slice %arg12[%add3A_32, %dma_start3A_53] : memref<10112x128xf32, #tpu.memory_space<vmem_shared>> -> memref<128x128xf32, #tpu.memory_space<vmem_shared>>
      %dma_start3A_55 = arith.constant 0 : i32
      %dma_start3A_56 = arith.constant 0 : i32
      %dma_start3A_57 = tpu.memref_slice %arg11[%dma_start3A_55, %dma_start3A_56] : memref<128x128xf32, #tpu.memory_space<vmem>> -> memref<128x128xf32, #tpu.memory_space<vmem>>
      %dma_start3A_58 = arith.constant 0 : i32
      %dma_start3A_59 = tpu.memref_slice %arg12[%add3A_32, %dma_start3A_58] : memref<10112x128xf32, #tpu.memory_space<vmem_shared>> -> memref<128x128xf32, #tpu.memory_space<vmem_shared>>
      tpu.enqueue_dma source(%dma_start3A_59 : memref<128x128xf32, #tpu.memory_space<vmem_shared>>) target(%dma_start3A_57 : memref<128x128xf32, #tpu.memory_space<vmem>>) target_semaphore(%run_scoped3A : memref<!tpu.dma_semaphore, #tpu.memory_space<semaphore_mem>>)
      %dma_wait3A = arith.constant 0 : i32
      %dma_wait3A_60 = arith.constant 0 : i32
      %dma_wait3A_61 = tpu.memref_slice %arg11[%dma_wait3A, %dma_wait3A_60] : memref<128x128xf32, #tpu.memory_space<vmem>> -> memref<128x128xf32, #tpu.memory_space<vmem>>
      %dma_wait3A_62 = arith.constant 0 : i32
      %dma_wait3A_63 = tpu.memref_slice %arg12[%add3A_32, %dma_wait3A_62] : memref<10112x128xf32, #tpu.memory_space<vmem_shared>> -> memref<128x128xf32, #tpu.memory_space<vmem_shared>>
      %dma_wait3A_64 = arith.constant 0 : i32
      %dma_wait3A_65 = arith.constant 0 : i32
      %dma_wait3A_66 = tpu.memref_slice %arg11[%dma_wait3A_64, %dma_wait3A_65] : memref<128x128xf32, #tpu.memory_space<vmem>> -> memref<128x128xf32, #tpu.memory_space<vmem>>
      %dma_wait3A_67 = arith.constant 0 : i32
      %dma_wait3A_68 = tpu.memref_slice %arg12[%add3A_32, %dma_wait3A_67] : memref<10112x128xf32, #tpu.memory_space<vmem_shared>> -> memref<128x128xf32, #tpu.memory_space<vmem_shared>>
      tpu.wait_dma2 semaphore(%run_scoped3A : memref<!tpu.dma_semaphore, #tpu.memory_space<semaphore_mem>>) src(%dma_wait3A_68 : memref<128x128xf32, #tpu.memory_space<vmem_shared>>) dst(%dma_wait3A_66 : memref<128x128xf32, #tpu.memory_space<vmem>>)
      tpu.yield
    }) : () -> ()
    %add3A_33 = arith.constant 0 : i32
    %add3A_34 = arith.addi %add3A_30, %add3A_33 : i32
    "tpu.region"() ({
      %run_scoped3A = tpu.sem_alloc : memref<!tpu.dma_semaphore, #tpu.memory_space<semaphore_mem>>
      %dma_start3A = arith.constant 0 : i32
      %dma_start3A_51 = arith.constant 0 : i32
      %dma_start3A_52 = tpu.memref_slice %arg11[%dma_start3A, %dma_start3A_51] : memref<128x128xf32, #tpu.memory_space<vmem>> -> memref<128x128xf32, #tpu.memory_space<vmem>>
      %dma_start3A_53 = arith.constant 0 : i32
      %dma_start3A_54 = tpu.memref_slice %arg7[%add3A_34, %dma_start3A_53] : memref<20224x128xf32, #tpu.memory_space<hbm>> -> memref<128x128xf32, #tpu.memory_space<hbm>>
      %dma_start3A_55 = arith.constant 0 : i32
      %dma_start3A_56 = tpu.memref_slice %arg7[%add3A_34, %dma_start3A_55] : memref<20224x128xf32, #tpu.memory_space<hbm>> -> memref<128x128xf32, #tpu.memory_space<hbm>>
      %dma_start3A_57 = arith.constant 0 : i32
      %dma_start3A_58 = arith.constant 0 : i32
      %dma_start3A_59 = tpu.memref_slice %arg11[%dma_start3A_57, %dma_start3A_58] : memref<128x128xf32, #tpu.memory_space<vmem>> -> memref<128x128xf32, #tpu.memory_space<vmem>>
      tpu.enqueue_dma source(%dma_start3A_59 : memref<128x128xf32, #tpu.memory_space<vmem>>) target(%dma_start3A_56 : memref<128x128xf32, #tpu.memory_space<hbm>>) target_semaphore(%run_scoped3A : memref<!tpu.dma_semaphore, #tpu.memory_space<semaphore_mem>>)
      %dma_wait3A = arith.constant 0 : i32
      %dma_wait3A_60 = arith.constant 0 : i32
      %dma_wait3A_61 = tpu.memref_slice %arg11[%dma_wait3A, %dma_wait3A_60] : memref<128x128xf32, #tpu.memory_space<vmem>> -> memref<128x128xf32, #tpu.memory_space<vmem>>
      %dma_wait3A_62 = arith.constant 0 : i32
      %dma_wait3A_63 = tpu.memref_slice %arg7[%add3A_34, %dma_wait3A_62] : memref<20224x128xf32, #tpu.memory_space<hbm>> -> memref<128x128xf32, #tpu.memory_space<hbm>>
      %dma_wait3A_64 = arith.constant 0 : i32
      %dma_wait3A_65 = tpu.memref_slice %arg7[%add3A_34, %dma_wait3A_64] : memref<20224x128xf32, #tpu.memory_space<hbm>> -> memref<128x128xf32, #tpu.memory_space<hbm>>
      %dma_wait3A_66 = arith.constant 0 : i32
      %dma_wait3A_67 = arith.constant 0 : i32
      %dma_wait3A_68 = tpu.memref_slice %arg11[%dma_wait3A_66, %dma_wait3A_67] : memref<128x128xf32, #tpu.memory_space<vmem>> -> memref<128x128xf32, #tpu.memory_space<vmem>>
      tpu.wait_dma2 semaphore(%run_scoped3A : memref<!tpu.dma_semaphore, #tpu.memory_space<semaphore_mem>>) src(%dma_wait3A_68 : memref<128x128xf32, #tpu.memory_space<vmem>>) dst(%dma_wait3A_65 : memref<128x128xf32, #tpu.memory_space<hbm>>)
      tpu.yield
    }) : () -> ()
    %add3A_35 = arith.constant 128 : i32
    %add3A_36 = arith.addi %mul3A_8, %add3A_35 : i32
    "tpu.region"() ({
      %run_scoped3A = tpu.sem_alloc : memref<!tpu.dma_semaphore, #tpu.memory_space<semaphore_mem>>
      %dma_start3A = arith.constant 0 : i32
      %dma_start3A_51 = arith.constant 0 : i32
      %dma_start3A_52 = tpu.memref_slice %arg11[%dma_start3A, %dma_start3A_51] : memref<128x128xf32, #tpu.memory_space<vmem>> -> memref<128x128xf32, #tpu.memory_space<vmem>>
      %dma_start3A_53 = arith.constant 0 : i32
      %dma_start3A_54 = tpu.memref_slice %arg12[%add3A_36, %dma_start3A_53] : memref<10112x128xf32, #tpu.memory_space<vmem_shared>> -> memref<128x128xf32, #tpu.memory_space<vmem_shared>>
      %dma_start3A_55 = arith.constant 0 : i32
      %dma_start3A_56 = arith.constant 0 : i32
      %dma_start3A_57 = tpu.memref_slice %arg11[%dma_start3A_55, %dma_start3A_56] : memref<128x128xf32, #tpu.memory_space<vmem>> -> memref<128x128xf32, #tpu.memory_space<vmem>>
      %dma_start3A_58 = arith.constant 0 : i32
      %dma_start3A_59 = tpu.memref_slice %arg12[%add3A_36, %dma_start3A_58] : memref<10112x128xf32, #tpu.memory_space<vmem_shared>> -> memref<128x128xf32, #tpu.memory_space<vmem_shared>>
      tpu.enqueue_dma source(%dma_start3A_59 : memref<128x128xf32, #tpu.memory_space<vmem_shared>>) target(%dma_start3A_57 : memref<128x128xf32, #tpu.memory_space<vmem>>) target_semaphore(%run_scoped3A : memref<!tpu.dma_semaphore, #tpu.memory_space<semaphore_mem>>)
      %dma_wait3A = arith.constant 0 : i32
      %dma_wait3A_60 = arith.constant 0 : i32
      %dma_wait3A_61 = tpu.memref_slice %arg11[%dma_wait3A, %dma_wait3A_60] : memref<128x128xf32, #tpu.memory_space<vmem>> -> memref<128x128xf32, #tpu.memory_space<vmem>>
      %dma_wait3A_62 = arith.constant 0 : i32
      %dma_wait3A_63 = tpu.memref_slice %arg12[%add3A_36, %dma_wait3A_62] : memref<10112x128xf32, #tpu.memory_space<vmem_shared>> -> memref<128x128xf32, #tpu.memory_space<vmem_shared>>
      %dma_wait3A_64 = arith.constant 0 : i32
      %dma_wait3A_65 = arith.constant 0 : i32
      %dma_wait3A_66 = tpu.memref_slice %arg11[%dma_wait3A_64, %dma_wait3A_65] : memref<128x128xf32, #tpu.memory_space<vmem>> -> memref<128x128xf32, #tpu.memory_space<vmem>>
      %dma_wait3A_67 = arith.constant 0 : i32
      %dma_wait3A_68 = tpu.memref_slice %arg12[%add3A_36, %dma_wait3A_67] : memref<10112x128xf32, #tpu.memory_space<vmem_shared>> -> memref<128x128xf32, #tpu.memory_space<vmem_shared>>
      tpu.wait_dma2 semaphore(%run_scoped3A : memref<!tpu.dma_semaphore, #tpu.memory_space<semaphore_mem>>) src(%dma_wait3A_68 : memref<128x128xf32, #tpu.memory_space<vmem_shared>>) dst(%dma_wait3A_66 : memref<128x128xf32, #tpu.memory_space<vmem>>)
      tpu.yield
    }) : () -> ()
    %add3A_37 = arith.constant 128 : i32
    %add3A_38 = arith.addi %add3A_30, %add3A_37 : i32
    "tpu.region"() ({
      %run_scoped3A = tpu.sem_alloc : memref<!tpu.dma_semaphore, #tpu.memory_space<semaphore_mem>>
      %dma_start3A = arith.constant 0 : i32
      %dma_start3A_51 = arith.constant 0 : i32
      %dma_start3A_52 = tpu.memref_slice %arg11[%dma_start3A, %dma_start3A_51] : memref<128x128xf32, #tpu.memory_space<vmem>> -> memref<128x128xf32, #tpu.memory_space<vmem>>
      %dma_start3A_53 = arith.constant 0 : i32
      %dma_start3A_54 = tpu.memref_slice %arg7[%add3A_38, %dma_start3A_53] : memref<20224x128xf32, #tpu.memory_space<hbm>> -> memref<128x128xf32, #tpu.memory_space<hbm>>
      %dma_start3A_55 = arith.constant 0 : i32
      %dma_start3A_56 = tpu.memref_slice %arg7[%add3A_38, %dma_start3A_55] : memref<20224x128xf32, #tpu.memory_space<hbm>> -> memref<128x128xf32, #tpu.memory_space<hbm>>
      %dma_start3A_57 = arith.constant 0 : i32
      %dma_start3A_58 = arith.constant 0 : i32
      %dma_start3A_59 = tpu.memref_slice %arg11[%dma_start3A_57, %dma_start3A_58] : memref<128x128xf32, #tpu.memory_space<vmem>> -> memref<128x128xf32, #tpu.memory_space<vmem>>
      tpu.enqueue_dma source(%dma_start3A_59 : memref<128x128xf32, #tpu.memory_space<vmem>>) target(%dma_start3A_56 : memref<128x128xf32, #tpu.memory_space<hbm>>) target_semaphore(%run_scoped3A : memref<!tpu.dma_semaphore, #tpu.memory_space<semaphore_mem>>)
      %dma_wait3A = arith.constant 0 : i32
      %dma_wait3A_60 = arith.constant 0 : i32
      %dma_wait3A_61 = tpu.memref_slice %arg11[%dma_wait3A, %dma_wait3A_60] : memref<128x128xf32, #tpu.memory_space<vmem>> -> memref<128x128xf32, #tpu.memory_space<vmem>>
      %dma_wait3A_62 = arith.constant 0 : i32
      %dma_wait3A_63 = tpu.memref_slice %arg7[%add3A_38, %dma_wait3A_62] : memref<20224x128xf32, #tpu.memory_space<hbm>> -> memref<128x128xf32, #tpu.memory_space<hbm>>
      %dma_wait3A_64 = arith.constant 0 : i32
      %dma_wait3A_65 = tpu.memref_slice %arg7[%add3A_38, %dma_wait3A_64] : memref<20224x128xf32, #tpu.memory_space<hbm>> -> memref<128x128xf32, #tpu.memory_space<hbm>>
      %dma_wait3A_66 = arith.constant 0 : i32
      %dma_wait3A_67 = arith.constant 0 : i32
      %dma_wait3A_68 = tpu.memref_slice %arg11[%dma_wait3A_66, %dma_wait3A_67] : memref<128x128xf32, #tpu.memory_space<vmem>> -> memref<128x128xf32, #tpu.memory_space<vmem>>
      tpu.wait_dma2 semaphore(%run_scoped3A : memref<!tpu.dma_semaphore, #tpu.memory_space<semaphore_mem>>) src(%dma_wait3A_68 : memref<128x128xf32, #tpu.memory_space<vmem>>) dst(%dma_wait3A_65 : memref<128x128xf32, #tpu.memory_space<hbm>>)
      tpu.yield
    }) : () -> ()
    %add3A_39 = arith.constant 256 : i32
    %add3A_40 = arith.addi %mul3A_8, %add3A_39 : i32
    "tpu.region"() ({
      %run_scoped3A = tpu.sem_alloc : memref<!tpu.dma_semaphore, #tpu.memory_space<semaphore_mem>>
      %dma_start3A = arith.constant 0 : i32
      %dma_start3A_51 = arith.constant 0 : i32
      %dma_start3A_52 = tpu.memref_slice %arg11[%dma_start3A, %dma_start3A_51] : memref<128x128xf32, #tpu.memory_space<vmem>> -> memref<128x128xf32, #tpu.memory_space<vmem>>
      %dma_start3A_53 = arith.constant 0 : i32
      %dma_start3A_54 = tpu.memref_slice %arg12[%add3A_40, %dma_start3A_53] : memref<10112x128xf32, #tpu.memory_space<vmem_shared>> -> memref<128x128xf32, #tpu.memory_space<vmem_shared>>
      %dma_start3A_55 = arith.constant 0 : i32
      %dma_start3A_56 = arith.constant 0 : i32
      %dma_start3A_57 = tpu.memref_slice %arg11[%dma_start3A_55, %dma_start3A_56] : memref<128x128xf32, #tpu.memory_space<vmem>> -> memref<128x128xf32, #tpu.memory_space<vmem>>
      %dma_start3A_58 = arith.constant 0 : i32
      %dma_start3A_59 = tpu.memref_slice %arg12[%add3A_40, %dma_start3A_58] : memref<10112x128xf32, #tpu.memory_space<vmem_shared>> -> memref<128x128xf32, #tpu.memory_space<vmem_shared>>
      tpu.enqueue_dma source(%dma_start3A_59 : memref<128x128xf32, #tpu.memory_space<vmem_shared>>) target(%dma_start3A_57 : memref<128x128xf32, #tpu.memory_space<vmem>>) target_semaphore(%run_scoped3A : memref<!tpu.dma_semaphore, #tpu.memory_space<semaphore_mem>>)
      %dma_wait3A = arith.constant 0 : i32
      %dma_wait3A_60 = arith.constant 0 : i32
      %dma_wait3A_61 = tpu.memref_slice %arg11[%dma_wait3A, %dma_wait3A_60] : memref<128x128xf32, #tpu.memory_space<vmem>> -> memref<128x128xf32, #tpu.memory_space<vmem>>
      %dma_wait3A_62 = arith.constant 0 : i32
      %dma_wait3A_63 = tpu.memref_slice %arg12[%add3A_40, %dma_wait3A_62] : memref<10112x128xf32, #tpu.memory_space<vmem_shared>> -> memref<128x128xf32, #tpu.memory_space<vmem_shared>>
      %dma_wait3A_64 = arith.constant 0 : i32
      %dma_wait3A_65 = arith.constant 0 : i32
      %dma_wait3A_66 = tpu.memref_slice %arg11[%dma_wait3A_64, %dma_wait3A_65] : memref<128x128xf32, #tpu.memory_space<vmem>> -> memref<128x128xf32, #tpu.memory_space<vmem>>
      %dma_wait3A_67 = arith.constant 0 : i32
      %dma_wait3A_68 = tpu.memref_slice %arg12[%add3A_40, %dma_wait3A_67] : memref<10112x128xf32, #tpu.memory_space<vmem_shared>> -> memref<128x128xf32, #tpu.memory_space<vmem_shared>>
      tpu.wait_dma2 semaphore(%run_scoped3A : memref<!tpu.dma_semaphore, #tpu.memory_space<semaphore_mem>>) src(%dma_wait3A_68 : memref<128x128xf32, #tpu.memory_space<vmem_shared>>) dst(%dma_wait3A_66 : memref<128x128xf32, #tpu.memory_space<vmem>>)
      tpu.yield
    }) : () -> ()
    %add3A_41 = arith.constant 256 : i32
    %add3A_42 = arith.addi %add3A_30, %add3A_41 : i32
    "tpu.region"() ({
      %run_scoped3A = tpu.sem_alloc : memref<!tpu.dma_semaphore, #tpu.memory_space<semaphore_mem>>
      %dma_start3A = arith.constant 0 : i32
      %dma_start3A_51 = arith.constant 0 : i32
      %dma_start3A_52 = tpu.memref_slice %arg11[%dma_start3A, %dma_start3A_51] : memref<128x128xf32, #tpu.memory_space<vmem>> -> memref<128x128xf32, #tpu.memory_space<vmem>>
      %dma_start3A_53 = arith.constant 0 : i32
      %dma_start3A_54 = tpu.memref_slice %arg7[%add3A_42, %dma_start3A_53] : memref<20224x128xf32, #tpu.memory_space<hbm>> -> memref<128x128xf32, #tpu.memory_space<hbm>>
      %dma_start3A_55 = arith.constant 0 : i32
      %dma_start3A_56 = tpu.memref_slice %arg7[%add3A_42, %dma_start3A_55] : memref<20224x128xf32, #tpu.memory_space<hbm>> -> memref<128x128xf32, #tpu.memory_space<hbm>>
      %dma_start3A_57 = arith.constant 0 : i32
      %dma_start3A_58 = arith.constant 0 : i32
      %dma_start3A_59 = tpu.memref_slice %arg11[%dma_start3A_57, %dma_start3A_58] : memref<128x128xf32, #tpu.memory_space<vmem>> -> memref<128x128xf32, #tpu.memory_space<vmem>>
      tpu.enqueue_dma source(%dma_start3A_59 : memref<128x128xf32, #tpu.memory_space<vmem>>) target(%dma_start3A_56 : memref<128x128xf32, #tpu.memory_space<hbm>>) target_semaphore(%run_scoped3A : memref<!tpu.dma_semaphore, #tpu.memory_space<semaphore_mem>>)
      %dma_wait3A = arith.constant 0 : i32
      %dma_wait3A_60 = arith.constant 0 : i32
      %dma_wait3A_61 = tpu.memref_slice %arg11[%dma_wait3A, %dma_wait3A_60] : memref<128x128xf32, #tpu.memory_space<vmem>> -> memref<128x128xf32, #tpu.memory_space<vmem>>
      %dma_wait3A_62 = arith.constant 0 : i32
      %dma_wait3A_63 = tpu.memref_slice %arg7[%add3A_42, %dma_wait3A_62] : memref<20224x128xf32, #tpu.memory_space<hbm>> -> memref<128x128xf32, #tpu.memory_space<hbm>>
      %dma_wait3A_64 = arith.constant 0 : i32
      %dma_wait3A_65 = tpu.memref_slice %arg7[%add3A_42, %dma_wait3A_64] : memref<20224x128xf32, #tpu.memory_space<hbm>> -> memref<128x128xf32, #tpu.memory_space<hbm>>
      %dma_wait3A_66 = arith.constant 0 : i32
      %dma_wait3A_67 = arith.constant 0 : i32
      %dma_wait3A_68 = tpu.memref_slice %arg11[%dma_wait3A_66, %dma_wait3A_67] : memref<128x128xf32, #tpu.memory_space<vmem>> -> memref<128x128xf32, #tpu.memory_space<vmem>>
      tpu.wait_dma2 semaphore(%run_scoped3A : memref<!tpu.dma_semaphore, #tpu.memory_space<semaphore_mem>>) src(%dma_wait3A_68 : memref<128x128xf32, #tpu.memory_space<vmem>>) dst(%dma_wait3A_65 : memref<128x128xf32, #tpu.memory_space<hbm>>)
      tpu.yield
    }) : () -> ()
    %add3A_43 = arith.constant 384 : i32
    %add3A_44 = arith.addi %mul3A_8, %add3A_43 : i32
    "tpu.region"() ({
      %run_scoped3A = tpu.sem_alloc : memref<!tpu.dma_semaphore, #tpu.memory_space<semaphore_mem>>
      %dma_start3A = arith.constant 0 : i32
      %dma_start3A_51 = arith.constant 0 : i32
      %dma_start3A_52 = tpu.memref_slice %arg11[%dma_start3A, %dma_start3A_51] : memref<128x128xf32, #tpu.memory_space<vmem>> -> memref<128x128xf32, #tpu.memory_space<vmem>>
      %dma_start3A_53 = arith.constant 0 : i32
      %dma_start3A_54 = tpu.memref_slice %arg12[%add3A_44, %dma_start3A_53] : memref<10112x128xf32, #tpu.memory_space<vmem_shared>> -> memref<128x128xf32, #tpu.memory_space<vmem_shared>>
      %dma_start3A_55 = arith.constant 0 : i32
      %dma_start3A_56 = arith.constant 0 : i32
      %dma_start3A_57 = tpu.memref_slice %arg11[%dma_start3A_55, %dma_start3A_56] : memref<128x128xf32, #tpu.memory_space<vmem>> -> memref<128x128xf32, #tpu.memory_space<vmem>>
      %dma_start3A_58 = arith.constant 0 : i32
      %dma_start3A_59 = tpu.memref_slice %arg12[%add3A_44, %dma_start3A_58] : memref<10112x128xf32, #tpu.memory_space<vmem_shared>> -> memref<128x128xf32, #tpu.memory_space<vmem_shared>>
      tpu.enqueue_dma source(%dma_start3A_59 : memref<128x128xf32, #tpu.memory_space<vmem_shared>>) target(%dma_start3A_57 : memref<128x128xf32, #tpu.memory_space<vmem>>) target_semaphore(%run_scoped3A : memref<!tpu.dma_semaphore, #tpu.memory_space<semaphore_mem>>)
      %dma_wait3A = arith.constant 0 : i32
      %dma_wait3A_60 = arith.constant 0 : i32
      %dma_wait3A_61 = tpu.memref_slice %arg11[%dma_wait3A, %dma_wait3A_60] : memref<128x128xf32, #tpu.memory_space<vmem>> -> memref<128x128xf32, #tpu.memory_space<vmem>>
      %dma_wait3A_62 = arith.constant 0 : i32
      %dma_wait3A_63 = tpu.memref_slice %arg12[%add3A_44, %dma_wait3A_62] : memref<10112x128xf32, #tpu.memory_space<vmem_shared>> -> memref<128x128xf32, #tpu.memory_space<vmem_shared>>
      %dma_wait3A_64 = arith.constant 0 : i32
      %dma_wait3A_65 = arith.constant 0 : i32
      %dma_wait3A_66 = tpu.memref_slice %arg11[%dma_wait3A_64, %dma_wait3A_65] : memref<128x128xf32, #tpu.memory_space<vmem>> -> memref<128x128xf32, #tpu.memory_space<vmem>>
      %dma_wait3A_67 = arith.constant 0 : i32
      %dma_wait3A_68 = tpu.memref_slice %arg12[%add3A_44, %dma_wait3A_67] : memref<10112x128xf32, #tpu.memory_space<vmem_shared>> -> memref<128x128xf32, #tpu.memory_space<vmem_shared>>
      tpu.wait_dma2 semaphore(%run_scoped3A : memref<!tpu.dma_semaphore, #tpu.memory_space<semaphore_mem>>) src(%dma_wait3A_68 : memref<128x128xf32, #tpu.memory_space<vmem_shared>>) dst(%dma_wait3A_66 : memref<128x128xf32, #tpu.memory_space<vmem>>)
      tpu.yield
    }) : () -> ()
    %add3A_45 = arith.constant 384 : i32
    %add3A_46 = arith.addi %add3A_30, %add3A_45 : i32
    "tpu.region"() ({
      %run_scoped3A = tpu.sem_alloc : memref<!tpu.dma_semaphore, #tpu.memory_space<semaphore_mem>>
      %dma_start3A = arith.constant 0 : i32
      %dma_start3A_51 = arith.constant 0 : i32
      %dma_start3A_52 = tpu.memref_slice %arg11[%dma_start3A, %dma_start3A_51] : memref<128x128xf32, #tpu.memory_space<vmem>> -> memref<128x128xf32, #tpu.memory_space<vmem>>
      %dma_start3A_53 = arith.constant 0 : i32
      %dma_start3A_54 = tpu.memref_slice %arg7[%add3A_46, %dma_start3A_53] : memref<20224x128xf32, #tpu.memory_space<hbm>> -> memref<128x128xf32, #tpu.memory_space<hbm>>
      %dma_start3A_55 = arith.constant 0 : i32
      %dma_start3A_56 = tpu.memref_slice %arg7[%add3A_46, %dma_start3A_55] : memref<20224x128xf32, #tpu.memory_space<hbm>> -> memref<128x128xf32, #tpu.memory_space<hbm>>
      %dma_start3A_57 = arith.constant 0 : i32
      %dma_start3A_58 = arith.constant 0 : i32
      %dma_start3A_59 = tpu.memref_slice %arg11[%dma_start3A_57, %dma_start3A_58] : memref<128x128xf32, #tpu.memory_space<vmem>> -> memref<128x128xf32, #tpu.memory_space<vmem>>
      tpu.enqueue_dma source(%dma_start3A_59 : memref<128x128xf32, #tpu.memory_space<vmem>>) target(%dma_start3A_56 : memref<128x128xf32, #tpu.memory_space<hbm>>) target_semaphore(%run_scoped3A : memref<!tpu.dma_semaphore, #tpu.memory_space<semaphore_mem>>)
      %dma_wait3A = arith.constant 0 : i32
      %dma_wait3A_60 = arith.constant 0 : i32
      %dma_wait3A_61 = tpu.memref_slice %arg11[%dma_wait3A, %dma_wait3A_60] : memref<128x128xf32, #tpu.memory_space<vmem>> -> memref<128x128xf32, #tpu.memory_space<vmem>>
      %dma_wait3A_62 = arith.constant 0 : i32
      %dma_wait3A_63 = tpu.memref_slice %arg7[%add3A_46, %dma_wait3A_62] : memref<20224x128xf32, #tpu.memory_space<hbm>> -> memref<128x128xf32, #tpu.memory_space<hbm>>
      %dma_wait3A_64 = arith.constant 0 : i32
      %dma_wait3A_65 = tpu.memref_slice %arg7[%add3A_46, %dma_wait3A_64] : memref<20224x128xf32, #tpu.memory_space<hbm>> -> memref<128x128xf32, #tpu.memory_space<hbm>>
      %dma_wait3A_66 = arith.constant 0 : i32
      %dma_wait3A_67 = arith.constant 0 : i32
      %dma_wait3A_68 = tpu.memref_slice %arg11[%dma_wait3A_66, %dma_wait3A_67] : memref<128x128xf32, #tpu.memory_space<vmem>> -> memref<128x128xf32, #tpu.memory_space<vmem>>
      tpu.wait_dma2 semaphore(%run_scoped3A : memref<!tpu.dma_semaphore, #tpu.memory_space<semaphore_mem>>) src(%dma_wait3A_68 : memref<128x128xf32, #tpu.memory_space<vmem>>) dst(%dma_wait3A_65 : memref<128x128xf32, #tpu.memory_space<hbm>>)
      tpu.yield
    }) : () -> ()
    %add3A_47 = arith.constant 512 : i32
    %add3A_48 = arith.addi %mul3A_8, %add3A_47 : i32
    "tpu.region"() ({
      %run_scoped3A = tpu.sem_alloc : memref<!tpu.dma_semaphore, #tpu.memory_space<semaphore_mem>>
      %dma_start3A = arith.constant 0 : i32
      %dma_start3A_51 = arith.constant 0 : i32
      %dma_start3A_52 = tpu.memref_slice %arg11[%dma_start3A, %dma_start3A_51] : memref<128x128xf32, #tpu.memory_space<vmem>> -> memref<120x128xf32, #tpu.memory_space<vmem>>
      %dma_start3A_53 = arith.constant 0 : i32
      %dma_start3A_54 = tpu.memref_slice %arg12[%add3A_48, %dma_start3A_53] : memref<10112x128xf32, #tpu.memory_space<vmem_shared>> -> memref<120x128xf32, #tpu.memory_space<vmem_shared>>
      %dma_start3A_55 = arith.constant 0 : i32
      %dma_start3A_56 = arith.constant 0 : i32
      %dma_start3A_57 = tpu.memref_slice %arg11[%dma_start3A_55, %dma_start3A_56] : memref<128x128xf32, #tpu.memory_space<vmem>> -> memref<120x128xf32, #tpu.memory_space<vmem>>
      %dma_start3A_58 = arith.constant 0 : i32
      %dma_start3A_59 = tpu.memref_slice %arg12[%add3A_48, %dma_start3A_58] : memref<10112x128xf32, #tpu.memory_space<vmem_shared>> -> memref<120x128xf32, #tpu.memory_space<vmem_shared>>
      tpu.enqueue_dma source(%dma_start3A_59 : memref<120x128xf32, #tpu.memory_space<vmem_shared>>) target(%dma_start3A_57 : memref<120x128xf32, #tpu.memory_space<vmem>>) target_semaphore(%run_scoped3A : memref<!tpu.dma_semaphore, #tpu.memory_space<semaphore_mem>>)
      %dma_wait3A = arith.constant 0 : i32
      %dma_wait3A_60 = arith.constant 0 : i32
      %dma_wait3A_61 = tpu.memref_slice %arg11[%dma_wait3A, %dma_wait3A_60] : memref<128x128xf32, #tpu.memory_space<vmem>> -> memref<120x128xf32, #tpu.memory_space<vmem>>
      %dma_wait3A_62 = arith.constant 0 : i32
      %dma_wait3A_63 = tpu.memref_slice %arg12[%add3A_48, %dma_wait3A_62] : memref<10112x128xf32, #tpu.memory_space<vmem_shared>> -> memref<120x128xf32, #tpu.memory_space<vmem_shared>>
      %dma_wait3A_64 = arith.constant 0 : i32
      %dma_wait3A_65 = arith.constant 0 : i32
      %dma_wait3A_66 = tpu.memref_slice %arg11[%dma_wait3A_64, %dma_wait3A_65] : memref<128x128xf32, #tpu.memory_space<vmem>> -> memref<120x128xf32, #tpu.memory_space<vmem>>
      %dma_wait3A_67 = arith.constant 0 : i32
      %dma_wait3A_68 = tpu.memref_slice %arg12[%add3A_48, %dma_wait3A_67] : memref<10112x128xf32, #tpu.memory_space<vmem_shared>> -> memref<120x128xf32, #tpu.memory_space<vmem_shared>>
      tpu.wait_dma2 semaphore(%run_scoped3A : memref<!tpu.dma_semaphore, #tpu.memory_space<semaphore_mem>>) src(%dma_wait3A_68 : memref<120x128xf32, #tpu.memory_space<vmem_shared>>) dst(%dma_wait3A_66 : memref<120x128xf32, #tpu.memory_space<vmem>>)
      tpu.yield
    }) : () -> ()
    %add3A_49 = arith.constant 512 : i32
    %add3A_50 = arith.addi %add3A_30, %add3A_49 : i32
    "tpu.region"() ({
      %run_scoped3A = tpu.sem_alloc : memref<!tpu.dma_semaphore, #tpu.memory_space<semaphore_mem>>
      %dma_start3A = arith.constant 0 : i32
      %dma_start3A_51 = arith.constant 0 : i32
      %dma_start3A_52 = tpu.memref_slice %arg11[%dma_start3A, %dma_start3A_51] : memref<128x128xf32, #tpu.memory_space<vmem>> -> memref<120x128xf32, #tpu.memory_space<vmem>>
      %dma_start3A_53 = arith.constant 0 : i32
      %dma_start3A_54 = tpu.memref_slice %arg7[%add3A_50, %dma_start3A_53] : memref<20224x128xf32, #tpu.memory_space<hbm>> -> memref<120x128xf32, #tpu.memory_space<hbm>>
      %dma_start3A_55 = arith.constant 0 : i32
      %dma_start3A_56 = tpu.memref_slice %arg7[%add3A_50, %dma_start3A_55] : memref<20224x128xf32, #tpu.memory_space<hbm>> -> memref<120x128xf32, #tpu.memory_space<hbm>>
      %dma_start3A_57 = arith.constant 0 : i32
      %dma_start3A_58 = arith.constant 0 : i32
      %dma_start3A_59 = tpu.memref_slice %arg11[%dma_start3A_57, %dma_start3A_58] : memref<128x128xf32, #tpu.memory_space<vmem>> -> memref<120x128xf32, #tpu.memory_space<vmem>>
      tpu.enqueue_dma source(%dma_start3A_59 : memref<120x128xf32, #tpu.memory_space<vmem>>) target(%dma_start3A_56 : memref<120x128xf32, #tpu.memory_space<hbm>>) target_semaphore(%run_scoped3A : memref<!tpu.dma_semaphore, #tpu.memory_space<semaphore_mem>>)
      %dma_wait3A = arith.constant 0 : i32
      %dma_wait3A_60 = arith.constant 0 : i32
      %dma_wait3A_61 = tpu.memref_slice %arg11[%dma_wait3A, %dma_wait3A_60] : memref<128x128xf32, #tpu.memory_space<vmem>> -> memref<120x128xf32, #tpu.memory_space<vmem>>
      %dma_wait3A_62 = arith.constant 0 : i32
      %dma_wait3A_63 = tpu.memref_slice %arg7[%add3A_50, %dma_wait3A_62] : memref<20224x128xf32, #tpu.memory_space<hbm>> -> memref<120x128xf32, #tpu.memory_space<hbm>>
      %dma_wait3A_64 = arith.constant 0 : i32
      %dma_wait3A_65 = tpu.memref_slice %arg7[%add3A_50, %dma_wait3A_64] : memref<20224x128xf32, #tpu.memory_space<hbm>> -> memref<120x128xf32, #tpu.memory_space<hbm>>
      %dma_wait3A_66 = arith.constant 0 : i32
      %dma_wait3A_67 = arith.constant 0 : i32
      %dma_wait3A_68 = tpu.memref_slice %arg11[%dma_wait3A_66, %dma_wait3A_67] : memref<128x128xf32, #tpu.memory_space<vmem>> -> memref<120x128xf32, #tpu.memory_space<vmem>>
      tpu.wait_dma2 semaphore(%run_scoped3A : memref<!tpu.dma_semaphore, #tpu.memory_space<semaphore_mem>>) src(%dma_wait3A_68 : memref<120x128xf32, #tpu.memory_space<vmem>>) dst(%dma_wait3A_65 : memref<120x128xf32, #tpu.memory_space<hbm>>)
      tpu.yield
    }) : () -> ()
    return
  }
}

#map = affine_map<(d0, d1) -> (0, 0)>
module attributes {stable_mosaic.version = 14 : i64} {
  func.func @_sc_deg_body(%arg0: i32, %arg1: i32, %arg2: memref<2560x128xi32, #tpu.memory_space<hbm>>, %arg3: memref<20224x128xf32, #tpu.memory_space<hbm>>, %arg4: memref<16x128xi32, #tpu.memory_space<vmem>>, %arg5: memref<128x128xf32, #tpu.memory_space<vmem>>, %arg6: memref<10112x128xf32, #tpu.memory_space<vmem_shared>>, %arg7: memref<!tpu.dma_semaphore, #tpu.memory_space<semaphore_mem>>) attributes {dimension_semantics = [#tpu.dimension_semantics<core_parallel>, #tpu.dimension_semantics<subcore_parallel>], iteration_bounds = array<i64: 2, 16>, scalar_prefetch = 0 : i64, scratch_operands = 4 : i64, tpu.core_type = #tpu.core_type<sc_vector_subcore>, window_params = [{transform_indices = #map}, {transform_indices = #map}]} {
    %mul3A = arith.constant 16 : i32
    %mul3A_0 = arith.muli %arg0, %mul3A : i32
    %add3A = arith.addi %mul3A_0, %arg1 : i32
    %broadcast_in_dim3A = arith.constant 0.000000e+00 : f32
    %broadcast_in_dim3A_1 = vector.broadcast %broadcast_in_dim3A : f32 to vector<16xf32>
    %broadcast_in_dim3A_2 = arith.constant 1.000000e+00 : f32
    %broadcast_in_dim3A_3 = vector.broadcast %broadcast_in_dim3A_2 : f32 to vector<16xf32>
    %scan3A = arith.constant 0 : i32
    %scan3A_4 = arith.constant 0 : i32
    %scan3A_5 = arith.constant 128 : i32
    %scan3A_6 = arith.addi %scan3A_4, %scan3A_5 : i32
    %scan3A_7 = arith.constant 1 : i32
    scf.for %scan3A_59 = %scan3A_4 to %scan3A_6 step %scan3A_7  : i32 {
      %swap3A = arith.index_cast %scan3A_59 : i32 to index
      %swap3A_60 = arith.constant 0 : index
      %swap3A_61 = tpu.vector_load %arg5[%swap3A, %swap3A_60] {strides = array<i32>} : memref<128x128xf32, #tpu.memory_space<vmem>>, vector<1x16xf32>,
      %swap3A_62 = vector.shape_cast %swap3A_61 : vector<1x16xf32> to vector<16xf32>
      %swap3A_63 = vector.shape_cast %broadcast_in_dim3A_1 : vector<16xf32> to vector<1x16xf32>
      tpu.vector_store %arg5[%swap3A, %swap3A_60], %swap3A_63 {strides = array<i32>} : memref<128x128xf32, #tpu.memory_space<vmem>>, vector<1x16xf32>,
      %swap3A_64 = arith.index_cast %scan3A_59 : i32 to index
      %swap3A_65 = arith.constant 16 : index
      %swap3A_66 = tpu.vector_load %arg5[%swap3A_64, %swap3A_65] {strides = array<i32>} : memref<128x128xf32, #tpu.memory_space<vmem>>, vector<1x16xf32>,
      %swap3A_67 = vector.shape_cast %swap3A_66 : vector<1x16xf32> to vector<16xf32>
      %swap3A_68 = vector.shape_cast %broadcast_in_dim3A_1 : vector<16xf32> to vector<1x16xf32>
      tpu.vector_store %arg5[%swap3A_64, %swap3A_65], %swap3A_68 {strides = array<i32>} : memref<128x128xf32, #tpu.memory_space<vmem>>, vector<1x16xf32>,
      %swap3A_69 = arith.index_cast %scan3A_59 : i32 to index
      %swap3A_70 = arith.constant 32 : index
      %swap3A_71 = tpu.vector_load %arg5[%swap3A_69, %swap3A_70] {strides = array<i32>} : memref<128x128xf32, #tpu.memory_space<vmem>>, vector<1x16xf32>,
      %swap3A_72 = vector.shape_cast %swap3A_71 : vector<1x16xf32> to vector<16xf32>
      %swap3A_73 = vector.shape_cast %broadcast_in_dim3A_1 : vector<16xf32> to vector<1x16xf32>
      tpu.vector_store %arg5[%swap3A_69, %swap3A_70], %swap3A_73 {strides = array<i32>} : memref<128x128xf32, #tpu.memory_space<vmem>>, vector<1x16xf32>,
      %swap3A_74 = arith.index_cast %scan3A_59 : i32 to index
      %swap3A_75 = arith.constant 48 : index
      %swap3A_76 = tpu.vector_load %arg5[%swap3A_74, %swap3A_75] {strides = array<i32>} : memref<128x128xf32, #tpu.memory_space<vmem>>, vector<1x16xf32>,
      %swap3A_77 = vector.shape_cast %swap3A_76 : vector<1x16xf32> to vector<16xf32>
      %swap3A_78 = vector.shape_cast %broadcast_in_dim3A_1 : vector<16xf32> to vector<1x16xf32>
      tpu.vector_store %arg5[%swap3A_74, %swap3A_75], %swap3A_78 {strides = array<i32>} : memref<128x128xf32, #tpu.memory_space<vmem>>, vector<1x16xf32>,
      %swap3A_79 = arith.index_cast %scan3A_59 : i32 to index
      %swap3A_80 = arith.constant 64 : index
      %swap3A_81 = tpu.vector_load %arg5[%swap3A_79, %swap3A_80] {strides = array<i32>} : memref<128x128xf32, #tpu.memory_space<vmem>>, vector<1x16xf32>,
      %swap3A_82 = vector.shape_cast %swap3A_81 : vector<1x16xf32> to vector<16xf32>
      %swap3A_83 = vector.shape_cast %broadcast_in_dim3A_1 : vector<16xf32> to vector<1x16xf32>
      tpu.vector_store %arg5[%swap3A_79, %swap3A_80], %swap3A_83 {strides = array<i32>} : memref<128x128xf32, #tpu.memory_space<vmem>>, vector<1x16xf32>,
      %swap3A_84 = arith.index_cast %scan3A_59 : i32 to index
      %swap3A_85 = arith.constant 80 : index
      %swap3A_86 = tpu.vector_load %arg5[%swap3A_84, %swap3A_85] {strides = array<i32>} : memref<128x128xf32, #tpu.memory_space<vmem>>, vector<1x16xf32>,
      %swap3A_87 = vector.shape_cast %swap3A_86 : vector<1x16xf32> to vector<16xf32>
      %swap3A_88 = vector.shape_cast %broadcast_in_dim3A_1 : vector<16xf32> to vector<1x16xf32>
      tpu.vector_store %arg5[%swap3A_84, %swap3A_85], %swap3A_88 {strides = array<i32>} : memref<128x128xf32, #tpu.memory_space<vmem>>, vector<1x16xf32>,
      %swap3A_89 = arith.index_cast %scan3A_59 : i32 to index
      %swap3A_90 = arith.constant 96 : index
      %swap3A_91 = tpu.vector_load %arg5[%swap3A_89, %swap3A_90] {strides = array<i32>} : memref<128x128xf32, #tpu.memory_space<vmem>>, vector<1x16xf32>,
      %swap3A_92 = vector.shape_cast %swap3A_91 : vector<1x16xf32> to vector<16xf32>
      %swap3A_93 = vector.shape_cast %broadcast_in_dim3A_1 : vector<16xf32> to vector<1x16xf32>
      tpu.vector_store %arg5[%swap3A_89, %swap3A_90], %swap3A_93 {strides = array<i32>} : memref<128x128xf32, #tpu.memory_space<vmem>>, vector<1x16xf32>,
      %swap3A_94 = arith.index_cast %scan3A_59 : i32 to index
      %swap3A_95 = arith.constant 112 : index
      %swap3A_96 = tpu.vector_load %arg5[%swap3A_94, %swap3A_95] {strides = array<i32>} : memref<128x128xf32, #tpu.memory_space<vmem>>, vector<1x16xf32>,
      %swap3A_97 = vector.shape_cast %swap3A_96 : vector<1x16xf32> to vector<16xf32>
      %swap3A_98 = vector.shape_cast %broadcast_in_dim3A_1 : vector<16xf32> to vector<1x16xf32>
      tpu.vector_store %arg5[%swap3A_94, %swap3A_95], %swap3A_98 {strides = array<i32>} : memref<128x128xf32, #tpu.memory_space<vmem>>, vector<1x16xf32>,
    }
    %scan3A_8 = arith.constant 128 : i32
    %mul3A_9 = arith.constant 632 : i32
    %mul3A_10 = arith.muli %arg1, %mul3A_9 : i32
    %add3A_11 = arith.constant 0 : i32
    %add3A_12 = arith.addi %mul3A_10, %add3A_11 : i32
    "tpu.region"() ({
      %run_scoped3A = tpu.sem_alloc : memref<!tpu.dma_semaphore, #tpu.memory_space<semaphore_mem>>
      %dma_start3A = arith.constant 0 : i32
      %dma_start3A_59 = arith.constant 0 : i32
      %dma_start3A_60 = tpu.memref_slice %arg5[%dma_start3A, %dma_start3A_59] : memref<128x128xf32, #tpu.memory_space<vmem>> -> memref<128x128xf32, #tpu.memory_space<vmem>>
      %dma_start3A_61 = arith.constant 0 : i32
      %dma_start3A_62 = tpu.memref_slice %arg6[%add3A_12, %dma_start3A_61] : memref<10112x128xf32, #tpu.memory_space<vmem_shared>> -> memref<128x128xf32, #tpu.memory_space<vmem_shared>>
      %dma_start3A_63 = arith.constant 0 : i32
      %dma_start3A_64 = tpu.memref_slice %arg6[%add3A_12, %dma_start3A_63] : memref<10112x128xf32, #tpu.memory_space<vmem_shared>> -> memref<128x128xf32, #tpu.memory_space<vmem_shared>>
      %dma_start3A_65 = arith.constant 0 : i32
      %dma_start3A_66 = arith.constant 0 : i32
      %dma_start3A_67 = tpu.memref_slice %arg5[%dma_start3A_65, %dma_start3A_66] : memref<128x128xf32, #tpu.memory_space<vmem>> -> memref<128x128xf32, #tpu.memory_space<vmem>>
      tpu.enqueue_dma source(%dma_start3A_67 : memref<128x128xf32, #tpu.memory_space<vmem>>) target(%dma_start3A_64 : memref<128x128xf32, #tpu.memory_space<vmem_shared>>) target_semaphore(%run_scoped3A : memref<!tpu.dma_semaphore, #tpu.memory_space<semaphore_mem>>)
      %dma_wait3A = arith.constant 0 : i32
      %dma_wait3A_68 = arith.constant 0 : i32
      %dma_wait3A_69 = tpu.memref_slice %arg5[%dma_wait3A, %dma_wait3A_68] : memref<128x128xf32, #tpu.memory_space<vmem>> -> memref<128x128xf32, #tpu.memory_space<vmem>>
      %dma_wait3A_70 = arith.constant 0 : i32
      %dma_wait3A_71 = tpu.memref_slice %arg6[%add3A_12, %dma_wait3A_70] : memref<10112x128xf32, #tpu.memory_space<vmem_shared>> -> memref<128x128xf32, #tpu.memory_space<vmem_shared>>
      %dma_wait3A_72 = arith.constant 0 : i32
      %dma_wait3A_73 = tpu.memref_slice %arg6[%add3A_12, %dma_wait3A_72] : memref<10112x128xf32, #tpu.memory_space<vmem_shared>> -> memref<128x128xf32, #tpu.memory_space<vmem_shared>>
      %dma_wait3A_74 = arith.constant 0 : i32
      %dma_wait3A_75 = arith.constant 0 : i32
      %dma_wait3A_76 = tpu.memref_slice %arg5[%dma_wait3A_74, %dma_wait3A_75] : memref<128x128xf32, #tpu.memory_space<vmem>> -> memref<128x128xf32, #tpu.memory_space<vmem>>
      tpu.wait_dma2 semaphore(%run_scoped3A : memref<!tpu.dma_semaphore, #tpu.memory_space<semaphore_mem>>) src(%dma_wait3A_76 : memref<128x128xf32, #tpu.memory_space<vmem>>) dst(%dma_wait3A_73 : memref<128x128xf32, #tpu.memory_space<vmem_shared>>)
      tpu.yield
    }) : () -> ()
    %add3A_13 = arith.constant 128 : i32
    %add3A_14 = arith.addi %mul3A_10, %add3A_13 : i32
    "tpu.region"() ({
      %run_scoped3A = tpu.sem_alloc : memref<!tpu.dma_semaphore, #tpu.memory_space<semaphore_mem>>
      %dma_start3A = arith.constant 0 : i32
      %dma_start3A_59 = arith.constant 0 : i32
      %dma_start3A_60 = tpu.memref_slice %arg5[%dma_start3A, %dma_start3A_59] : memref<128x128xf32, #tpu.memory_space<vmem>> -> memref<128x128xf32, #tpu.memory_space<vmem>>
      %dma_start3A_61 = arith.constant 0 : i32
      %dma_start3A_62 = tpu.memref_slice %arg6[%add3A_14, %dma_start3A_61] : memref<10112x128xf32, #tpu.memory_space<vmem_shared>> -> memref<128x128xf32, #tpu.memory_space<vmem_shared>>
      %dma_start3A_63 = arith.constant 0 : i32
      %dma_start3A_64 = tpu.memref_slice %arg6[%add3A_14, %dma_start3A_63] : memref<10112x128xf32, #tpu.memory_space<vmem_shared>> -> memref<128x128xf32, #tpu.memory_space<vmem_shared>>
      %dma_start3A_65 = arith.constant 0 : i32
      %dma_start3A_66 = arith.constant 0 : i32
      %dma_start3A_67 = tpu.memref_slice %arg5[%dma_start3A_65, %dma_start3A_66] : memref<128x128xf32, #tpu.memory_space<vmem>> -> memref<128x128xf32, #tpu.memory_space<vmem>>
      tpu.enqueue_dma source(%dma_start3A_67 : memref<128x128xf32, #tpu.memory_space<vmem>>) target(%dma_start3A_64 : memref<128x128xf32, #tpu.memory_space<vmem_shared>>) target_semaphore(%run_scoped3A : memref<!tpu.dma_semaphore, #tpu.memory_space<semaphore_mem>>)
      %dma_wait3A = arith.constant 0 : i32
      %dma_wait3A_68 = arith.constant 0 : i32
      %dma_wait3A_69 = tpu.memref_slice %arg5[%dma_wait3A, %dma_wait3A_68] : memref<128x128xf32, #tpu.memory_space<vmem>> -> memref<128x128xf32, #tpu.memory_space<vmem>>
      %dma_wait3A_70 = arith.constant 0 : i32
      %dma_wait3A_71 = tpu.memref_slice %arg6[%add3A_14, %dma_wait3A_70] : memref<10112x128xf32, #tpu.memory_space<vmem_shared>> -> memref<128x128xf32, #tpu.memory_space<vmem_shared>>
      %dma_wait3A_72 = arith.constant 0 : i32
      %dma_wait3A_73 = tpu.memref_slice %arg6[%add3A_14, %dma_wait3A_72] : memref<10112x128xf32, #tpu.memory_space<vmem_shared>> -> memref<128x128xf32, #tpu.memory_space<vmem_shared>>
      %dma_wait3A_74 = arith.constant 0 : i32
      %dma_wait3A_75 = arith.constant 0 : i32
      %dma_wait3A_76 = tpu.memref_slice %arg5[%dma_wait3A_74, %dma_wait3A_75] : memref<128x128xf32, #tpu.memory_space<vmem>> -> memref<128x128xf32, #tpu.memory_space<vmem>>
      tpu.wait_dma2 semaphore(%run_scoped3A : memref<!tpu.dma_semaphore, #tpu.memory_space<semaphore_mem>>) src(%dma_wait3A_76 : memref<128x128xf32, #tpu.memory_space<vmem>>) dst(%dma_wait3A_73 : memref<128x128xf32, #tpu.memory_space<vmem_shared>>)
      tpu.yield
    }) : () -> ()
    %add3A_15 = arith.constant 256 : i32
    %add3A_16 = arith.addi %mul3A_10, %add3A_15 : i32
    "tpu.region"() ({
      %run_scoped3A = tpu.sem_alloc : memref<!tpu.dma_semaphore, #tpu.memory_space<semaphore_mem>>
      %dma_start3A = arith.constant 0 : i32
      %dma_start3A_59 = arith.constant 0 : i32
      %dma_start3A_60 = tpu.memref_slice %arg5[%dma_start3A, %dma_start3A_59] : memref<128x128xf32, #tpu.memory_space<vmem>> -> memref<128x128xf32, #tpu.memory_space<vmem>>
      %dma_start3A_61 = arith.constant 0 : i32
      %dma_start3A_62 = tpu.memref_slice %arg6[%add3A_16, %dma_start3A_61] : memref<10112x128xf32, #tpu.memory_space<vmem_shared>> -> memref<128x128xf32, #tpu.memory_space<vmem_shared>>
      %dma_start3A_63 = arith.constant 0 : i32
      %dma_start3A_64 = tpu.memref_slice %arg6[%add3A_16, %dma_start3A_63] : memref<10112x128xf32, #tpu.memory_space<vmem_shared>> -> memref<128x128xf32, #tpu.memory_space<vmem_shared>>
      %dma_start3A_65 = arith.constant 0 : i32
      %dma_start3A_66 = arith.constant 0 : i32
      %dma_start3A_67 = tpu.memref_slice %arg5[%dma_start3A_65, %dma_start3A_66] : memref<128x128xf32, #tpu.memory_space<vmem>> -> memref<128x128xf32, #tpu.memory_space<vmem>>
      tpu.enqueue_dma source(%dma_start3A_67 : memref<128x128xf32, #tpu.memory_space<vmem>>) target(%dma_start3A_64 : memref<128x128xf32, #tpu.memory_space<vmem_shared>>) target_semaphore(%run_scoped3A : memref<!tpu.dma_semaphore, #tpu.memory_space<semaphore_mem>>)
      %dma_wait3A = arith.constant 0 : i32
      %dma_wait3A_68 = arith.constant 0 : i32
      %dma_wait3A_69 = tpu.memref_slice %arg5[%dma_wait3A, %dma_wait3A_68] : memref<128x128xf32, #tpu.memory_space<vmem>> -> memref<128x128xf32, #tpu.memory_space<vmem>>
      %dma_wait3A_70 = arith.constant 0 : i32
      %dma_wait3A_71 = tpu.memref_slice %arg6[%add3A_16, %dma_wait3A_70] : memref<10112x128xf32, #tpu.memory_space<vmem_shared>> -> memref<128x128xf32, #tpu.memory_space<vmem_shared>>
      %dma_wait3A_72 = arith.constant 0 : i32
      %dma_wait3A_73 = tpu.memref_slice %arg6[%add3A_16, %dma_wait3A_72] : memref<10112x128xf32, #tpu.memory_space<vmem_shared>> -> memref<128x128xf32, #tpu.memory_space<vmem_shared>>
      %dma_wait3A_74 = arith.constant 0 : i32
      %dma_wait3A_75 = arith.constant 0 : i32
      %dma_wait3A_76 = tpu.memref_slice %arg5[%dma_wait3A_74, %dma_wait3A_75] : memref<128x128xf32, #tpu.memory_space<vmem>> -> memref<128x128xf32, #tpu.memory_space<vmem>>
      tpu.wait_dma2 semaphore(%run_scoped3A : memref<!tpu.dma_semaphore, #tpu.memory_space<semaphore_mem>>) src(%dma_wait3A_76 : memref<128x128xf32, #tpu.memory_space<vmem>>) dst(%dma_wait3A_73 : memref<128x128xf32, #tpu.memory_space<vmem_shared>>)
      tpu.yield
    }) : () -> ()
    %add3A_17 = arith.constant 384 : i32
    %add3A_18 = arith.addi %mul3A_10, %add3A_17 : i32
    "tpu.region"() ({
      %run_scoped3A = tpu.sem_alloc : memref<!tpu.dma_semaphore, #tpu.memory_space<semaphore_mem>>
      %dma_start3A = arith.constant 0 : i32
      %dma_start3A_59 = arith.constant 0 : i32
      %dma_start3A_60 = tpu.memref_slice %arg5[%dma_start3A, %dma_start3A_59] : memref<128x128xf32, #tpu.memory_space<vmem>> -> memref<128x128xf32, #tpu.memory_space<vmem>>
      %dma_start3A_61 = arith.constant 0 : i32
      %dma_start3A_62 = tpu.memref_slice %arg6[%add3A_18, %dma_start3A_61] : memref<10112x128xf32, #tpu.memory_space<vmem_shared>> -> memref<128x128xf32, #tpu.memory_space<vmem_shared>>
      %dma_start3A_63 = arith.constant 0 : i32
      %dma_start3A_64 = tpu.memref_slice %arg6[%add3A_18, %dma_start3A_63] : memref<10112x128xf32, #tpu.memory_space<vmem_shared>> -> memref<128x128xf32, #tpu.memory_space<vmem_shared>>
      %dma_start3A_65 = arith.constant 0 : i32
      %dma_start3A_66 = arith.constant 0 : i32
      %dma_start3A_67 = tpu.memref_slice %arg5[%dma_start3A_65, %dma_start3A_66] : memref<128x128xf32, #tpu.memory_space<vmem>> -> memref<128x128xf32, #tpu.memory_space<vmem>>
      tpu.enqueue_dma source(%dma_start3A_67 : memref<128x128xf32, #tpu.memory_space<vmem>>) target(%dma_start3A_64 : memref<128x128xf32, #tpu.memory_space<vmem_shared>>) target_semaphore(%run_scoped3A : memref<!tpu.dma_semaphore, #tpu.memory_space<semaphore_mem>>)
      %dma_wait3A = arith.constant 0 : i32
      %dma_wait3A_68 = arith.constant 0 : i32
      %dma_wait3A_69 = tpu.memref_slice %arg5[%dma_wait3A, %dma_wait3A_68] : memref<128x128xf32, #tpu.memory_space<vmem>> -> memref<128x128xf32, #tpu.memory_space<vmem>>
      %dma_wait3A_70 = arith.constant 0 : i32
      %dma_wait3A_71 = tpu.memref_slice %arg6[%add3A_18, %dma_wait3A_70] : memref<10112x128xf32, #tpu.memory_space<vmem_shared>> -> memref<128x128xf32, #tpu.memory_space<vmem_shared>>
      %dma_wait3A_72 = arith.constant 0 : i32
      %dma_wait3A_73 = tpu.memref_slice %arg6[%add3A_18, %dma_wait3A_72] : memref<10112x128xf32, #tpu.memory_space<vmem_shared>> -> memref<128x128xf32, #tpu.memory_space<vmem_shared>>
      %dma_wait3A_74 = arith.constant 0 : i32
      %dma_wait3A_75 = arith.constant 0 : i32
      %dma_wait3A_76 = tpu.memref_slice %arg5[%dma_wait3A_74, %dma_wait3A_75] : memref<128x128xf32, #tpu.memory_space<vmem>> -> memref<128x128xf32, #tpu.memory_space<vmem>>
      tpu.wait_dma2 semaphore(%run_scoped3A : memref<!tpu.dma_semaphore, #tpu.memory_space<semaphore_mem>>) src(%dma_wait3A_76 : memref<128x128xf32, #tpu.memory_space<vmem>>) dst(%dma_wait3A_73 : memref<128x128xf32, #tpu.memory_space<vmem_shared>>)
      tpu.yield
    }) : () -> ()
    %add3A_19 = arith.constant 512 : i32
    %add3A_20 = arith.addi %mul3A_10, %add3A_19 : i32
    "tpu.region"() ({
      %run_scoped3A = tpu.sem_alloc : memref<!tpu.dma_semaphore, #tpu.memory_space<semaphore_mem>>
      %dma_start3A = arith.constant 0 : i32
      %dma_start3A_59 = arith.constant 0 : i32
      %dma_start3A_60 = tpu.memref_slice %arg5[%dma_start3A, %dma_start3A_59] : memref<128x128xf32, #tpu.memory_space<vmem>> -> memref<120x128xf32, #tpu.memory_space<vmem>>
      %dma_start3A_61 = arith.constant 0 : i32
      %dma_start3A_62 = tpu.memref_slice %arg6[%add3A_20, %dma_start3A_61] : memref<10112x128xf32, #tpu.memory_space<vmem_shared>> -> memref<120x128xf32, #tpu.memory_space<vmem_shared>>
      %dma_start3A_63 = arith.constant 0 : i32
      %dma_start3A_64 = tpu.memref_slice %arg6[%add3A_20, %dma_start3A_63] : memref<10112x128xf32, #tpu.memory_space<vmem_shared>> -> memref<120x128xf32, #tpu.memory_space<vmem_shared>>
      %dma_start3A_65 = arith.constant 0 : i32
      %dma_start3A_66 = arith.constant 0 : i32
      %dma_start3A_67 = tpu.memref_slice %arg5[%dma_start3A_65, %dma_start3A_66] : memref<128x128xf32, #tpu.memory_space<vmem>> -> memref<120x128xf32, #tpu.memory_space<vmem>>
      tpu.enqueue_dma source(%dma_start3A_67 : memref<120x128xf32, #tpu.memory_space<vmem>>) target(%dma_start3A_64 : memref<120x128xf32, #tpu.memory_space<vmem_shared>>) target_semaphore(%run_scoped3A : memref<!tpu.dma_semaphore, #tpu.memory_space<semaphore_mem>>)
      %dma_wait3A = arith.constant 0 : i32
      %dma_wait3A_68 = arith.constant 0 : i32
      %dma_wait3A_69 = tpu.memref_slice %arg5[%dma_wait3A, %dma_wait3A_68] : memref<128x128xf32, #tpu.memory_space<vmem>> -> memref<120x128xf32, #tpu.memory_space<vmem>>
      %dma_wait3A_70 = arith.constant 0 : i32
      %dma_wait3A_71 = tpu.memref_slice %arg6[%add3A_20, %dma_wait3A_70] : memref<10112x128xf32, #tpu.memory_space<vmem_shared>> -> memref<120x128xf32, #tpu.memory_space<vmem_shared>>
      %dma_wait3A_72 = arith.constant 0 : i32
      %dma_wait3A_73 = tpu.memref_slice %arg6[%add3A_20, %dma_wait3A_72] : memref<10112x128xf32, #tpu.memory_space<vmem_shared>> -> memref<120x128xf32, #tpu.memory_space<vmem_shared>>
      %dma_wait3A_74 = arith.constant 0 : i32
      %dma_wait3A_75 = arith.constant 0 : i32
      %dma_wait3A_76 = tpu.memref_slice %arg5[%dma_wait3A_74, %dma_wait3A_75] : memref<128x128xf32, #tpu.memory_space<vmem>> -> memref<120x128xf32, #tpu.memory_space<vmem>>
      tpu.wait_dma2 semaphore(%run_scoped3A : memref<!tpu.dma_semaphore, #tpu.memory_space<semaphore_mem>>) src(%dma_wait3A_76 : memref<120x128xf32, #tpu.memory_space<vmem>>) dst(%dma_wait3A_73 : memref<120x128xf32, #tpu.memory_space<vmem_shared>>)
      tpu.yield
    }) : () -> ()
    %scan3A_21 = arith.constant 0 : i32
    %scan3A_22 = arith.constant 0 : i32
    %scan3A_23 = arith.constant 128 : i32
    %scan3A_24 = arith.addi %scan3A_22, %scan3A_23 : i32
    %scan3A_25 = arith.constant 1 : i32
    scf.for %scan3A_59 = %scan3A_22 to %scan3A_24 step %scan3A_25  : i32 {
      %swap3A = arith.index_cast %scan3A_59 : i32 to index
      %swap3A_60 = arith.constant 0 : index
      %swap3A_61 = tpu.vector_load %arg5[%swap3A, %swap3A_60] {strides = array<i32>} : memref<128x128xf32, #tpu.memory_space<vmem>>, vector<1x16xf32>,
      %swap3A_62 = vector.shape_cast %swap3A_61 : vector<1x16xf32> to vector<16xf32>
      %swap3A_63 = vector.shape_cast %broadcast_in_dim3A_3 : vector<16xf32> to vector<1x16xf32>
      tpu.vector_store %arg5[%swap3A, %swap3A_60], %swap3A_63 {strides = array<i32>} : memref<128x128xf32, #tpu.memory_space<vmem>>, vector<1x16xf32>,
      %swap3A_64 = arith.index_cast %scan3A_59 : i32 to index
      %swap3A_65 = arith.constant 16 : index
      %swap3A_66 = tpu.vector_load %arg5[%swap3A_64, %swap3A_65] {strides = array<i32>} : memref<128x128xf32, #tpu.memory_space<vmem>>, vector<1x16xf32>,
      %swap3A_67 = vector.shape_cast %swap3A_66 : vector<1x16xf32> to vector<16xf32>
      %swap3A_68 = vector.shape_cast %broadcast_in_dim3A_3 : vector<16xf32> to vector<1x16xf32>
      tpu.vector_store %arg5[%swap3A_64, %swap3A_65], %swap3A_68 {strides = array<i32>} : memref<128x128xf32, #tpu.memory_space<vmem>>, vector<1x16xf32>,
      %swap3A_69 = arith.index_cast %scan3A_59 : i32 to index
      %swap3A_70 = arith.constant 32 : index
      %swap3A_71 = tpu.vector_load %arg5[%swap3A_69, %swap3A_70] {strides = array<i32>} : memref<128x128xf32, #tpu.memory_space<vmem>>, vector<1x16xf32>,
      %swap3A_72 = vector.shape_cast %swap3A_71 : vector<1x16xf32> to vector<16xf32>
      %swap3A_73 = vector.shape_cast %broadcast_in_dim3A_3 : vector<16xf32> to vector<1x16xf32>
      tpu.vector_store %arg5[%swap3A_69, %swap3A_70], %swap3A_73 {strides = array<i32>} : memref<128x128xf32, #tpu.memory_space<vmem>>, vector<1x16xf32>,
      %swap3A_74 = arith.index_cast %scan3A_59 : i32 to index
      %swap3A_75 = arith.constant 48 : index
      %swap3A_76 = tpu.vector_load %arg5[%swap3A_74, %swap3A_75] {strides = array<i32>} : memref<128x128xf32, #tpu.memory_space<vmem>>, vector<1x16xf32>,
      %swap3A_77 = vector.shape_cast %swap3A_76 : vector<1x16xf32> to vector<16xf32>
      %swap3A_78 = vector.shape_cast %broadcast_in_dim3A_3 : vector<16xf32> to vector<1x16xf32>
      tpu.vector_store %arg5[%swap3A_74, %swap3A_75], %swap3A_78 {strides = array<i32>} : memref<128x128xf32, #tpu.memory_space<vmem>>, vector<1x16xf32>,
      %swap3A_79 = arith.index_cast %scan3A_59 : i32 to index
      %swap3A_80 = arith.constant 64 : index
      %swap3A_81 = tpu.vector_load %arg5[%swap3A_79, %swap3A_80] {strides = array<i32>} : memref<128x128xf32, #tpu.memory_space<vmem>>, vector<1x16xf32>,
      %swap3A_82 = vector.shape_cast %swap3A_81 : vector<1x16xf32> to vector<16xf32>
      %swap3A_83 = vector.shape_cast %broadcast_in_dim3A_3 : vector<16xf32> to vector<1x16xf32>
      tpu.vector_store %arg5[%swap3A_79, %swap3A_80], %swap3A_83 {strides = array<i32>} : memref<128x128xf32, #tpu.memory_space<vmem>>, vector<1x16xf32>,
      %swap3A_84 = arith.index_cast %scan3A_59 : i32 to index
      %swap3A_85 = arith.constant 80 : index
      %swap3A_86 = tpu.vector_load %arg5[%swap3A_84, %swap3A_85] {strides = array<i32>} : memref<128x128xf32, #tpu.memory_space<vmem>>, vector<1x16xf32>,
      %swap3A_87 = vector.shape_cast %swap3A_86 : vector<1x16xf32> to vector<16xf32>
      %swap3A_88 = vector.shape_cast %broadcast_in_dim3A_3 : vector<16xf32> to vector<1x16xf32>
      tpu.vector_store %arg5[%swap3A_84, %swap3A_85], %swap3A_88 {strides = array<i32>} : memref<128x128xf32, #tpu.memory_space<vmem>>, vector<1x16xf32>,
      %swap3A_89 = arith.index_cast %scan3A_59 : i32 to index
      %swap3A_90 = arith.constant 96 : index
      %swap3A_91 = tpu.vector_load %arg5[%swap3A_89, %swap3A_90] {strides = array<i32>} : memref<128x128xf32, #tpu.memory_space<vmem>>, vector<1x16xf32>,
      %swap3A_92 = vector.shape_cast %swap3A_91 : vector<1x16xf32> to vector<16xf32>
      %swap3A_93 = vector.shape_cast %broadcast_in_dim3A_3 : vector<16xf32> to vector<1x16xf32>
      tpu.vector_store %arg5[%swap3A_89, %swap3A_90], %swap3A_93 {strides = array<i32>} : memref<128x128xf32, #tpu.memory_space<vmem>>, vector<1x16xf32>,
      %swap3A_94 = arith.index_cast %scan3A_59 : i32 to index
      %swap3A_95 = arith.constant 112 : index
      %swap3A_96 = tpu.vector_load %arg5[%swap3A_94, %swap3A_95] {strides = array<i32>} : memref<128x128xf32, #tpu.memory_space<vmem>>, vector<1x16xf32>,
      %swap3A_97 = vector.shape_cast %swap3A_96 : vector<1x16xf32> to vector<16xf32>
      %swap3A_98 = vector.shape_cast %broadcast_in_dim3A_3 : vector<16xf32> to vector<1x16xf32>
      tpu.vector_store %arg5[%swap3A_94, %swap3A_95], %swap3A_98 {strides = array<i32>} : memref<128x128xf32, #tpu.memory_space<vmem>>, vector<1x16xf32>,
    }
    %scan3A_26 = arith.constant 128 : i32
    %barrier3A = arith.constant 0 : index
    tpu.barrier barrier_id(%barrier3A)
    %mul3A_27 = arith.constant 80 : i32
    %mul3A_28 = arith.muli %add3A, %mul3A_27 : i32
    %scan3A_29 = arith.constant 0 : i32
    %scan3A_30 = arith.constant 0 : i32
    %scan3A_31 = arith.constant 5 : i32
    %scan3A_32 = arith.addi %scan3A_30, %scan3A_31 : i32
    %scan3A_33 = arith.constant 1 : i32
    scf.for %scan3A_59 = %scan3A_30 to %scan3A_32 step %scan3A_33  : i32 {
      %mul3A_60 = arith.constant 16 : i32
      %mul3A_61 = arith.muli %scan3A_59, %mul3A_60 : i32
      %add3A_62 = arith.addi %mul3A_28, %mul3A_61 : i32
      "tpu.region"() ({
        %run_scoped3A = tpu.sem_alloc : memref<!tpu.dma_semaphore, #tpu.memory_space<semaphore_mem>>
        %dma_start3A = arith.constant 0 : i32
        %dma_start3A_68 = tpu.memref_slice %arg2[%add3A_62, %dma_start3A] : memref<2560x128xi32, #tpu.memory_space<hbm>> -> memref<16x128xi32, #tpu.memory_space<hbm>>
        %dma_start3A_69 = arith.constant 0 : i32
        %dma_start3A_70 = tpu.memref_slice %arg2[%add3A_62, %dma_start3A_69] : memref<2560x128xi32, #tpu.memory_space<hbm>> -> memref<16x128xi32, #tpu.memory_space<hbm>>
        tpu.enqueue_dma source(%dma_start3A_70 : memref<16x128xi32, #tpu.memory_space<hbm>>) target(%arg4 : memref<16x128xi32, #tpu.memory_space<vmem>>) target_semaphore(%run_scoped3A : memref<!tpu.dma_semaphore, #tpu.memory_space<semaphore_mem>>)
        %dma_wait3A = arith.constant 0 : i32
        %dma_wait3A_71 = tpu.memref_slice %arg2[%add3A_62, %dma_wait3A] : memref<2560x128xi32, #tpu.memory_space<hbm>> -> memref<16x128xi32, #tpu.memory_space<hbm>>
        %dma_wait3A_72 = arith.constant 0 : i32
        %dma_wait3A_73 = tpu.memref_slice %arg2[%add3A_62, %dma_wait3A_72] : memref<2560x128xi32, #tpu.memory_space<hbm>> -> memref<16x128xi32, #tpu.memory_space<hbm>>
        tpu.wait_dma2 semaphore(%run_scoped3A : memref<!tpu.dma_semaphore, #tpu.memory_space<semaphore_mem>>) src(%dma_wait3A_73 : memref<16x128xi32, #tpu.memory_space<hbm>>) dst(%arg4 : memref<16x128xi32, #tpu.memory_space<vmem>>)
        tpu.yield
      }) : () -> ()
      %scan3A_63 = arith.constant 0 : i32
      %scan3A_64 = arith.constant 16 : i32
      %scan3A_65 = arith.addi %scan3A_63, %scan3A_64 : i32
      %scan3A_66 = arith.constant 1 : i32
      scf.for %scan3A_68 = %scan3A_63 to %scan3A_65 step %scan3A_66  : i32 {
        "tpu.region"() ({
          %run_scoped3A = tpu.sem_alloc : memref<!tpu.dma_semaphore, #tpu.memory_space<semaphore_mem>>
          %dma_start3A = arith.constant 0 : i32
          %dma_start3A_69 = tpu.memref_slice %arg4[%scan3A_68, %dma_start3A] : memref<16x128xi32, #tpu.memory_space<vmem>> -> memref<1x128xi32, #tpu.memory_space<vmem>>
          %dma_start3A_70 = tpu.memref_squeeze %dma_start3A_69 : memref<1x128xi32, #tpu.memory_space<vmem>> -> memref<128xi32, #tpu.memory_space<vmem>>
          %dma_start3A_71 = arith.constant 0 : i32
          %dma_start3A_72 = arith.constant 0 : i32
          %dma_start3A_73 = tpu.memref_slice %arg6[%dma_start3A_71, %dma_start3A_72] : memref<10112x128xf32, #tpu.memory_space<vmem_shared>> -> memref<10112x128xf32, #tpu.memory_space<vmem_shared>>
          tpu.enqueue_indirect_dma source(%arg5 : memref<128x128xf32, #tpu.memory_space<vmem>>) target(%dma_start3A_73 : memref<10112x128xf32, #tpu.memory_space<vmem_shared>>) offsets(%dma_start3A_70 : memref<128xi32, #tpu.memory_space<vmem>>) semaphore(%run_scoped3A : memref<!tpu.dma_semaphore, #tpu.memory_space<semaphore_mem>>) {add = true}
          %dma_wait3A = arith.constant 0 : i32
          %dma_wait3A_74 = tpu.memref_slice %arg4[%scan3A_68, %dma_wait3A] : memref<16x128xi32, #tpu.memory_space<vmem>> -> memref<1x128xi32, #tpu.memory_space<vmem>>
          %dma_wait3A_75 = tpu.memref_squeeze %dma_wait3A_74 : memref<1x128xi32, #tpu.memory_space<vmem>> -> memref<128xi32, #tpu.memory_space<vmem>>
          %dma_wait3A_76 = arith.constant 0 : i32
          %dma_wait3A_77 = arith.constant 0 : i32
          %dma_wait3A_78 = tpu.memref_slice %arg6[%dma_wait3A_76, %dma_wait3A_77] : memref<10112x128xf32, #tpu.memory_space<vmem_shared>> -> memref<10112x128xf32, #tpu.memory_space<vmem_shared>>
          tpu.wait_indirect_dma semaphore(%run_scoped3A : memref<!tpu.dma_semaphore, #tpu.memory_space<semaphore_mem>>) src(%arg5 : memref<128x128xf32, #tpu.memory_space<vmem>>) dst(%dma_wait3A_78 : memref<10112x128xf32, #tpu.memory_space<vmem_shared>>)
          tpu.yield
        }) : () -> ()
      }
      %scan3A_67 = arith.constant 16 : i32
    }
    %scan3A_34 = arith.constant 5 : i32
    %barrier3A_35 = arith.constant 0 : index
    tpu.barrier barrier_id(%barrier3A_35)
    %mul3A_36 = arith.constant 10112 : i32
    %mul3A_37 = arith.muli %arg0, %mul3A_36 : i32
    %add3A_38 = arith.addi %mul3A_37, %mul3A_10 : i32
    %add3A_39 = arith.constant 0 : i32
    %add3A_40 = arith.addi %mul3A_10, %add3A_39 : i32
    "tpu.region"() ({
      %run_scoped3A = tpu.sem_alloc : memref<!tpu.dma_semaphore, #tpu.memory_space<semaphore_mem>>
      %dma_start3A = arith.constant 0 : i32
      %dma_start3A_59 = arith.constant 0 : i32
      %dma_start3A_60 = tpu.memref_slice %arg5[%dma_start3A, %dma_start3A_59] : memref<128x128xf32, #tpu.memory_space<vmem>> -> memref<128x128xf32, #tpu.memory_space<vmem>>
      %dma_start3A_61 = arith.constant 0 : i32
      %dma_start3A_62 = tpu.memref_slice %arg6[%add3A_40, %dma_start3A_61] : memref<10112x128xf32, #tpu.memory_space<vmem_shared>> -> memref<128x128xf32, #tpu.memory_space<vmem_shared>>
      %dma_start3A_63 = arith.constant 0 : i32
      %dma_start3A_64 = arith.constant 0 : i32
      %dma_start3A_65 = tpu.memref_slice %arg5[%dma_start3A_63, %dma_start3A_64] : memref<128x128xf32, #tpu.memory_space<vmem>> -> memref<128x128xf32, #tpu.memory_space<vmem>>
      %dma_start3A_66 = arith.constant 0 : i32
      %dma_start3A_67 = tpu.memref_slice %arg6[%add3A_40, %dma_start3A_66] : memref<10112x128xf32, #tpu.memory_space<vmem_shared>> -> memref<128x128xf32, #tpu.memory_space<vmem_shared>>
      tpu.enqueue_dma source(%dma_start3A_67 : memref<128x128xf32, #tpu.memory_space<vmem_shared>>) target(%dma_start3A_65 : memref<128x128xf32, #tpu.memory_space<vmem>>) target_semaphore(%run_scoped3A : memref<!tpu.dma_semaphore, #tpu.memory_space<semaphore_mem>>)
      %dma_wait3A = arith.constant 0 : i32
      %dma_wait3A_68 = arith.constant 0 : i32
      %dma_wait3A_69 = tpu.memref_slice %arg5[%dma_wait3A, %dma_wait3A_68] : memref<128x128xf32, #tpu.memory_space<vmem>> -> memref<128x128xf32, #tpu.memory_space<vmem>>
      %dma_wait3A_70 = arith.constant 0 : i32
      %dma_wait3A_71 = tpu.memref_slice %arg6[%add3A_40, %dma_wait3A_70] : memref<10112x128xf32, #tpu.memory_space<vmem_shared>> -> memref<128x128xf32, #tpu.memory_space<vmem_shared>>
      %dma_wait3A_72 = arith.constant 0 : i32
      %dma_wait3A_73 = arith.constant 0 : i32
      %dma_wait3A_74 = tpu.memref_slice %arg5[%dma_wait3A_72, %dma_wait3A_73] : memref<128x128xf32, #tpu.memory_space<vmem>> -> memref<128x128xf32, #tpu.memory_space<vmem>>
      %dma_wait3A_75 = arith.constant 0 : i32
      %dma_wait3A_76 = tpu.memref_slice %arg6[%add3A_40, %dma_wait3A_75] : memref<10112x128xf32, #tpu.memory_space<vmem_shared>> -> memref<128x128xf32, #tpu.memory_space<vmem_shared>>
      tpu.wait_dma2 semaphore(%run_scoped3A : memref<!tpu.dma_semaphore, #tpu.memory_space<semaphore_mem>>) src(%dma_wait3A_76 : memref<128x128xf32, #tpu.memory_space<vmem_shared>>) dst(%dma_wait3A_74 : memref<128x128xf32, #tpu.memory_space<vmem>>)
      tpu.yield
    }) : () -> ()
    %add3A_41 = arith.constant 0 : i32
    %add3A_42 = arith.addi %add3A_38, %add3A_41 : i32
    "tpu.region"() ({
      %run_scoped3A = tpu.sem_alloc : memref<!tpu.dma_semaphore, #tpu.memory_space<semaphore_mem>>
      %dma_start3A = arith.constant 0 : i32
      %dma_start3A_59 = arith.constant 0 : i32
      %dma_start3A_60 = tpu.memref_slice %arg5[%dma_start3A, %dma_start3A_59] : memref<128x128xf32, #tpu.memory_space<vmem>> -> memref<128x128xf32, #tpu.memory_space<vmem>>
      %dma_start3A_61 = arith.constant 0 : i32
      %dma_start3A_62 = tpu.memref_slice %arg3[%add3A_42, %dma_start3A_61] : memref<20224x128xf32, #tpu.memory_space<hbm>> -> memref<128x128xf32, #tpu.memory_space<hbm>>
      %dma_start3A_63 = arith.constant 0 : i32
      %dma_start3A_64 = tpu.memref_slice %arg3[%add3A_42, %dma_start3A_63] : memref<20224x128xf32, #tpu.memory_space<hbm>> -> memref<128x128xf32, #tpu.memory_space<hbm>>
      %dma_start3A_65 = arith.constant 0 : i32
      %dma_start3A_66 = arith.constant 0 : i32
      %dma_start3A_67 = tpu.memref_slice %arg5[%dma_start3A_65, %dma_start3A_66] : memref<128x128xf32, #tpu.memory_space<vmem>> -> memref<128x128xf32, #tpu.memory_space<vmem>>
      tpu.enqueue_dma source(%dma_start3A_67 : memref<128x128xf32, #tpu.memory_space<vmem>>) target(%dma_start3A_64 : memref<128x128xf32, #tpu.memory_space<hbm>>) target_semaphore(%run_scoped3A : memref<!tpu.dma_semaphore, #tpu.memory_space<semaphore_mem>>)
      %dma_wait3A = arith.constant 0 : i32
      %dma_wait3A_68 = arith.constant 0 : i32
      %dma_wait3A_69 = tpu.memref_slice %arg5[%dma_wait3A, %dma_wait3A_68] : memref<128x128xf32, #tpu.memory_space<vmem>> -> memref<128x128xf32, #tpu.memory_space<vmem>>
      %dma_wait3A_70 = arith.constant 0 : i32
      %dma_wait3A_71 = tpu.memref_slice %arg3[%add3A_42, %dma_wait3A_70] : memref<20224x128xf32, #tpu.memory_space<hbm>> -> memref<128x128xf32, #tpu.memory_space<hbm>>
      %dma_wait3A_72 = arith.constant 0 : i32
      %dma_wait3A_73 = tpu.memref_slice %arg3[%add3A_42, %dma_wait3A_72] : memref<20224x128xf32, #tpu.memory_space<hbm>> -> memref<128x128xf32, #tpu.memory_space<hbm>>
      %dma_wait3A_74 = arith.constant 0 : i32
      %dma_wait3A_75 = arith.constant 0 : i32
      %dma_wait3A_76 = tpu.memref_slice %arg5[%dma_wait3A_74, %dma_wait3A_75] : memref<128x128xf32, #tpu.memory_space<vmem>> -> memref<128x128xf32, #tpu.memory_space<vmem>>
      tpu.wait_dma2 semaphore(%run_scoped3A : memref<!tpu.dma_semaphore, #tpu.memory_space<semaphore_mem>>) src(%dma_wait3A_76 : memref<128x128xf32, #tpu.memory_space<vmem>>) dst(%dma_wait3A_73 : memref<128x128xf32, #tpu.memory_space<hbm>>)
      tpu.yield
    }) : () -> ()
    %add3A_43 = arith.constant 128 : i32
    %add3A_44 = arith.addi %mul3A_10, %add3A_43 : i32
    "tpu.region"() ({
      %run_scoped3A = tpu.sem_alloc : memref<!tpu.dma_semaphore, #tpu.memory_space<semaphore_mem>>
      %dma_start3A = arith.constant 0 : i32
      %dma_start3A_59 = arith.constant 0 : i32
      %dma_start3A_60 = tpu.memref_slice %arg5[%dma_start3A, %dma_start3A_59] : memref<128x128xf32, #tpu.memory_space<vmem>> -> memref<128x128xf32, #tpu.memory_space<vmem>>
      %dma_start3A_61 = arith.constant 0 : i32
      %dma_start3A_62 = tpu.memref_slice %arg6[%add3A_44, %dma_start3A_61] : memref<10112x128xf32, #tpu.memory_space<vmem_shared>> -> memref<128x128xf32, #tpu.memory_space<vmem_shared>>
      %dma_start3A_63 = arith.constant 0 : i32
      %dma_start3A_64 = arith.constant 0 : i32
      %dma_start3A_65 = tpu.memref_slice %arg5[%dma_start3A_63, %dma_start3A_64] : memref<128x128xf32, #tpu.memory_space<vmem>> -> memref<128x128xf32, #tpu.memory_space<vmem>>
      %dma_start3A_66 = arith.constant 0 : i32
      %dma_start3A_67 = tpu.memref_slice %arg6[%add3A_44, %dma_start3A_66] : memref<10112x128xf32, #tpu.memory_space<vmem_shared>> -> memref<128x128xf32, #tpu.memory_space<vmem_shared>>
      tpu.enqueue_dma source(%dma_start3A_67 : memref<128x128xf32, #tpu.memory_space<vmem_shared>>) target(%dma_start3A_65 : memref<128x128xf32, #tpu.memory_space<vmem>>) target_semaphore(%run_scoped3A : memref<!tpu.dma_semaphore, #tpu.memory_space<semaphore_mem>>)
      %dma_wait3A = arith.constant 0 : i32
      %dma_wait3A_68 = arith.constant 0 : i32
      %dma_wait3A_69 = tpu.memref_slice %arg5[%dma_wait3A, %dma_wait3A_68] : memref<128x128xf32, #tpu.memory_space<vmem>> -> memref<128x128xf32, #tpu.memory_space<vmem>>
      %dma_wait3A_70 = arith.constant 0 : i32
      %dma_wait3A_71 = tpu.memref_slice %arg6[%add3A_44, %dma_wait3A_70] : memref<10112x128xf32, #tpu.memory_space<vmem_shared>> -> memref<128x128xf32, #tpu.memory_space<vmem_shared>>
      %dma_wait3A_72 = arith.constant 0 : i32
      %dma_wait3A_73 = arith.constant 0 : i32
      %dma_wait3A_74 = tpu.memref_slice %arg5[%dma_wait3A_72, %dma_wait3A_73] : memref<128x128xf32, #tpu.memory_space<vmem>> -> memref<128x128xf32, #tpu.memory_space<vmem>>
      %dma_wait3A_75 = arith.constant 0 : i32
      %dma_wait3A_76 = tpu.memref_slice %arg6[%add3A_44, %dma_wait3A_75] : memref<10112x128xf32, #tpu.memory_space<vmem_shared>> -> memref<128x128xf32, #tpu.memory_space<vmem_shared>>
      tpu.wait_dma2 semaphore(%run_scoped3A : memref<!tpu.dma_semaphore, #tpu.memory_space<semaphore_mem>>) src(%dma_wait3A_76 : memref<128x128xf32, #tpu.memory_space<vmem_shared>>) dst(%dma_wait3A_74 : memref<128x128xf32, #tpu.memory_space<vmem>>)
      tpu.yield
    }) : () -> ()
    %add3A_45 = arith.constant 128 : i32
    %add3A_46 = arith.addi %add3A_38, %add3A_45 : i32
    "tpu.region"() ({
      %run_scoped3A = tpu.sem_alloc : memref<!tpu.dma_semaphore, #tpu.memory_space<semaphore_mem>>
      %dma_start3A = arith.constant 0 : i32
      %dma_start3A_59 = arith.constant 0 : i32
      %dma_start3A_60 = tpu.memref_slice %arg5[%dma_start3A, %dma_start3A_59] : memref<128x128xf32, #tpu.memory_space<vmem>> -> memref<128x128xf32, #tpu.memory_space<vmem>>
      %dma_start3A_61 = arith.constant 0 : i32
      %dma_start3A_62 = tpu.memref_slice %arg3[%add3A_46, %dma_start3A_61] : memref<20224x128xf32, #tpu.memory_space<hbm>> -> memref<128x128xf32, #tpu.memory_space<hbm>>
      %dma_start3A_63 = arith.constant 0 : i32
      %dma_start3A_64 = tpu.memref_slice %arg3[%add3A_46, %dma_start3A_63] : memref<20224x128xf32, #tpu.memory_space<hbm>> -> memref<128x128xf32, #tpu.memory_space<hbm>>
      %dma_start3A_65 = arith.constant 0 : i32
      %dma_start3A_66 = arith.constant 0 : i32
      %dma_start3A_67 = tpu.memref_slice %arg5[%dma_start3A_65, %dma_start3A_66] : memref<128x128xf32, #tpu.memory_space<vmem>> -> memref<128x128xf32, #tpu.memory_space<vmem>>
      tpu.enqueue_dma source(%dma_start3A_67 : memref<128x128xf32, #tpu.memory_space<vmem>>) target(%dma_start3A_64 : memref<128x128xf32, #tpu.memory_space<hbm>>) target_semaphore(%run_scoped3A : memref<!tpu.dma_semaphore, #tpu.memory_space<semaphore_mem>>)
      %dma_wait3A = arith.constant 0 : i32
      %dma_wait3A_68 = arith.constant 0 : i32
      %dma_wait3A_69 = tpu.memref_slice %arg5[%dma_wait3A, %dma_wait3A_68] : memref<128x128xf32, #tpu.memory_space<vmem>> -> memref<128x128xf32, #tpu.memory_space<vmem>>
      %dma_wait3A_70 = arith.constant 0 : i32
      %dma_wait3A_71 = tpu.memref_slice %arg3[%add3A_46, %dma_wait3A_70] : memref<20224x128xf32, #tpu.memory_space<hbm>> -> memref<128x128xf32, #tpu.memory_space<hbm>>
      %dma_wait3A_72 = arith.constant 0 : i32
      %dma_wait3A_73 = tpu.memref_slice %arg3[%add3A_46, %dma_wait3A_72] : memref<20224x128xf32, #tpu.memory_space<hbm>> -> memref<128x128xf32, #tpu.memory_space<hbm>>
      %dma_wait3A_74 = arith.constant 0 : i32
      %dma_wait3A_75 = arith.constant 0 : i32
      %dma_wait3A_76 = tpu.memref_slice %arg5[%dma_wait3A_74, %dma_wait3A_75] : memref<128x128xf32, #tpu.memory_space<vmem>> -> memref<128x128xf32, #tpu.memory_space<vmem>>
      tpu.wait_dma2 semaphore(%run_scoped3A : memref<!tpu.dma_semaphore, #tpu.memory_space<semaphore_mem>>) src(%dma_wait3A_76 : memref<128x128xf32, #tpu.memory_space<vmem>>) dst(%dma_wait3A_73 : memref<128x128xf32, #tpu.memory_space<hbm>>)
      tpu.yield
    }) : () -> ()
    %add3A_47 = arith.constant 256 : i32
    %add3A_48 = arith.addi %mul3A_10, %add3A_47 : i32
    "tpu.region"() ({
      %run_scoped3A = tpu.sem_alloc : memref<!tpu.dma_semaphore, #tpu.memory_space<semaphore_mem>>
      %dma_start3A = arith.constant 0 : i32
      %dma_start3A_59 = arith.constant 0 : i32
      %dma_start3A_60 = tpu.memref_slice %arg5[%dma_start3A, %dma_start3A_59] : memref<128x128xf32, #tpu.memory_space<vmem>> -> memref<128x128xf32, #tpu.memory_space<vmem>>
      %dma_start3A_61 = arith.constant 0 : i32
      %dma_start3A_62 = tpu.memref_slice %arg6[%add3A_48, %dma_start3A_61] : memref<10112x128xf32, #tpu.memory_space<vmem_shared>> -> memref<128x128xf32, #tpu.memory_space<vmem_shared>>
      %dma_start3A_63 = arith.constant 0 : i32
      %dma_start3A_64 = arith.constant 0 : i32
      %dma_start3A_65 = tpu.memref_slice %arg5[%dma_start3A_63, %dma_start3A_64] : memref<128x128xf32, #tpu.memory_space<vmem>> -> memref<128x128xf32, #tpu.memory_space<vmem>>
      %dma_start3A_66 = arith.constant 0 : i32
      %dma_start3A_67 = tpu.memref_slice %arg6[%add3A_48, %dma_start3A_66] : memref<10112x128xf32, #tpu.memory_space<vmem_shared>> -> memref<128x128xf32, #tpu.memory_space<vmem_shared>>
      tpu.enqueue_dma source(%dma_start3A_67 : memref<128x128xf32, #tpu.memory_space<vmem_shared>>) target(%dma_start3A_65 : memref<128x128xf32, #tpu.memory_space<vmem>>) target_semaphore(%run_scoped3A : memref<!tpu.dma_semaphore, #tpu.memory_space<semaphore_mem>>)
      %dma_wait3A = arith.constant 0 : i32
      %dma_wait3A_68 = arith.constant 0 : i32
      %dma_wait3A_69 = tpu.memref_slice %arg5[%dma_wait3A, %dma_wait3A_68] : memref<128x128xf32, #tpu.memory_space<vmem>> -> memref<128x128xf32, #tpu.memory_space<vmem>>
      %dma_wait3A_70 = arith.constant 0 : i32
      %dma_wait3A_71 = tpu.memref_slice %arg6[%add3A_48, %dma_wait3A_70] : memref<10112x128xf32, #tpu.memory_space<vmem_shared>> -> memref<128x128xf32, #tpu.memory_space<vmem_shared>>
      %dma_wait3A_72 = arith.constant 0 : i32
      %dma_wait3A_73 = arith.constant 0 : i32
      %dma_wait3A_74 = tpu.memref_slice %arg5[%dma_wait3A_72, %dma_wait3A_73] : memref<128x128xf32, #tpu.memory_space<vmem>> -> memref<128x128xf32, #tpu.memory_space<vmem>>
      %dma_wait3A_75 = arith.constant 0 : i32
      %dma_wait3A_76 = tpu.memref_slice %arg6[%add3A_48, %dma_wait3A_75] : memref<10112x128xf32, #tpu.memory_space<vmem_shared>> -> memref<128x128xf32, #tpu.memory_space<vmem_shared>>
      tpu.wait_dma2 semaphore(%run_scoped3A : memref<!tpu.dma_semaphore, #tpu.memory_space<semaphore_mem>>) src(%dma_wait3A_76 : memref<128x128xf32, #tpu.memory_space<vmem_shared>>) dst(%dma_wait3A_74 : memref<128x128xf32, #tpu.memory_space<vmem>>)
      tpu.yield
    }) : () -> ()
    %add3A_49 = arith.constant 256 : i32
    %add3A_50 = arith.addi %add3A_38, %add3A_49 : i32
    "tpu.region"() ({
      %run_scoped3A = tpu.sem_alloc : memref<!tpu.dma_semaphore, #tpu.memory_space<semaphore_mem>>
      %dma_start3A = arith.constant 0 : i32
      %dma_start3A_59 = arith.constant 0 : i32
      %dma_start3A_60 = tpu.memref_slice %arg5[%dma_start3A, %dma_start3A_59] : memref<128x128xf32, #tpu.memory_space<vmem>> -> memref<128x128xf32, #tpu.memory_space<vmem>>
      %dma_start3A_61 = arith.constant 0 : i32
      %dma_start3A_62 = tpu.memref_slice %arg3[%add3A_50, %dma_start3A_61] : memref<20224x128xf32, #tpu.memory_space<hbm>> -> memref<128x128xf32, #tpu.memory_space<hbm>>
      %dma_start3A_63 = arith.constant 0 : i32
      %dma_start3A_64 = tpu.memref_slice %arg3[%add3A_50, %dma_start3A_63] : memref<20224x128xf32, #tpu.memory_space<hbm>> -> memref<128x128xf32, #tpu.memory_space<hbm>>
      %dma_start3A_65 = arith.constant 0 : i32
      %dma_start3A_66 = arith.constant 0 : i32
      %dma_start3A_67 = tpu.memref_slice %arg5[%dma_start3A_65, %dma_start3A_66] : memref<128x128xf32, #tpu.memory_space<vmem>> -> memref<128x128xf32, #tpu.memory_space<vmem>>
      tpu.enqueue_dma source(%dma_start3A_67 : memref<128x128xf32, #tpu.memory_space<vmem>>) target(%dma_start3A_64 : memref<128x128xf32, #tpu.memory_space<hbm>>) target_semaphore(%run_scoped3A : memref<!tpu.dma_semaphore, #tpu.memory_space<semaphore_mem>>)
      %dma_wait3A = arith.constant 0 : i32
      %dma_wait3A_68 = arith.constant 0 : i32
      %dma_wait3A_69 = tpu.memref_slice %arg5[%dma_wait3A, %dma_wait3A_68] : memref<128x128xf32, #tpu.memory_space<vmem>> -> memref<128x128xf32, #tpu.memory_space<vmem>>
      %dma_wait3A_70 = arith.constant 0 : i32
      %dma_wait3A_71 = tpu.memref_slice %arg3[%add3A_50, %dma_wait3A_70] : memref<20224x128xf32, #tpu.memory_space<hbm>> -> memref<128x128xf32, #tpu.memory_space<hbm>>
      %dma_wait3A_72 = arith.constant 0 : i32
      %dma_wait3A_73 = tpu.memref_slice %arg3[%add3A_50, %dma_wait3A_72] : memref<20224x128xf32, #tpu.memory_space<hbm>> -> memref<128x128xf32, #tpu.memory_space<hbm>>
      %dma_wait3A_74 = arith.constant 0 : i32
      %dma_wait3A_75 = arith.constant 0 : i32
      %dma_wait3A_76 = tpu.memref_slice %arg5[%dma_wait3A_74, %dma_wait3A_75] : memref<128x128xf32, #tpu.memory_space<vmem>> -> memref<128x128xf32, #tpu.memory_space<vmem>>
      tpu.wait_dma2 semaphore(%run_scoped3A : memref<!tpu.dma_semaphore, #tpu.memory_space<semaphore_mem>>) src(%dma_wait3A_76 : memref<128x128xf32, #tpu.memory_space<vmem>>) dst(%dma_wait3A_73 : memref<128x128xf32, #tpu.memory_space<hbm>>)
      tpu.yield
    }) : () -> ()
    %add3A_51 = arith.constant 384 : i32
    %add3A_52 = arith.addi %mul3A_10, %add3A_51 : i32
    "tpu.region"() ({
      %run_scoped3A = tpu.sem_alloc : memref<!tpu.dma_semaphore, #tpu.memory_space<semaphore_mem>>
      %dma_start3A = arith.constant 0 : i32
      %dma_start3A_59 = arith.constant 0 : i32
      %dma_start3A_60 = tpu.memref_slice %arg5[%dma_start3A, %dma_start3A_59] : memref<128x128xf32, #tpu.memory_space<vmem>> -> memref<128x128xf32, #tpu.memory_space<vmem>>
      %dma_start3A_61 = arith.constant 0 : i32
      %dma_start3A_62 = tpu.memref_slice %arg6[%add3A_52, %dma_start3A_61] : memref<10112x128xf32, #tpu.memory_space<vmem_shared>> -> memref<128x128xf32, #tpu.memory_space<vmem_shared>>
      %dma_start3A_63 = arith.constant 0 : i32
      %dma_start3A_64 = arith.constant 0 : i32
      %dma_start3A_65 = tpu.memref_slice %arg5[%dma_start3A_63, %dma_start3A_64] : memref<128x128xf32, #tpu.memory_space<vmem>> -> memref<128x128xf32, #tpu.memory_space<vmem>>
      %dma_start3A_66 = arith.constant 0 : i32
      %dma_start3A_67 = tpu.memref_slice %arg6[%add3A_52, %dma_start3A_66] : memref<10112x128xf32, #tpu.memory_space<vmem_shared>> -> memref<128x128xf32, #tpu.memory_space<vmem_shared>>
      tpu.enqueue_dma source(%dma_start3A_67 : memref<128x128xf32, #tpu.memory_space<vmem_shared>>) target(%dma_start3A_65 : memref<128x128xf32, #tpu.memory_space<vmem>>) target_semaphore(%run_scoped3A : memref<!tpu.dma_semaphore, #tpu.memory_space<semaphore_mem>>)
      %dma_wait3A = arith.constant 0 : i32
      %dma_wait3A_68 = arith.constant 0 : i32
      %dma_wait3A_69 = tpu.memref_slice %arg5[%dma_wait3A, %dma_wait3A_68] : memref<128x128xf32, #tpu.memory_space<vmem>> -> memref<128x128xf32, #tpu.memory_space<vmem>>
      %dma_wait3A_70 = arith.constant 0 : i32
      %dma_wait3A_71 = tpu.memref_slice %arg6[%add3A_52, %dma_wait3A_70] : memref<10112x128xf32, #tpu.memory_space<vmem_shared>> -> memref<128x128xf32, #tpu.memory_space<vmem_shared>>
      %dma_wait3A_72 = arith.constant 0 : i32
      %dma_wait3A_73 = arith.constant 0 : i32
      %dma_wait3A_74 = tpu.memref_slice %arg5[%dma_wait3A_72, %dma_wait3A_73] : memref<128x128xf32, #tpu.memory_space<vmem>> -> memref<128x128xf32, #tpu.memory_space<vmem>>
      %dma_wait3A_75 = arith.constant 0 : i32
      %dma_wait3A_76 = tpu.memref_slice %arg6[%add3A_52, %dma_wait3A_75] : memref<10112x128xf32, #tpu.memory_space<vmem_shared>> -> memref<128x128xf32, #tpu.memory_space<vmem_shared>>
      tpu.wait_dma2 semaphore(%run_scoped3A : memref<!tpu.dma_semaphore, #tpu.memory_space<semaphore_mem>>) src(%dma_wait3A_76 : memref<128x128xf32, #tpu.memory_space<vmem_shared>>) dst(%dma_wait3A_74 : memref<128x128xf32, #tpu.memory_space<vmem>>)
      tpu.yield
    }) : () -> ()
    %add3A_53 = arith.constant 384 : i32
    %add3A_54 = arith.addi %add3A_38, %add3A_53 : i32
    "tpu.region"() ({
      %run_scoped3A = tpu.sem_alloc : memref<!tpu.dma_semaphore, #tpu.memory_space<semaphore_mem>>
      %dma_start3A = arith.constant 0 : i32
      %dma_start3A_59 = arith.constant 0 : i32
      %dma_start3A_60 = tpu.memref_slice %arg5[%dma_start3A, %dma_start3A_59] : memref<128x128xf32, #tpu.memory_space<vmem>> -> memref<128x128xf32, #tpu.memory_space<vmem>>
      %dma_start3A_61 = arith.constant 0 : i32
      %dma_start3A_62 = tpu.memref_slice %arg3[%add3A_54, %dma_start3A_61] : memref<20224x128xf32, #tpu.memory_space<hbm>> -> memref<128x128xf32, #tpu.memory_space<hbm>>
      %dma_start3A_63 = arith.constant 0 : i32
      %dma_start3A_64 = tpu.memref_slice %arg3[%add3A_54, %dma_start3A_63] : memref<20224x128xf32, #tpu.memory_space<hbm>> -> memref<128x128xf32, #tpu.memory_space<hbm>>
      %dma_start3A_65 = arith.constant 0 : i32
      %dma_start3A_66 = arith.constant 0 : i32
      %dma_start3A_67 = tpu.memref_slice %arg5[%dma_start3A_65, %dma_start3A_66] : memref<128x128xf32, #tpu.memory_space<vmem>> -> memref<128x128xf32, #tpu.memory_space<vmem>>
      tpu.enqueue_dma source(%dma_start3A_67 : memref<128x128xf32, #tpu.memory_space<vmem>>) target(%dma_start3A_64 : memref<128x128xf32, #tpu.memory_space<hbm>>) target_semaphore(%run_scoped3A : memref<!tpu.dma_semaphore, #tpu.memory_space<semaphore_mem>>)
      %dma_wait3A = arith.constant 0 : i32
      %dma_wait3A_68 = arith.constant 0 : i32
      %dma_wait3A_69 = tpu.memref_slice %arg5[%dma_wait3A, %dma_wait3A_68] : memref<128x128xf32, #tpu.memory_space<vmem>> -> memref<128x128xf32, #tpu.memory_space<vmem>>
      %dma_wait3A_70 = arith.constant 0 : i32
      %dma_wait3A_71 = tpu.memref_slice %arg3[%add3A_54, %dma_wait3A_70] : memref<20224x128xf32, #tpu.memory_space<hbm>> -> memref<128x128xf32, #tpu.memory_space<hbm>>
      %dma_wait3A_72 = arith.constant 0 : i32
      %dma_wait3A_73 = tpu.memref_slice %arg3[%add3A_54, %dma_wait3A_72] : memref<20224x128xf32, #tpu.memory_space<hbm>> -> memref<128x128xf32, #tpu.memory_space<hbm>>
      %dma_wait3A_74 = arith.constant 0 : i32
      %dma_wait3A_75 = arith.constant 0 : i32
      %dma_wait3A_76 = tpu.memref_slice %arg5[%dma_wait3A_74, %dma_wait3A_75] : memref<128x128xf32, #tpu.memory_space<vmem>> -> memref<128x128xf32, #tpu.memory_space<vmem>>
      tpu.wait_dma2 semaphore(%run_scoped3A : memref<!tpu.dma_semaphore, #tpu.memory_space<semaphore_mem>>) src(%dma_wait3A_76 : memref<128x128xf32, #tpu.memory_space<vmem>>) dst(%dma_wait3A_73 : memref<128x128xf32, #tpu.memory_space<hbm>>)
      tpu.yield
    }) : () -> ()
    %add3A_55 = arith.constant 512 : i32
    %add3A_56 = arith.addi %mul3A_10, %add3A_55 : i32
    "tpu.region"() ({
      %run_scoped3A = tpu.sem_alloc : memref<!tpu.dma_semaphore, #tpu.memory_space<semaphore_mem>>
      %dma_start3A = arith.constant 0 : i32
      %dma_start3A_59 = arith.constant 0 : i32
      %dma_start3A_60 = tpu.memref_slice %arg5[%dma_start3A, %dma_start3A_59] : memref<128x128xf32, #tpu.memory_space<vmem>> -> memref<120x128xf32, #tpu.memory_space<vmem>>
      %dma_start3A_61 = arith.constant 0 : i32
      %dma_start3A_62 = tpu.memref_slice %arg6[%add3A_56, %dma_start3A_61] : memref<10112x128xf32, #tpu.memory_space<vmem_shared>> -> memref<120x128xf32, #tpu.memory_space<vmem_shared>>
      %dma_start3A_63 = arith.constant 0 : i32
      %dma_start3A_64 = arith.constant 0 : i32
      %dma_start3A_65 = tpu.memref_slice %arg5[%dma_start3A_63, %dma_start3A_64] : memref<128x128xf32, #tpu.memory_space<vmem>> -> memref<120x128xf32, #tpu.memory_space<vmem>>
      %dma_start3A_66 = arith.constant 0 : i32
      %dma_start3A_67 = tpu.memref_slice %arg6[%add3A_56, %dma_start3A_66] : memref<10112x128xf32, #tpu.memory_space<vmem_shared>> -> memref<120x128xf32, #tpu.memory_space<vmem_shared>>
      tpu.enqueue_dma source(%dma_start3A_67 : memref<120x128xf32, #tpu.memory_space<vmem_shared>>) target(%dma_start3A_65 : memref<120x128xf32, #tpu.memory_space<vmem>>) target_semaphore(%run_scoped3A : memref<!tpu.dma_semaphore, #tpu.memory_space<semaphore_mem>>)
      %dma_wait3A = arith.constant 0 : i32
      %dma_wait3A_68 = arith.constant 0 : i32
      %dma_wait3A_69 = tpu.memref_slice %arg5[%dma_wait3A, %dma_wait3A_68] : memref<128x128xf32, #tpu.memory_space<vmem>> -> memref<120x128xf32, #tpu.memory_space<vmem>>
      %dma_wait3A_70 = arith.constant 0 : i32
      %dma_wait3A_71 = tpu.memref_slice %arg6[%add3A_56, %dma_wait3A_70] : memref<10112x128xf32, #tpu.memory_space<vmem_shared>> -> memref<120x128xf32, #tpu.memory_space<vmem_shared>>
      %dma_wait3A_72 = arith.constant 0 : i32
      %dma_wait3A_73 = arith.constant 0 : i32
      %dma_wait3A_74 = tpu.memref_slice %arg5[%dma_wait3A_72, %dma_wait3A_73] : memref<128x128xf32, #tpu.memory_space<vmem>> -> memref<120x128xf32, #tpu.memory_space<vmem>>
      %dma_wait3A_75 = arith.constant 0 : i32
      %dma_wait3A_76 = tpu.memref_slice %arg6[%add3A_56, %dma_wait3A_75] : memref<10112x128xf32, #tpu.memory_space<vmem_shared>> -> memref<120x128xf32, #tpu.memory_space<vmem_shared>>
      tpu.wait_dma2 semaphore(%run_scoped3A : memref<!tpu.dma_semaphore, #tpu.memory_space<semaphore_mem>>) src(%dma_wait3A_76 : memref<120x128xf32, #tpu.memory_space<vmem_shared>>) dst(%dma_wait3A_74 : memref<120x128xf32, #tpu.memory_space<vmem>>)
      tpu.yield
    }) : () -> ()
    %add3A_57 = arith.constant 512 : i32
    %add3A_58 = arith.addi %add3A_38, %add3A_57 : i32
    "tpu.region"() ({
      %run_scoped3A = tpu.sem_alloc : memref<!tpu.dma_semaphore, #tpu.memory_space<semaphore_mem>>
      %dma_start3A = arith.constant 0 : i32
      %dma_start3A_59 = arith.constant 0 : i32
      %dma_start3A_60 = tpu.memref_slice %arg5[%dma_start3A, %dma_start3A_59] : memref<128x128xf32, #tpu.memory_space<vmem>> -> memref<120x128xf32, #tpu.memory_space<vmem>>
      %dma_start3A_61 = arith.constant 0 : i32
      %dma_start3A_62 = tpu.memref_slice %arg3[%add3A_58, %dma_start3A_61] : memref<20224x128xf32, #tpu.memory_space<hbm>> -> memref<120x128xf32, #tpu.memory_space<hbm>>
      %dma_start3A_63 = arith.constant 0 : i32
      %dma_start3A_64 = tpu.memref_slice %arg3[%add3A_58, %dma_start3A_63] : memref<20224x128xf32, #tpu.memory_space<hbm>> -> memref<120x128xf32, #tpu.memory_space<hbm>>
      %dma_start3A_65 = arith.constant 0 : i32
      %dma_start3A_66 = arith.constant 0 : i32
      %dma_start3A_67 = tpu.memref_slice %arg5[%dma_start3A_65, %dma_start3A_66] : memref<128x128xf32, #tpu.memory_space<vmem>> -> memref<120x128xf32, #tpu.memory_space<vmem>>
      tpu.enqueue_dma source(%dma_start3A_67 : memref<120x128xf32, #tpu.memory_space<vmem>>) target(%dma_start3A_64 : memref<120x128xf32, #tpu.memory_space<hbm>>) target_semaphore(%run_scoped3A : memref<!tpu.dma_semaphore, #tpu.memory_space<semaphore_mem>>)
      %dma_wait3A = arith.constant 0 : i32
      %dma_wait3A_68 = arith.constant 0 : i32
      %dma_wait3A_69 = tpu.memref_slice %arg5[%dma_wait3A, %dma_wait3A_68] : memref<128x128xf32, #tpu.memory_space<vmem>> -> memref<120x128xf32, #tpu.memory_space<vmem>>
      %dma_wait3A_70 = arith.constant 0 : i32
      %dma_wait3A_71 = tpu.memref_slice %arg3[%add3A_58, %dma_wait3A_70] : memref<20224x128xf32, #tpu.memory_space<hbm>> -> memref<120x128xf32, #tpu.memory_space<hbm>>
      %dma_wait3A_72 = arith.constant 0 : i32
      %dma_wait3A_73 = tpu.memref_slice %arg3[%add3A_58, %dma_wait3A_72] : memref<20224x128xf32, #tpu.memory_space<hbm>> -> memref<120x128xf32, #tpu.memory_space<hbm>>
      %dma_wait3A_74 = arith.constant 0 : i32
      %dma_wait3A_75 = arith.constant 0 : i32
      %dma_wait3A_76 = tpu.memref_slice %arg5[%dma_wait3A_74, %dma_wait3A_75] : memref<128x128xf32, #tpu.memory_space<vmem>> -> memref<120x128xf32, #tpu.memory_space<vmem>>
      tpu.wait_dma2 semaphore(%run_scoped3A : memref<!tpu.dma_semaphore, #tpu.memory_space<semaphore_mem>>) src(%dma_wait3A_76 : memref<120x128xf32, #tpu.memory_space<vmem>>) dst(%dma_wait3A_73 : memref<120x128xf32, #tpu.memory_space<hbm>>)
      tpu.yield
    }) : () -> ()
    return
  }
}

module attributes {stable_mosaic.version = 14 : i64} {
  func.func @_mm_body(%arg0: i32, %arg1: i32, %arg2: memref<1000x128xf32, #tpu.memory_space<vmem>>, %arg3: memref<1x128x128xf32, #tpu.memory_space<vmem>>, %arg4: memref<1x1x128xf32, #tpu.memory_space<vmem>>, %arg5: memref<1x1000x128xf32, #tpu.memory_space<vmem>>) attributes {dimension_semantics = [#tpu.dimension_semantics<arbitrary>, #tpu.dimension_semantics<arbitrary>], iteration_bounds = array<i64: 3, 10>, scalar_prefetch = 0 : i64, scratch_operands = 0 : i64, tpu.core_type = #tpu.core_type<tc>, window_params = [{transform_indices = @transform_0, window_bounds = array<i64: 1000, 128>}, {transform_indices = @transform_1, window_bounds = array<i64: 1, 128, 128>}, {transform_indices = @transform_2, window_bounds = array<i64: 1, 1, 128>}, {transform_indices = @transform_3, window_bounds = array<i64: 1, 1000, 128>}]} {
    %get3A = arith.constant 0 : index
    %get3A_0 = arith.constant 0 : index
    %get3A_1 = vector.load %arg2[%get3A, %get3A_0] : memref<1000x128xf32, #tpu.memory_space<vmem>>, vector<1000x128xf32>
    %get3A_2 = arith.constant 0 : index
    %get3A_3 = arith.constant 0 : index
    %get3A_4 = arith.constant 0 : index
    %get3A_5 = vector.load %arg3[%get3A_2, %get3A_3, %get3A_4] : memref<1x128x128xf32, #tpu.memory_space<vmem>>, vector<1x128x128xf32>
    %get3A_6 = vector.shape_cast %get3A_5 : vector<1x128x128xf32> to vector<128x128xf32>
    %dot_general3A = arith.constant dense<0.000000e+00> : vector<1000x128xf32>
    %dot_general3A_7 = tpu.matmul %get3A_1, %get3A_6, %dot_general3A {dimension_numbers = #tpu.dot_dimension_numbers<[1], [0], [0], [1], [0, 0, 1, 1], [], []>, transpose_lhs_hint = false} : vector<1000x128xf32>, vector<128x128xf32>, vector<1000x128xf32> -> vector<1000x128xf32>
    %get3A_8 = arith.constant 0 : index
    %get3A_9 = arith.constant 0 : index
    %get3A_10 = arith.constant 0 : index
    %get3A_11 = vector.load %arg4[%get3A_8, %get3A_9, %get3A_10] : memref<1x1x128xf32, #tpu.memory_space<vmem>>, vector<1x1x128xf32>
    %get3A_12 = vector.shape_cast %get3A_11 : vector<1x1x128xf32> to vector<1x128xf32>
    %add3A = vector.broadcast %get3A_12 : vector<1x128xf32> to vector<1000x128xf32>
    %add3A_13 = arith.addf %dot_general3A_7, %add3A : vector<1000x128xf32>
    %swap3A = arith.constant 0 : index
    %swap3A_14 = arith.constant 0 : index
    %swap3A_15 = arith.constant 0 : index
    %swap3A_16 = vector.load %arg5[%swap3A, %swap3A_14, %swap3A_15] : memref<1x1000x128xf32, #tpu.memory_space<vmem>>, vector<1x1000x128xf32>
    %swap3A_17 = vector.shape_cast %swap3A_16 : vector<1x1000x128xf32> to vector<1000x128xf32>
    %swap3A_18 = vector.shape_cast %add3A_13 : vector<1000x128xf32> to vector<1x1000x128xf32>
    tpu.vector_store %arg5[%swap3A, %swap3A_14, %swap3A_15], %swap3A_18 {strides = array<i32>} : memref<1x1000x128xf32, #tpu.memory_space<vmem>>, vector<1x1000x128xf32>,
    return
  }
  func.func @transform_0(%arg0: i32, %arg1: i32) -> (i32, i32) {
    %c0_i32 = arith.constant 0 : i32
    %c0_i32_0 = arith.constant 0 : i32
    return %arg1, %c0_i32 : i32, i32
  }
  func.func @transform_1(%arg0: i32, %arg1: i32) -> (i32, i32, i32) {
    %c0_i32 = arith.constant 0 : i32
    %c0_i32_0 = arith.constant 0 : i32
    %c0_i32_1 = arith.constant 0 : i32
    return %arg0, %c0_i32, %c0_i32_0 : i32, i32, i32
  }
  func.func @transform_2(%arg0: i32, %arg1: i32) -> (i32, i32, i32) {
    %c0_i32 = arith.constant 0 : i32
    %c0_i32_0 = arith.constant 0 : i32
    %c0_i32_1 = arith.constant 0 : i32
    return %arg0, %c0_i32, %c0_i32_0 : i32, i32, i32
  }
  func.func @transform_3(%arg0: i32, %arg1: i32) -> (i32, i32, i32) {
    %c0_i32 = arith.constant 0 : i32
    %c0_i32_0 = arith.constant 0 : i32
    return %arg0, %arg1, %c0_i32 : i32, i32, i32
  }
}

module attributes {stable_mosaic.version = 14 : i64} {
  func.func @_mm_body(%arg0: i32, %arg1: memref<512x128xf32, #tpu.memory_space<vmem>>, %arg2: memref<1x128x128xf32, #tpu.memory_space<vmem>>, %arg3: memref<1x1x128xf32, #tpu.memory_space<vmem>>, %arg4: memref<1x512x128xf32, #tpu.memory_space<vmem>>) attributes {dimension_semantics = [#tpu.dimension_semantics<arbitrary>], iteration_bounds = array<i64: 3>, scalar_prefetch = 0 : i64, scratch_operands = 0 : i64, tpu.core_type = #tpu.core_type<tc>, window_params = [{pipeline_mode = #tpu.pipeline_mode<synchronous>, transform_indices = @transform_0, window_bounds = array<i64: 512, 128>}, {transform_indices = @transform_1, window_bounds = array<i64: 1, 128, 128>}, {transform_indices = @transform_2, window_bounds = array<i64: 1, 1, 128>}, {transform_indices = @transform_3, window_bounds = array<i64: 1, 512, 128>}]} {
    %get3A = arith.constant 0 : index
    %get3A_0 = arith.constant 0 : index
    %get3A_1 = vector.load %arg1[%get3A, %get3A_0] : memref<512x128xf32, #tpu.memory_space<vmem>>, vector<512x128xf32>
    %get3A_2 = arith.constant 0 : index
    %get3A_3 = arith.constant 0 : index
    %get3A_4 = arith.constant 0 : index
    %get3A_5 = vector.load %arg2[%get3A_2, %get3A_3, %get3A_4] : memref<1x128x128xf32, #tpu.memory_space<vmem>>, vector<1x128x128xf32>
    %get3A_6 = vector.shape_cast %get3A_5 : vector<1x128x128xf32> to vector<128x128xf32>
    %dot_general3A = arith.constant dense<0.000000e+00> : vector<512x128xf32>
    %dot_general3A_7 = tpu.matmul %get3A_1, %get3A_6, %dot_general3A {dimension_numbers = #tpu.dot_dimension_numbers<[1], [0], [0], [1], [0, 0, 1, 1], [], []>, transpose_lhs_hint = false} : vector<512x128xf32>, vector<128x128xf32>, vector<512x128xf32> -> vector<512x128xf32>
    %get3A_8 = arith.constant 0 : index
    %get3A_9 = arith.constant 0 : index
    %get3A_10 = arith.constant 0 : index
    %get3A_11 = vector.load %arg3[%get3A_8, %get3A_9, %get3A_10] : memref<1x1x128xf32, #tpu.memory_space<vmem>>, vector<1x1x128xf32>
    %get3A_12 = vector.shape_cast %get3A_11 : vector<1x1x128xf32> to vector<1x128xf32>
    %add3A = vector.broadcast %get3A_12 : vector<1x128xf32> to vector<512x128xf32>
    %add3A_13 = arith.addf %dot_general3A_7, %add3A : vector<512x128xf32>
    %swap3A = arith.constant 0 : index
    %swap3A_14 = arith.constant 0 : index
    %swap3A_15 = arith.constant 0 : index
    %swap3A_16 = vector.load %arg4[%swap3A, %swap3A_14, %swap3A_15] : memref<1x512x128xf32, #tpu.memory_space<vmem>>, vector<1x512x128xf32>
    %swap3A_17 = vector.shape_cast %swap3A_16 : vector<1x512x128xf32> to vector<512x128xf32>
    %swap3A_18 = vector.shape_cast %add3A_13 : vector<512x128xf32> to vector<1x512x128xf32>
    tpu.vector_store %arg4[%swap3A, %swap3A_14, %swap3A_15], %swap3A_18 {strides = array<i32>} : memref<1x512x128xf32, #tpu.memory_space<vmem>>, vector<1x512x128xf32>,
    return
  }
  func.func @transform_0(%arg0: i32) -> (i32, i32) {
    %c0_i32 = arith.constant 0 : i32
    %c0_i32_0 = arith.constant 0 : i32
    %c0_i32_1 = arith.constant 0 : i32
    return %c0_i32, %c0_i32_0 : i32, i32
  }
  func.func @transform_1(%arg0: i32) -> (i32, i32, i32) {
    %c0_i32 = arith.constant 0 : i32
    %c0_i32_0 = arith.constant 0 : i32
    %c0_i32_1 = arith.constant 0 : i32
    return %arg0, %c0_i32, %c0_i32_0 : i32, i32, i32
  }
  func.func @transform_2(%arg0: i32) -> (i32, i32, i32) {
    %c0_i32 = arith.constant 0 : i32
    %c0_i32_0 = arith.constant 0 : i32
    %c0_i32_1 = arith.constant 0 : i32
    return %arg0, %c0_i32, %c0_i32_0 : i32, i32, i32
  }
  func.func @transform_3(%arg0: i32) -> (i32, i32, i32) {
    %c0_i32 = arith.constant 0 : i32
    %c0_i32_0 = arith.constant 0 : i32
    %c0_i32_1 = arith.constant 0 : i32
    return %arg0, %c0_i32, %c0_i32_0 : i32, i32, i32
  }
}

module attributes {stable_mosaic.version = 14 : i64} {
  func.func @_combine_body(%arg0: i32, %arg1: memref<1000x128xf32, #tpu.memory_space<vmem>>, %arg2: memref<1000x128xf32, #tpu.memory_space<vmem>>, %arg3: memref<1000x128xf32, #tpu.memory_space<vmem>>, %arg4: memref<1000x128xf32, #tpu.memory_space<vmem>>, %arg5: memref<1000x128xf32, #tpu.memory_space<vmem>>, %arg6: memref<1000x128xf32, #tpu.memory_space<vmem>>) attributes {dimension_semantics = [#tpu.dimension_semantics<arbitrary>], iteration_bounds = array<i64: 10>, scalar_prefetch = 0 : i64, scratch_operands = 0 : i64, tpu.core_type = #tpu.core_type<tc>, window_params = [{transform_indices = @transform_0, window_bounds = array<i64: 1000, 128>}, {transform_indices = @transform_1, window_bounds = array<i64: 1000, 128>}, {transform_indices = @transform_2, window_bounds = array<i64: 1000, 128>}, {transform_indices = @transform_3, window_bounds = array<i64: 1000, 128>}, {transform_indices = @transform_4, window_bounds = array<i64: 1000, 128>}, {transform_indices = @transform_5, window_bounds = array<i64: 1000, 128>}]} {
    %get3A = arith.constant 0 : index
    %get3A_0 = arith.constant 0 : index
    %get3A_1 = vector.load %arg4[%get3A, %get3A_0] : memref<1000x128xf32, #tpu.memory_space<vmem>>, vector<1000x1xf32>
    %get3A_2 = arith.constant 0 : index
    %get3A_3 = arith.constant 0 : index
    %get3A_4 = vector.load %arg5[%get3A_2, %get3A_3] : memref<1000x128xf32, #tpu.memory_space<vmem>>, vector<1000x1xf32>
    %add3A = arith.addf %get3A_1, %get3A_4 : vector<1000x1xf32>
    %get3A_5 = arith.constant 0 : index
    %get3A_6 = arith.constant 0 : index
    %get3A_7 = vector.load %arg1[%get3A_5, %get3A_6] : memref<1000x128xf32, #tpu.memory_space<vmem>>, vector<1000x128xf32>
    %get3A_8 = arith.constant 0 : index
    %get3A_9 = arith.constant 0 : index
    %get3A_10 = vector.load %arg2[%get3A_8, %get3A_9] : memref<1000x128xf32, #tpu.memory_space<vmem>>, vector<1000x128xf32>
    %get3A_11 = arith.constant 0 : index
    %get3A_12 = arith.constant 0 : index
    %get3A_13 = vector.load %arg3[%get3A_11, %get3A_12] : memref<1000x128xf32, #tpu.memory_space<vmem>>, vector<1000x128xf32>
    %add3A_14 = arith.addf %get3A_10, %get3A_13 : vector<1000x128xf32>
    %max3A = arith.constant 1.000000e+00 : f32
    %max3A_15 = vector.broadcast %max3A : f32 to vector<1000x1xf32>
    %max3A_16 = arith.maximumf %add3A, %max3A_15 : vector<1000x1xf32>
    %div3A = vector.broadcast %max3A_16 : vector<1000x1xf32> to vector<1000x128xf32>
    %div3A_17 = arith.divf %add3A_14, %div3A : vector<1000x128xf32>
    %add3A_18 = arith.addf %get3A_7, %div3A_17 : vector<1000x128xf32>
    %swap3A = arith.constant 0 : index
    %swap3A_19 = arith.constant 0 : index
    %swap3A_20 = vector.load %arg6[%swap3A, %swap3A_19] : memref<1000x128xf32, #tpu.memory_space<vmem>>, vector<1000x128xf32>
    tpu.vector_store %arg6[%swap3A, %swap3A_19], %add3A_18 {strides = array<i32>} : memref<1000x128xf32, #tpu.memory_space<vmem>>, vector<1000x128xf32>,
    return
  }
  func.func @transform_0(%arg0: i32) -> (i32, i32) {
    %c0_i32 = arith.constant 0 : i32
    %c0_i32_0 = arith.constant 0 : i32
    return %arg0, %c0_i32 : i32, i32
  }
  func.func @transform_1(%arg0: i32) -> (i32, i32) {
    %c0_i32 = arith.constant 0 : i32
    %c0_i32_0 = arith.constant 0 : i32
    return %arg0, %c0_i32 : i32, i32
  }
  func.func @transform_2(%arg0: i32) -> (i32, i32) {
    %c0_i32 = arith.constant 0 : i32
    %c0_i32_0 = arith.constant 0 : i32
    return %arg0, %c0_i32 : i32, i32
  }
  func.func @transform_3(%arg0: i32) -> (i32, i32) {
    %c0_i32 = arith.constant 0 : i32
    %c0_i32_0 = arith.constant 0 : i32
    return %arg0, %c0_i32 : i32, i32
  }
  func.func @transform_4(%arg0: i32) -> (i32, i32) {
    %c0_i32 = arith.constant 0 : i32
    %c0_i32_0 = arith.constant 0 : i32
    return %arg0, %c0_i32 : i32, i32
  }
  func.func @transform_5(%arg0: i32) -> (i32, i32) {
    %c0_i32 = arith.constant 0 : i32
    %c0_i32_0 = arith.constant 0 : i32
    return %arg0, %c0_i32 : i32, i32
  }
}

</mosaic_0001>

<sc_bundles>
// kernel: kernel.10.cloned.1.call-start
scs
__scs_entry_jumppad:
0x0: {  	(pc) =	sbr.rel $0x88, $3  }
0x1: {  	(tag) =	ssettag $0x0;
	lr =	simm.s32 $0x1  }
0x2: {  	[smem:$0x3F90] =	sst lr;
	_ =	strace $0xD0000000  }
0x3: {  	_ = 	snop  }
0x4: {  	_ = 	snop  }
0x5: {  	_ = 	snop  }
0x6: {  	_ = 	snop  }
0x7: {  	_ = 	snop  }
__scs_overlays_trampoline_lowered:
0x8: {  	[smem:$0x3F9F] =	sst s0  }
0x9: {  	[smem:$0x3FA0] =	sst s1  }
0xa: {  	[smem:$0x3FA1] =	sst s2  }
0xb: {  	[smem:$0x3FA2] =	sst s3  }
0xc: {  	[smem:$0x3FA3] =	sst s4  }
0xd: {  	[smem:$0x3FA4] =	sst s5  }
0xe: {  	[smem:$0x3FA5] =	sst s6  }
0xf: {  	[smem:$0x3FA6] =	sst s7  }
0x10: {  	[smem:$0x3FA7] =	sst s8  }
0x11: {  	[smem:$0x3FA8] =	sst s9;
	s0 =	simm.s32 @!p0 $0x0  }
0x12: {  	s1 =	sld [smem:$0x3F8E];
	s0 =	simm.s32 @p0 $0x1  }
0x13: {  	[smem:$0x3FA9] =	sst s0;
	s0 =	simm.s32 @!p1 $0x0  }
0x14: {  	s2 =	sld [smem:$0x3F8D];
	s0 =	simm.s32 @p1 $0x1  }
0x15: {  	[smem:$0x3FAA] =	sst s0;
	s0 =	simm.s32 @!p2 $0x0  }
0x16: {  	s3 =	sld [smem:$0x3FDB];
	s0 =	simm.s32 @p2 $0x1  }
0x17: {  	s4 =	simm.s32 $0x1BF5;
	[smem:$0x3FAC] =	sst s0  }
0x18: {  	s0 =	sld [smem:$0x3F8F];
	_ =	swait.ge [sflag:s4], $0x0  }
0x19: {  	s7 =	sld [smem:$0x3F90]  }
0x1a: {  	s8 =	sadd.s32 $0xFFFFE003, lr  }
0x1b: {  	s9 =	sadd.s32 $0xFFFFFEF7, lr;
	s5 =	simm.s32 $0xFFFFFFFF;
	p2 =	slt.u32 s8, $0xFFFFF086  }
0x1c: {  	p1 =	slt.u32 s9, $0xF7A;
	s5 =	simm.s32 @!p2 $0x0  }
0x1d: {  	s5 =	simm.s32 @p1 $0x1;
	p0 =	seq.s32 s7, s2  }
0x1e: {  	s7 =	smul.u32 @!p0 $0xF7A, s2;
	p2 =	seq.s32 @!p0 s5, $0x0  }
0x1f: {  	s9 =	smul.u32 $0xF7A, s1;
	s8 =	simm.s32 @!p0 $0x1BF5;
	p2 =	por !p2, p0  }
0x20: {  	[sflag:s8] =	ssyncset.s32 @!p0 $0xFFFFF086;
	s6 =	sadd.s32 @!p0 s3, s7;
	s7 =	simm.s32 @!p0 $0x108  }
0x21: {  	s3 =	sadd.s32 s3, s9;
	s6 =	sadd.s32 @!p0 $0x88, s6;
	s7 =	simm.s32 @p2 $0x1082  }
0x22: {  	[simem:s7], [sflag:s8] =	dma.local @!p0 [hbm:s6], $0xF7A  }
0x23: {  	s9 =	sor.u32 $0xD0000000, s2;
	s6 =	simm.s32 $0x108;
	_ =	swait.ge @!p0 [sflag:s8], $0x0  }
0x24: {  	s3 =	sadd.s32 $0x88, s3;
	s6 =	simm.s32 @!p1 $0x1082;
	[sflag:s4] =	ssyncset.s32 $0xFFFFF086  }
0x25: {  	[simem:s6], [sflag:s4] =	dma.local [hbm:s3], $0xF7A  }
0x26: {  	[smem:$0x3F90] =	sst s1;
	(tag) =	ssettag s2;
	_ =	strace s9  }
0x27: {  	s1 =	sld [smem:$0x3FA0]  }
0x28: {  	s2 =	sld [smem:$0x3FA1]  }
0x29: {  	s4 =	sld [smem:$0x3FA3]  }
0x2a: {  	p0 =	seq.s32 s5, $0x0;
	s5 =	sld [smem:$0x3FA4]  }
0x2b: {  	s6 =	sld [smem:$0x3FA5]  }
0x2c: {  	s7 =	sld [smem:$0x3FA6]  }
0x2d: {  	s3 =	simm.s32 $0x108;
	s8 =	sld [smem:$0x3FA7]  }
0x2e: {  	s3 =	simm.s32 @!p0 $0x1082;
	s9 =	sld [smem:$0x3FA8]  }
0x2f: {  	lr =	sadd.s32 s0, s3;
	s0 =	sld [smem:$0x3F9F]  }
0x30: {  	s3 =	sld [smem:$0x3FA2]  }
0x31: {  	[smem:$0x3FAB] =	sst s10  }
0x32: {  	s10 =	sld [smem:$0x3FA9];
	_ =	sdelay $0x3  }
0x33: {  	p0 =	seq.s32 s10, $0x1;
	s10 =	sld [smem:$0x3FAB];
	_ =	sdelay $0x3  }
0x34: {  	[smem:$0x3FAB] =	sst s10  }
0x35: {  	s10 =	sld [smem:$0x3FAA];
	_ =	sdelay $0x3  }
0x36: {  	p1 =	seq.s32 s10, $0x1;
	s10 =	sld [smem:$0x3FAB];
	_ =	sdelay $0x3  }
0x37: {  	[smem:$0x3FAB] =	sst s10  }
0x38: {  	s10 =	sld [smem:$0x3FAC]  }
0x39: {  	_ = 	snop;
	(pc) =	sbr.ind lr, $3  }
0x3a: {  	_ = 	snop  }
0x3b: {  	_ = 	snop  }
0x3c: {  	p2 =	seq.s32 s10, $0x1;
	s10 =	sld [smem:$0x3FAB]  }
0x3d: {  	_ =	shalt  }
0x3e: {  	_ =	shalt  }
0x3f: {  	_ =	shalt  }
0x40: {  	_ =	shalt  }
0x41: {  	_ =	shalt  }
0x42: {  	_ =	shalt  }
0x43: {  	_ =	shalt  }
0x44: {  	_ =	shalt  }
0x45: {  	_ =	shalt  }
0x46: {  	_ =	shalt  }
0x47: {  	_ =	shalt  }
0x48: {  	_ =	shalt  }
0x49: {  	_ =	shalt  }
0x4a: {  	_ =	shalt  }
0x4b: {  	_ =	shalt  }
0x4c: {  	_ =	shalt  }
0x4d: {  	_ =	shalt  }
0x4e: {  	_ =	shalt  }
0x4f: {  	_ =	shalt  }
0x50: {  	_ =	shalt  }
0x51: {  	_ =	shalt  }
0x52: {  	_ =	shalt  }
0x53: {  	_ =	shalt  }
0x54: {  	_ =	shalt  }
0x55: {  	_ =	shalt  }
0x56: {  	_ =	shalt  }
0x57: {  	_ =	shalt  }
0x58: {  	_ =	shalt  }
0x59: {  	_ =	shalt  }
0x5a: {  	_ =	shalt  }
0x5b: {  	_ =	shalt  }
0x5c: {  	_ =	shalt  }
0x5d: {  	_ =	shalt  }
0x5e: {  	_ =	shalt  }
0x5f: {  	_ =	shalt  }
0x60: {  	_ =	shalt  }
0x61: {  	_ =	shalt  }
0x62: {  	_ =	shalt  }
0x63: {  	_ =	shalt  }
0x64: {  	_ =	shalt  }
0x65: {  	_ =	shalt  }
0x66: {  	_ =	shalt  }
0x67: {  	_ =	shalt  }
0x68: {  	_ =	shalt  }
0x69: {  	_ =	shalt  }
0x6a: {  	_ =	shalt  }
0x6b: {  	_ =	shalt  }
0x6c: {  	_ =	shalt  }
0x6d: {  	_ =	shalt  }
0x6e: {  	_ =	shalt  }
0x6f: {  	_ =	shalt  }
0x70: {  	_ =	shalt  }
0x71: {  	_ =	shalt  }
0x72: {  	_ =	shalt  }
0x73: {  	_ =	shalt  }
0x74: {  	_ =	shalt  }
0x75: {  	_ =	shalt  }
0x76: {  	_ =	shalt  }
0x77: {  	_ =	shalt  }
0x78: {  	_ =	shalt  }
0x79: {  	_ =	shalt  }
0x7a: {  	_ =	shalt  }
0x7b: {  	_ =	shalt  }
0x7c: {  	_ =	shalt  }
0x7d: {  	_ =	shalt  }
0x7e: {  	_ =	shalt  }
0x7f: {  	_ =	shalt  }
0x80: {  	_ =	shalt  }
0x81: {  	_ =	shalt  }
0x82: {  	_ =	shalt  }
0x83: {  	_ =	shalt  }
0x84: {  	_ =	shalt  }
0x85: {  	_ =	shalt  }
0x86: {  	_ =	shalt  }
0x87: {  	_ =	shalt  }
.Lfunc_end0:
.L_simem_size_0:
called_computation.1_lowered:
.L_overlay_start_0:
0x88: {  	s2 =	sld [smem:$0x3FD9]  }
0x89: {  	s3 =	sld [smem:$0x3FFE];
	_ =	sdelay $0x1  }
0x8a: {  	s1 =	srdreg.scid  }
0x8b: {  	s0 =	sand.u32 $0x1, s1  }
0x8c: {  	s17 =	sshll.u32 s0, $0xA;
	s2 =	sadd.s32 s3, s2  }
0x8d: {  	s2 =	sadd.s32 s2, s17  }
0x8e: {  	[smem:$0x3FB7] =	sst s2  }
0x8f: {  	_ = 	snop  }
0x90: {  	(tm) =	ssettm $0x1  }
0x91: {  	s18 =	sld [smem:$0x3FFB];
	_ =	sdelay $0x3  }
0x92: {  	_ =	strace s18  }
0x93: {  	s2 =	sld [smem:$0x3FFC];
	_ =	sdelay $0x3  }
0x94: {  	_ =	strace s2  }
0x95: {  	s2 =	sld [smem:$0x3FFD];
	_ =	sdelay $0x3  }
0x96: {  	_ =	strace s2  }
0x97: {  	_ =	strace $0x8FFFFFFF  }
0x98: {  	s19 =	sld [smem:$0x3FDB];
	_ =	sdelay $0x1  }
0x99: {  	s20 =	simm.s32 $_scs_section_size  }
0x9a: {  	s4 =	simm.s32 $_size__tile_overlayer_lowered;
	s5 =	simm.s32 $_tile_overlayer_lowered  }
0x9b: {  	s6 =	simm.s32 $0x1BFF;
	s21 =	sshll.u32 s5, $0x1;
	s3 =	sadd.s32 s20, s19  }
0x9c: {  	s22 =	simm.s32 $0x0;
	s4 =	sshll.u32 s4, $0x1;
	s5 =	sadd.s32 s21, s3  }
0x9d: {  	[timem:s22], [sflag:s6] =	dma.local [hbm:s5], s4  }
0x9e: {  	_ =	swait.ge [sflag:s6], s4  }
0x9f: {  	s4 =	ssub.s32 $0x0, s4;
	[sflag:s6] =	ssyncset.done $0x0  }
0xa0: {  	[sflag:s6] =	ssyncadd.s32 s4;
	_ =	sdelay $0x1  }
0xa1: {  	s23 =	simm.s32 $0x1B8B  }
0xa2: {  	_ =	swait.ge [sflag:s23], $0x1  }
0xa3: {  	[sflag:s23] =	ssyncset.done $0x0  }
0xa4: {  	[sflag:s23] =	ssyncadd.s32 $0xFFFFFFFF  }
0xa5: {  	s4 =	sld [smem:$0x0]  }
0xa6: {  	s5 =	sand.u32 $0xFFFFFFFE, s1  }
0xa7: {  	p0 =	sne.s32 s1, s5  }
0xa8: {  	s5 =	sshll.u32 @p0 s5, $0xE  }
0xa9: {  	s5 =	sadd.s32 @p0 $0x11B8D, s5;
	s6 =	sshll.u32 @p0 s4, $0x11  }
0xaa: {  	s5 =	sor.u32 @p0 s6, s5  }
0xab: {  	[sflag:s5] =	ssyncadd.remote.s32 @p0 $0x1;
	_ =	sdelay $0x1  }
0xac: {  	s5 =	simm.s32 @p0 $0x1B8D  }
0xad: {  	_ =	swait.eq @p0 [sflag:s5], $0x1  }
0xae: {  	[sflag:s5] =	ssyncadd.s32 @p0 $0xFFFFFFFF  }
0xaf: {  	s6 =	sshll.u32 @!p0 s1, $0xE  }
0xb0: {  	s6 =	sor.u32 @!p0 $0x4000, s6;
	s5 =	simm.s32 @!p0 $0x1B8D  }
0xb1: {  	s4 =	sshll.u32 @!p0 s4, $0x11;
	s6 =	sadd.s32 @!p0 $0x11B8D, s6;
	_ =	swait.eq @!p0 [sflag:s5], $0x1  }
0xb2: {  	s4 =	sor.u32 @!p0 s4, s6;
	[sflag:s5] =	ssyncadd.s32 @!p0 $0xFFFFFFFF  }
0xb3: {  	s25 =	simm.s32 $0x1B8E;
	s24 =	sld [smem:$0x3FFE];
	[sflag:s4] =	ssyncadd.remote.s32 @!p0 $0x1  }
0xb4: {  	s26 =	simm.s32 $execute0_lowered;
	[smem:$0x3FD2] =	sst s25  }
0xb5: {  	s5 =	sshll.u32 s26, $0x1;
	_ =	strace $0x80000049;
	[dreg:$0x1] =	wrdreg $0xFFFFFFFF  }
0xb6: {  	s28 =	simm.s32 $_size_execute0_lowered;
	s3 =	sadd.s32 s3, s5;
	[dreg:$0x0] =	wrdreg $0x0  }
0xb7: {  	s5 =	sshll.u32 s28, $0x1;
	[dreg:$0x2] =	wrdreg s3  }
0xb8: {  	[dreg:$0x3] =	wrdreg s5  }
0xb9: {  	[dreg:$0x4] =	wrdreg $0xC0  }
0xba: {  	_ =	task [dreg:s22], $0x5FFFF  }
0xbb: {  	[dreg:$0x1] =	wrdreg $0xFFFFFFFF  }
0xbc: {  	[dreg:$0x0] =	wrdreg $0x60  }
0xbd: {  	[dreg:$0x2] =	wrdreg s24  }
0xbe: {  	[dreg:$0x3] =	wrdreg $0x48000  }
0xbf: {  	[dreg:$0x4] =	wrdreg $0xA  }
0xc0: {  	_ =	task.clear_ibuf [dreg:s22], $0x5FFFF;
	_ =	strace $0x90000049  }
0xc1: {  	s29 =	simm.s32 $0xA;
	_ =	strace $0x8000004B  }
0xc2: {  	_ =	swait.ge [sflag:s29], $0x1  }
0xc3: {  	[sflag:s29] =	ssyncadd.s32 $0xFFFFFFFF  }
0xc4: {  	_ =	strace $0x9000004B  }
0xc5: {  	_ =	sfence  }
0xc6: {  	s30 =	sld [smem:$0x0];
	_ =	sdelay $0x2  }
0xc7: {  	s31 =	sshll.u32 s1, $0xD;
	s1 =	sshrl.u32 s1, $0x2  }
0xc8: {  	s4 =	sand.u32 $0x4000, s31;
	s1 =	sadd.s32 s1, s30  }
0xc9: {  	s0 =	sor.u32 s4, s0;
	s1 =	sshll.u32 s1, $0x11  }
0xca: {  	s0 =	sor.u32 s1, s0  }
0xcb: {  	s0 =	sadd.s32 $0x8F2B, s0  }
0xcc: {  	[sflag:s0] =	ssyncadd.remote.s32 $0x1  }
0xcd: {  	_ =	sfence.sel $0xFFFF  }
0xce: {  	[dreg:$0x0] =	wrdreg $0xFFFFFFFF;
	(pc) =	sbr.abs _section_cstart, $3  }
0xcf: {  	[dreg:$0x1] =	wrdreg $0xFFFFFFFF  }
0xd0: {  	_ =	task.clear_ibuf [dreg:s22], $0x2FFFF;
	_ =	strace $0x9FFFFFFF  }
0xd1: {  	(tm) =	ssettm $0x7FFFFFFF  }
tec
execute0_lowered:
.L_overlay_start_1:
0x0: {  	(tag) =	ssettag $0x1  }
0x1: {  	s0 =	srdreg.scid;
	s1 =	rddreg [dreg:$0x0]  }
0x2: {  	s7 =	stileid.u32;
	s2 =	rddreg [dreg:$0x1]  }
0x3: {  	s3 =	simm.s32 $0x0;
	s16 =	simm.s32 $0x800;
	s17 =	simm.s32 $0x1  }
0x4: {  	s18 =	simm.s32 $0x80;
	s19 =	simm.s32 $0x100;
	s5 =	smul.u32 $0x2800, s7  }
0x5: {  	s28 =	simm.s32 $0x500;
	s29 =	simm.s32 $0x580;
	s6 =	smul.u32 $0x278, s7  }
0x6: {  	s30 =	simm.s32 $0x600;
	s0 =	sand.u32 $0x1, s0;
	s7 =	smul.u32 $0x4F000, s7  }
0x7: {  	s31 =	simm.s32 $0x680;
	[smem:$0x7FF] =	sst s3;
	s4 =	smul.u32 $0x28000, s0  }
0x8: {  	s20 =	smul.u32 $0x2780, s0;
	_ =	strace $0x8000004A;
	s0 =	ssub.s32 $0x2, s0  }
0x9: {  	s22 =	sshrl.u32 s7, $0x2;
	s23 =	sshrl.u32 s0, $0x1;
	s4 =	sadd.s32 s5, s4  }
0xa: {  	s21 =	sadd.s32 s6, s20;
	s0 =	ssub.s32 s0, s23;
	s20 =	simm.s32 $0x180  }
0xb: {  	s23 =	simm.s32 $0x300;
	s4 =	sshrl.u32 s4, $0x3;
	s14 =	smax.u32 s0, $0x1  }
0xc: {  	s0 =	simm.s32 $0x780;
	s9 =	sadd.s32 s4, s1;
	s4 =	sshll.u32 s21, $0x4  }
0xd: {  	s21 =	simm.s32 $0x200;
	s1 =	sadd.s32 s4, s1;
	s4 =	sadd.s32 s22, s2  }
0xe: {  	s15 =	sadd.s32 $0x54C00, s9;
	s22 =	simm.s32 $0x280;
	s10 =	sadd.s32 $0xB7C00, s1  }
0xf: {  	s9 =	simm.s32 $0x0;
	s24 =	sadd.s32 $0xB8400, s1;
	[dreg:$0x3] =	wrdreg s10  }
0x10: {  	s5 =	sadd.s32 $0x4000, s4;
	s25 =	sadd.s32 $0xB8C00, s1;
	[dreg:$0x4] =	wrdreg s24  }
0x11: {  	s6 =	sadd.s32 $0x8000, s4;
	s26 =	sadd.s32 $0xB9400, s1;
	[dreg:$0x5] =	wrdreg s25  }
0x12: {  	s7 =	sadd.s32 $0xC000, s4;
	s1 =	sadd.s32 $0xB9C00, s1;
	[dreg:$0x6] =	wrdreg s26  }
0x13: {  	s8 =	sadd.s32 $0x10000, s4;
	[dreg:$0x7] =	wrdreg s1;
	s24 =	simm.s32 $0x380  }
0x14: {  	v0 =	vimm.f32 $0.0e+00;
	v1 =	vimm.f32 $1.000000000e+00;
	s25 =	simm.s32 $0x400;
	s26 =	simm.s32 $0x480;
	s1 =	simm.s32 $0x700  }
.LBB2_1:
0x15: {  	s10 =	simm.s32 $0x0;
	s11 =	simm.s32 $0x200  }
.LBB2_2:
0x16: {  	p0 =	sne.s32 s11, $0xFE00;
	[tilespmem:s10+$0x870] =	vst v0  }
0x17: {  	[tilespmem:s10+$0x800] =	vst v0  }
0x18: {  	[tilespmem:s10+$0x810] =	vst v0  }
.Ltmp0:
0x19: {  	[tilespmem:s10+$0x820] =	vst v0;
	(pc) =	sbr.rel @p0 .LBB2_2-.Ltmp0, $4  }
0x1a: {  	[tilespmem:s10+$0x830] =	vst v0  }
0x1b: {  	[tilespmem:s10+$0x840] =	vst v0  }
0x1c: {  	[tilespmem:s10+$0x850] =	vst v0  }
0x1d: {  	[tilespmem:s10+$0x860] =	vst v0;
	s10 =	sshra.s32 s11, $0x2;
	s11 =	sadd.s32 $0x200, s11  }
0x1e: {  	[tilespmem:s10+$0x870] =	vst v0  }
0x1f: {  	[tilespmem:s10+$0x800] =	vst v0  }
0x20: {  	[tilespmem:s10+$0x810] =	vst v0  }
0x21: {  	[tilespmem:s10+$0x820] =	vst v0  }
0x22: {  	[tilespmem:s10+$0x830] =	vst v0  }
0x23: {  	[tilespmem:s10+$0x840] =	vst v0  }
0x24: {  	[tilespmem:s10+$0x850] =	vst v0  }
0x25: {  	[tilespmem:s10+$0x860] =	vst v0  }
0x26: {  	[spmem:s4] =	stream.linear.scatter [tilespmem:s16], [sflag:$0x1], $0x4000, $0x38;
	[tilespmem:$0x18400] =	vst v63  }
0x27: {  	_ =	swait.ge [sflag:s17], $0x4000  }
0x28: {  	[sflag:s17] =	ssyncset.done $0x0  }
0x29: {  	[sflag:s17] =	ssyncadd.s32 $0xFFFFC000  }
0x2a: {  	[spmem:s5] =	stream.linear.scatter [tilespmem:s16], [sflag:$0x1], $0x4000, $0x38;
	[tilespmem:$0x18400] =	vst v63  }
0x2b: {  	_ =	swait.ge [sflag:s17], $0x4000  }
0x2c: {  	[sflag:s17] =	ssyncset.done $0x0  }
0x2d: {  	[sflag:s17] =	ssyncadd.s32 $0xFFFFC000  }
0x2e: {  	[spmem:s6] =	stream.linear.scatter [tilespmem:s16], [sflag:$0x1], $0x4000, $0x38;
	[tilespmem:$0x18400] =	vst v63  }
0x2f: {  	_ =	swait.ge [sflag:s17], $0x4000  }
0x30: {  	[sflag:s17] =	ssyncset.done $0x0  }
0x31: {  	[sflag:s17] =	ssyncadd.s32 $0xFFFFC000  }
0x32: {  	[spmem:s7] =	stream.linear.scatter [tilespmem:s16], [sflag:$0x1], $0x4000, $0x38;
	[tilespmem:$0x18400] =	vst v63  }
0x33: {  	_ =	swait.ge [sflag:s17], $0x4000  }
0x34: {  	[sflag:s17] =	ssyncset.done $0x0  }
0x35: {  	[sflag:s17] =	ssyncadd.s32 $0xFFFFC000  }
0x36: {  	[spmem:s8] =	stream.linear.scatter [tilespmem:s16], [sflag:$0x1], $0x3C00, $0x38;
	[tilespmem:$0x18400] =	vst v63  }
0x37: {  	_ =	swait.ge [sflag:s17], $0x3C00  }
0x38: {  	[sflag:s17] =	ssyncset.done $0x0  }
0x39: {  	s10 =	simm.s32 $0x0;
	s11 =	simm.s32 $0x200;
	[sflag:s17] =	ssyncadd.s32 $0xFFFFC400  }
.LBB2_4:
0x3a: {  	p0 =	sne.s32 s11, $0xFE00;
	[tilespmem:s10+$0x870] =	vst v1  }
0x3b: {  	[tilespmem:s10+$0x800] =	vst v1  }
0x3c: {  	[tilespmem:s10+$0x810] =	vst v1  }
.Ltmp1:
0x3d: {  	[tilespmem:s10+$0x820] =	vst v1;
	(pc) =	sbr.rel @p0 .LBB2_4-.Ltmp1, $4  }
0x3e: {  	[tilespmem:s10+$0x830] =	vst v1  }
0x3f: {  	[tilespmem:s10+$0x840] =	vst v1  }
0x40: {  	[tilespmem:s10+$0x850] =	vst v1  }
0x41: {  	[tilespmem:s10+$0x860] =	vst v1;
	s10 =	sshra.s32 s11, $0x2;
	s11 =	sadd.s32 $0x200, s11  }
0x42: {  	[tilespmem:s10+$0x870] =	vst v1  }
0x43: {  	[tilespmem:s10+$0x800] =	vst v1  }
0x44: {  	[tilespmem:s10+$0x810] =	vst v1  }
0x45: {  	[tilespmem:s10+$0x820] =	vst v1  }
0x46: {  	[tilespmem:s10+$0x830] =	vst v1  }
0x47: {  	[tilespmem:s10+$0x840] =	vst v1  }
0x48: {  	[tilespmem:s10+$0x850] =	vst v1  }
0x49: {  	[tilespmem:s10+$0x860] =	vst v1  }
0x4a: {  	s13 =	sadd.s32 $0x0, s15;
	[bflag:$0x0] =	sbarrier.arrive $0xFFFF  }
0x4b: {  	[tilespmem:s3], [sflag:$0x1] =	stream.linear.gather [hbm4b:s13+s3], $0x800, $0x38;
	[tilespmem:$0x18400] =	vst v63  }
0x4c: {  	_ =	swait.ge [sflag:s17], $0x800  }
0x4d: {  	[sflag:s17] =	ssyncset.done $0x0  }
0x4e: {  	[sflag:s17] =	ssyncadd.s32 $0xFFFFF800  }
0x4f: {  	[spmem:s2] =	stream.indirect.scatter.add.f32 [tilespmem:s16], [sflag:$0x1], $0x80, s3, s18, $0xb8;
	[tilespmem:$0x18400] =	vst v63  }
0x50: {  	_ =	swait.ge [sflag:s17], $0x4000  }
0x51: {  	[sflag:s17] =	ssyncset.done $0x0  }
0x52: {  	[sflag:s17] =	ssyncadd.s32 $0xFFFFC000  }
0x53: {  	[spmem:s2] =	stream.indirect.scatter.add.f32 [tilespmem:s16], [sflag:$0x1], $0x80, s18, s18, $0xb8;
	[tilespmem:$0x18400] =	vst v63  }
0x54: {  	_ =	swait.ge [sflag:s17], $0x4000  }
0x55: {  	[sflag:s17] =	ssyncset.done $0x0  }
0x56: {  	[sflag:s17] =	ssyncadd.s32 $0xFFFFC000  }
0x57: {  	[spmem:s2] =	stream.indirect.scatter.add.f32 [tilespmem:s16], [sflag:$0x1], $0x80, s19, s18, $0xb8;
	[tilespmem:$0x18400] =	vst v63  }
0x58: {  	_ =	swait.ge [sflag:s17], $0x4000  }
0x59: {  	[sflag:s17] =	ssyncset.done $0x0  }
0x5a: {  	[sflag:s17] =	ssyncadd.s32 $0xFFFFC000  }
0x5b: {  	[spmem:s2] =	stream.indirect.scatter.add.f32 [tilespmem:s16], [sflag:$0x1], $0x80, s20, s18, $0xb8;
	[tilespmem:$0x18400] =	vst v63  }
0x5c: {  	_ =	swait.ge [sflag:s17], $0x4000  }
0x5d: {  	[sflag:s17] =	ssyncset.done $0x0  }
0x5e: {  	[sflag:s17] =	ssyncadd.s32 $0xFFFFC000  }
0x5f: {  	[spmem:s2] =	stream.indirect.scatter.add.f32 [tilespmem:s16], [sflag:$0x1], $0x80, s21, s18, $0xb8;
	[tilespmem:$0x18400] =	vst v63  }
0x60: {  	_ =	swait.ge [sflag:s17], $0x4000  }
0x61: {  	[sflag:s17] =	ssyncset.done $0x0  }
0x62: {  	[sflag:s17] =	ssyncadd.s32 $0xFFFFC000  }
0x63: {  	[spmem:s2] =	stream.indirect.scatter.add.f32 [tilespmem:s16], [sflag:$0x1], $0x80, s22, s18, $0xb8;
	[tilespmem:$0x18400] =	vst v63  }
0x64: {  	_ =	swait.ge [sflag:s17], $0x4000  }
0x65: {  	[sflag:s17] =	ssyncset.done $0x0  }
0x66: {  	[sflag:s17] =	ssyncadd.s32 $0xFFFFC000  }
0x67: {  	[spmem:s2] =	stream.indirect.scatter.add.f32 [tilespmem:s16], [sflag:$0x1], $0x80, s23, s18, $0xb8;
	[tilespmem:$0x18400] =	vst v63  }
0x68: {  	_ =	swait.ge [sflag:s17], $0x4000  }
0x69: {  	[sflag:s17] =	ssyncset.done $0x0  }
0x6a: {  	[sflag:s17] =	ssyncadd.s32 $0xFFFFC000  }
0x6b: {  	[spmem:s2] =	stream.indirect.scatter.add.f32 [tilespmem:s16], [sflag:$0x1], $0x80, s24, s18, $0xb8;
	[tilespmem:$0x18400] =	vst v63  }
0x6c: {  	_ =	swait.ge [sflag:s17], $0x4000  }
0x6d: {  	[sflag:s17] =	ssyncset.done $0x0  }
0x6e: {  	[sflag:s17] =	ssyncadd.s32 $0xFFFFC000  }
0x6f: {  	[spmem:s2] =	stream.indirect.scatter.add.f32 [tilespmem:s16], [sflag:$0x1], $0x80, s25, s18, $0xb8;
	[tilespmem:$0x18400] =	vst v63  }
0x70: {  	_ =	swait.ge [sflag:s17], $0x4000  }
0x71: {  	[sflag:s17] =	ssyncset.done $0x0  }
0x72: {  	[sflag:s17] =	ssyncadd.s32 $0xFFFFC000  }
0x73: {  	[spmem:s2] =	stream.indirect.scatter.add.f32 [tilespmem:s16], [sflag:$0x1], $0x80, s26, s18, $0xb8;
	[tilespmem:$0x18400] =	vst v63  }
0x74: {  	_ =	swait.ge [sflag:s17], $0x4000  }
0x75: {  	[sflag:s17] =	ssyncset.done $0x0  }
0x76: {  	[sflag:s17] =	ssyncadd.s32 $0xFFFFC000  }
0x77: {  	[spmem:s2] =	stream.indirect.scatter.add.f32 [tilespmem:s16], [sflag:$0x1], $0x80, s28, s18, $0xb8;
	[tilespmem:$0x18400] =	vst v63  }
0x78: {  	_ =	swait.ge [sflag:s17], $0x4000  }
0x79: {  	[sflag:s17] =	ssyncset.done $0x0  }
0x7a: {  	[sflag:s17] =	ssyncadd.s32 $0xFFFFC000  }
0x7b: {  	[spmem:s2] =	stream.indirect.scatter.add.f32 [tilespmem:s16], [sflag:$0x1], $0x80, s29, s18, $0xb8;
	[tilespmem:$0x18400] =	vst v63  }
0x7c: {  	_ =	swait.ge [sflag:s17], $0x4000  }
0x7d: {  	[sflag:s17] =	ssyncset.done $0x0  }
0x7e: {  	[sflag:s17] =	ssyncadd.s32 $0xFFFFC000  }
0x7f: {  	[spmem:s2] =	stream.indirect.scatter.add.f32 [tilespmem:s16], [sflag:$0x1], $0x80, s30, s18, $0xb8;
	[tilespmem:$0x18400] =	vst v63  }
0x80: {  	_ =	swait.ge [sflag:s17], $0x4000  }
0x81: {  	[sflag:s17] =	ssyncset.done $0x0  }
0x82: {  	[sflag:s17] =	ssyncadd.s32 $0xFFFFC000  }
0x83: {  	[spmem:s2] =	stream.indirect.scatter.add.f32 [tilespmem:s16], [sflag:$0x1], $0x80, s31, s18, $0xb8;
	[tilespmem:$0x18400] =	vst v63  }
0x84: {  	_ =	swait.ge [sflag:s17], $0x4000  }
0x85: {  	[sflag:s17] =	ssyncset.done $0x0  }
0x86: {  	[sflag:s17] =	ssyncadd.s32 $0xFFFFC000  }
0x87: {  	[spmem:s2] =	stream.indirect.scatter.add.f32 [tilespmem:s16], [sflag:$0x1], $0x80, s1, s18, $0xb8;
	[tilespmem:$0x18400] =	vst v63  }
0x88: {  	_ =	swait.ge [sflag:s17], $0x4000  }
0x89: {  	[sflag:s17] =	ssyncset.done $0x0  }
0x8a: {  	[sflag:s17] =	ssyncadd.s32 $0xFFFFC000  }
0x8b: {  	[spmem:s2] =	stream.indirect.scatter.add.f32 [tilespmem:s16], [sflag:$0x1], $0x80, s0, s18, $0xb8;
	[tilespmem:$0x18400] =	vst v63  }
0x8c: {  	_ =	swait.ge [sflag:s17], $0x4000  }
0x8d: {  	s10 =	simm.s32 $0x100;
	s11 =	simm.s32 $0x200;
	[sflag:s17] =	ssyncset.done $0x0  }
.LBB2_6:
0x8e: {  	s13 =	sadd.s32 s10, s15  }
0x8f: {  	[sflag:s17] =	ssyncadd.s32 $0xFFFFC000;
	s10 =	smov.u32 s11;
	s12 =	sadd.s32 $0x100, s11  }
0x90: {  	[tilespmem:s3], [sflag:$0x1] =	stream.linear.gather [hbm4b:s13+s3], $0x800, $0x38;
	[tilespmem:$0x18400] =	vst v63  }
0x91: {  	p0 =	sne.s32 s11, $0x400;
	_ =	swait.ge [sflag:s17], $0x800  }
0x92: {  	[sflag:s17] =	ssyncset.done $0x0  }
0x93: {  	[sflag:s17] =	ssyncadd.s32 $0xFFFFF800  }
0x94: {  	[spmem:s2] =	stream.indirect.scatter.add.f32 [tilespmem:s16], [sflag:$0x1], $0x80, s3, s18, $0xb8;
	[tilespmem:$0x18400] =	vst v63  }
0x95: {  	_ =	swait.ge [sflag:s17], $0x4000  }
0x96: {  	[sflag:s17] =	ssyncset.done $0x0  }
0x97: {  	[sflag:s17] =	ssyncadd.s32 $0xFFFFC000  }
0x98: {  	[spmem:s2] =	stream.indirect.scatter.add.f32 [tilespmem:s16], [sflag:$0x1], $0x80, s18, s18, $0xb8;
	[tilespmem:$0x18400] =	vst v63  }
0x99: {  	_ =	swait.ge [sflag:s17], $0x4000  }
0x9a: {  	[sflag:s17] =	ssyncset.done $0x0  }
0x9b: {  	[sflag:s17] =	ssyncadd.s32 $0xFFFFC000  }
0x9c: {  	[spmem:s2] =	stream.indirect.scatter.add.f32 [tilespmem:s16], [sflag:$0x1], $0x80, s19, s18, $0xb8;
	[tilespmem:$0x18400] =	vst v63  }
0x9d: {  	_ =	swait.ge [sflag:s17], $0x4000  }
0x9e: {  	[sflag:s17] =	ssyncset.done $0x0  }
0x9f: {  	[sflag:s17] =	ssyncadd.s32 $0xFFFFC000  }
0xa0: {  	[spmem:s2] =	stream.indirect.scatter.add.f32 [tilespmem:s16], [sflag:$0x1], $0x80, s20, s18, $0xb8;
	[tilespmem:$0x18400] =	vst v63  }
0xa1: {  	_ =	swait.ge [sflag:s17], $0x4000  }
0xa2: {  	[sflag:s17] =	ssyncset.done $0x0  }
0xa3: {  	[sflag:s17] =	ssyncadd.s32 $0xFFFFC000  }
0xa4: {  	[spmem:s2] =	stream.indirect.scatter.add.f32 [tilespmem:s16], [sflag:$0x1], $0x80, s21, s18, $0xb8;
	[tilespmem:$0x18400] =	vst v63  }
0xa5: {  	_ =	swait.ge [sflag:s17], $0x4000  }
0xa6: {  	[sflag:s17] =	ssyncset.done $0x0  }
0xa7: {  	[sflag:s17] =	ssyncadd.s32 $0xFFFFC000  }
0xa8: {  	[spmem:s2] =	stream.indirect.scatter.add.f32 [tilespmem:s16], [sflag:$0x1], $0x80, s22, s18, $0xb8;
	[tilespmem:$0x18400] =	vst v63  }
0xa9: {  	_ =	swait.ge [sflag:s17], $0x4000  }
0xaa: {  	[sflag:s17] =	ssyncset.done $0x0  }
0xab: {  	[sflag:s17] =	ssyncadd.s32 $0xFFFFC000  }
0xac: {  	[spmem:s2] =	stream.indirect.scatter.add.f32 [tilespmem:s16], [sflag:$0x1], $0x80, s23, s18, $0xb8;
	[tilespmem:$0x18400] =	vst v63  }
0xad: {  	_ =	swait.ge [sflag:s17], $0x4000  }
0xae: {  	[sflag:s17] =	ssyncset.done $0x0  }
0xaf: {  	[sflag:s17] =	ssyncadd.s32 $0xFFFFC000  }
0xb0: {  	[spmem:s2] =	stream.indirect.scatter.add.f32 [tilespmem:s16], [sflag:$0x1], $0x80, s24, s18, $0xb8;
	[tilespmem:$0x18400] =	vst v63  }
0xb1: {  	_ =	swait.ge [sflag:s17], $0x4000  }
0xb2: {  	[sflag:s17] =	ssyncset.done $0x0  }
0xb3: {  	[sflag:s17] =	ssyncadd.s32 $0xFFFFC000  }
0xb4: {  	[spmem:s2] =	stream.indirect.scatter.add.f32 [tilespmem:s16], [sflag:$0x1], $0x80, s25, s18, $0xb8;
	[tilespmem:$0x18400] =	vst v63  }
0xb5: {  	_ =	swait.ge [sflag:s17], $0x4000  }
0xb6: {  	[sflag:s17] =	ssyncset.done $0x0  }
0xb7: {  	[sflag:s17] =	ssyncadd.s32 $0xFFFFC000  }
0xb8: {  	[spmem:s2] =	stream.indirect.scatter.add.f32 [tilespmem:s16], [sflag:$0x1], $0x80, s26, s18, $0xb8;
	[tilespmem:$0x18400] =	vst v63  }
0xb9: {  	_ =	swait.ge [sflag:s17], $0x4000  }
0xba: {  	[sflag:s17] =	ssyncset.done $0x0  }
0xbb: {  	[sflag:s17] =	ssyncadd.s32 $0xFFFFC000  }
0xbc: {  	[spmem:s2] =	stream.indirect.scatter.add.f32 [tilespmem:s16], [sflag:$0x1], $0x80, s28, s18, $0xb8;
	[tilespmem:$0x18400] =	vst v63  }
0xbd: {  	_ =	swait.ge [sflag:s17], $0x4000  }
0xbe: {  	[sflag:s17] =	ssyncset.done $0x0  }
0xbf: {  	[sflag:s17] =	ssyncadd.s32 $0xFFFFC000  }
0xc0: {  	[spmem:s2] =	stream.indirect.scatter.add.f32 [tilespmem:s16], [sflag:$0x1], $0x80, s29, s18, $0xb8;
	[tilespmem:$0x18400] =	vst v63  }
0xc1: {  	_ =	swait.ge [sflag:s17], $0x4000  }
0xc2: {  	[sflag:s17] =	ssyncset.done $0x0  }
0xc3: {  	[sflag:s17] =	ssyncadd.s32 $0xFFFFC000  }
0xc4: {  	[spmem:s2] =	stream.indirect.scatter.add.f32 [tilespmem:s16], [sflag:$0x1], $0x80, s30, s18, $0xb8;
	[tilespmem:$0x18400] =	vst v63  }
0xc5: {  	_ =	swait.ge [sflag:s17], $0x4000  }
0xc6: {  	[sflag:s17] =	ssyncset.done $0x0  }
0xc7: {  	[sflag:s17] =	ssyncadd.s32 $0xFFFFC000  }
0xc8: {  	[spmem:s2] =	stream.indirect.scatter.add.f32 [tilespmem:s16], [sflag:$0x1], $0x80, s31, s18, $0xb8;
	[tilespmem:$0x18400] =	vst v63  }
0xc9: {  	_ =	swait.ge [sflag:s17], $0x4000  }
0xca: {  	[sflag:s17] =	ssyncset.done $0x0  }
0xcb: {  	[sflag:s17] =	ssyncadd.s32 $0xFFFFC000  }
0xcc: {  	[spmem:s2] =	stream.indirect.scatter.add.f32 [tilespmem:s16], [sflag:$0x1], $0x80, s1, s18, $0xb8;
	[tilespmem:$0x18400] =	vst v63  }
0xcd: {  	_ =	swait.ge [sflag:s17], $0x4000  }
.Ltmp2:
0xce: {  	[sflag:s17] =	ssyncset.done $0x0;
	(pc) =	sbr.rel @p0 .LBB2_6-.Ltmp2, $4  }
0xcf: {  	[sflag:s17] =	ssyncadd.s32 $0xFFFFC000  }
0xd0: {  	[spmem:s2] =	stream.indirect.scatter.add.f32 [tilespmem:s16], [sflag:$0x1], $0x80, s0, s18, $0xb8;
	[tilespmem:$0x18400] =	vst v63  }
0xd1: {  	_ =	swait.ge [sflag:s17], $0x4000  }
0xd2: {  	s11 =	smov.u32 s12;
	[sflag:s17] =	ssyncset.done $0x0  }
0xd3: {  	s10 =	sadd.s32 s10, s15;
	[sflag:s17] =	ssyncadd.s32 $0xFFFFC000  }
0xd4: {  	[tilespmem:s3], [sflag:$0x1] =	stream.linear.gather [hbm4b:s10+s3], $0x800, $0x38;
	[tilespmem:$0x18400] =	vst v63  }
0xd5: {  	_ =	swait.ge [sflag:s17], $0x800  }
0xd6: {  	[sflag:s17] =	ssyncset.done $0x0  }
0xd7: {  	[sflag:s17] =	ssyncadd.s32 $0xFFFFF800  }
0xd8: {  	[spmem:s2] =	stream.indirect.scatter.add.f32 [tilespmem:s16], [sflag:$0x1], $0x80, s3, s18, $0xb8;
	[tilespmem:$0x18400] =	vst v63  }
0xd9: {  	_ =	swait.ge [sflag:s17], $0x4000  }
0xda: {  	[sflag:s17] =	ssyncset.done $0x0  }
0xdb: {  	[sflag:s17] =	ssyncadd.s32 $0xFFFFC000  }
0xdc: {  	[spmem:s2] =	stream.indirect.scatter.add.f32 [tilespmem:s16], [sflag:$0x1], $0x80, s18, s18, $0xb8;
	[tilespmem:$0x18400] =	vst v63  }
0xdd: {  	_ =	swait.ge [sflag:s17], $0x4000  }
0xde: {  	[sflag:s17] =	ssyncset.done $0x0  }
0xdf: {  	[sflag:s17] =	ssyncadd.s32 $0xFFFFC000  }
0xe0: {  	[spmem:s2] =	stream.indirect.scatter.add.f32 [tilespmem:s16], [sflag:$0x1], $0x80, s19, s18, $0xb8;
	[tilespmem:$0x18400] =	vst v63  }
0xe1: {  	_ =	swait.ge [sflag:s17], $0x4000  }
0xe2: {  	[sflag:s17] =	ssyncset.done $0x0  }
0xe3: {  	[sflag:s17] =	ssyncadd.s32 $0xFFFFC000  }
0xe4: {  	[spmem:s2] =	stream.indirect.scatter.add.f32 [tilespmem:s16], [sflag:$0x1], $0x80, s20, s18, $0xb8;
	[tilespmem:$0x18400] =	vst v63  }
0xe5: {  	_ =	swait.ge [sflag:s17], $0x4000  }
0xe6: {  	[sflag:s17] =	ssyncset.done $0x0  }
0xe7: {  	[sflag:s17] =	ssyncadd.s32 $0xFFFFC000  }
0xe8: {  	[spmem:s2] =	stream.indirect.scatter.add.f32 [tilespmem:s16], [sflag:$0x1], $0x80, s21, s18, $0xb8;
	[tilespmem:$0x18400] =	vst v63  }
0xe9: {  	_ =	swait.ge [sflag:s17], $0x4000  }
0xea: {  	[sflag:s17] =	ssyncset.done $0x0  }
0xeb: {  	[sflag:s17] =	ssyncadd.s32 $0xFFFFC000  }
0xec: {  	[spmem:s2] =	stream.indirect.scatter.add.f32 [tilespmem:s16], [sflag:$0x1], $0x80, s22, s18, $0xb8;
	[tilespmem:$0x18400] =	vst v63  }
0xed: {  	_ =	swait.ge [sflag:s17], $0x4000  }
0xee: {  	[sflag:s17] =	ssyncset.done $0x0  }
0xef: {  	[sflag:s17] =	ssyncadd.s32 $0xFFFFC000  }
0xf0: {  	[spmem:s2] =	stream.indirect.scatter.add.f32 [tilespmem:s16], [sflag:$0x1], $0x80, s23, s18, $0xb8;
	[tilespmem:$0x18400] =	vst v63  }
0xf1: {  	_ =	swait.ge [sflag:s17], $0x4000  }
0xf2: {  	[sflag:s17] =	ssyncset.done $0x0  }
0xf3: {  	[sflag:s17] =	ssyncadd.s32 $0xFFFFC000  }
0xf4: {  	[spmem:s2] =	stream.indirect.scatter.add.f32 [tilespmem:s16], [sflag:$0x1], $0x80, s24, s18, $0xb8;
	[tilespmem:$0x18400] =	vst v63  }
0xf5: {  	_ =	swait.ge [sflag:s17], $0x4000  }
0xf6: {  	[sflag:s17] =	ssyncset.done $0x0  }
0xf7: {  	[sflag:s17] =	ssyncadd.s32 $0xFFFFC000  }
0xf8: {  	[spmem:s2] =	stream.indirect.scatter.add.f32 [tilespmem:s16], [sflag:$0x1], $0x80, s25, s18, $0xb8;
	[tilespmem:$0x18400] =	vst v63  }
0xf9: {  	_ =	swait.ge [sflag:s17], $0x4000  }
0xfa: {  	[sflag:s17] =	ssyncset.done $0x0  }
0xfb: {  	[sflag:s17] =	ssyncadd.s32 $0xFFFFC000  }
0xfc: {  	[spmem:s2] =	stream.indirect.scatter.add.f32 [tilespmem:s16], [sflag:$0x1], $0x80, s26, s18, $0xb8;
	[tilespmem:$0x18400] =	vst v63  }
0xfd: {  	_ =	swait.ge [sflag:s17], $0x4000  }
0xfe: {  	[sflag:s17] =	ssyncset.done $0x0  }
0xff: {  	[sflag:s17] =	ssyncadd.s32 $0xFFFFC000  }
0x100: {  	[spmem:s2] =	stream.indirect.scatter.add.f32 [tilespmem:s16], [sflag:$0x1], $0x80, s28, s18, $0xb8;
	[tilespmem:$0x18400] =	vst v63  }
0x101: {  	_ =	swait.ge [sflag:s17], $0x4000  }
0x102: {  	[sflag:s17] =	ssyncset.done $0x0  }
0x103: {  	[sflag:s17] =	ssyncadd.s32 $0xFFFFC000  }
0x104: {  	[spmem:s2] =	stream.indirect.scatter.add.f32 [tilespmem:s16], [sflag:$0x1], $0x80, s29, s18, $0xb8;
	[tilespmem:$0x18400] =	vst v63  }
0x105: {  	_ =	swait.ge [sflag:s17], $0x4000  }
0x106: {  	[sflag:s17] =	ssyncset.done $0x0  }
0x107: {  	[sflag:s17] =	ssyncadd.s32 $0xFFFFC000  }
0x108: {  	[spmem:s2] =	stream.indirect.scatter.add.f32 [tilespmem:s16], [sflag:$0x1], $0x80, s30, s18, $0xb8;
	[tilespmem:$0x18400] =	vst v63  }
0x109: {  	_ =	swait.ge [sflag:s17], $0x4000  }
0x10a: {  	[sflag:s17] =	ssyncset.done $0x0  }
0x10b: {  	[sflag:s17] =	ssyncadd.s32 $0xFFFFC000  }
0x10c: {  	[spmem:s2] =	stream.indirect.scatter.add.f32 [tilespmem:s16], [sflag:$0x1], $0x80, s31, s18, $0xb8;
	[tilespmem:$0x18400] =	vst v63  }
0x10d: {  	_ =	swait.ge [sflag:s17], $0x4000  }
0x10e: {  	[sflag:s17] =	ssyncset.done $0x0  }
0x10f: {  	[sflag:s17] =	ssyncadd.s32 $0xFFFFC000  }
0x110: {  	[spmem:s2] =	stream.indirect.scatter.add.f32 [tilespmem:s16], [sflag:$0x1], $0x80, s1, s18, $0xb8;
	[tilespmem:$0x18400] =	vst v63  }
0x111: {  	_ =	swait.ge [sflag:s17], $0x4000  }
0x112: {  	[sflag:s17] =	ssyncset.done $0x0  }
0x113: {  	[sflag:s17] =	ssyncadd.s32 $0xFFFFC000  }
0x114: {  	[spmem:s2] =	stream.indirect.scatter.add.f32 [tilespmem:s16], [sflag:$0x1], $0x80, s0, s18, $0xb8;
	[tilespmem:$0x18400] =	vst v63  }
0x115: {  	_ =	swait.ge [sflag:s17], $0x4000  }
0x116: {  	[sflag:s17] =	ssyncset.done $0x0  }
0x117: {  	[sflag:s17] =	ssyncadd.s32 $0xFFFFC000  }
0x118: {  	[bflag:$0x0] =	sbarrier.arrive $0xFFFF  }
0x119: {  	[tilespmem:s16], [sflag:$0x1] =	stream.linear.gather [spmem:s4], $0x4000, $0x38;
	[tilespmem:$0x18400] =	vst v63  }
0x11a: {  	_ =	swait.ge [sflag:s17], $0x4000  }
0x11b: {  	[sflag:s17] =	ssyncset.done $0x0  }
0x11c: {  	s12 =	rddreg [dreg:$0x3];
	[sflag:s17] =	ssyncadd.s32 $0xFFFFC000  }
0x11d: {  	[hbm4b:s12+s3] =	stream.linear.scatter [tilespmem:s16], [sflag:$0x1], $0x4000, $0x38;
	[tilespmem:$0x18400] =	vst v63  }
0x11e: {  	_ =	swait.ge [sflag:s17], $0x4000  }
0x11f: {  	[sflag:s17] =	ssyncset.done $0x0  }
0x120: {  	[sflag:s17] =	ssyncadd.s32 $0xFFFFC000  }
0x121: {  	[tilespmem:s16], [sflag:$0x1] =	stream.linear.gather [spmem:s5], $0x4000, $0x38;
	[tilespmem:$0x18400] =	vst v63  }
0x122: {  	_ =	swait.ge [sflag:s17], $0x4000  }
0x123: {  	[sflag:s17] =	ssyncset.done $0x0  }
0x124: {  	s13 =	rddreg [dreg:$0x4];
	[sflag:s17] =	ssyncadd.s32 $0xFFFFC000  }
0x125: {  	[hbm4b:s13+s3] =	stream.linear.scatter [tilespmem:s16], [sflag:$0x1], $0x4000, $0x38;
	[tilespmem:$0x18400] =	vst v63  }
0x126: {  	_ =	swait.ge [sflag:s17], $0x4000  }
0x127: {  	[sflag:s17] =	ssyncset.done $0x0  }
0x128: {  	[sflag:s17] =	ssyncadd.s32 $0xFFFFC000  }
0x129: {  	[tilespmem:s16], [sflag:$0x1] =	stream.linear.gather [spmem:s6], $0x4000, $0x38;
	[tilespmem:$0x18400] =	vst v63  }
0x12a: {  	_ =	swait.ge [sflag:s17], $0x4000  }
0x12b: {  	[sflag:s17] =	ssyncset.done $0x0  }
0x12c: {  	s11 =	rddreg [dreg:$0x5];
	[sflag:s17] =	ssyncadd.s32 $0xFFFFC000  }
0x12d: {  	[hbm4b:s11+s3] =	stream.linear.scatter [tilespmem:s16], [sflag:$0x1], $0x4000, $0x38;
	[tilespmem:$0x18400] =	vst v63  }
0x12e: {  	_ =	swait.ge [sflag:s17], $0x4000  }
0x12f: {  	[sflag:s17] =	ssyncset.done $0x0  }
0x130: {  	[sflag:s17] =	ssyncadd.s32 $0xFFFFC000  }
0x131: {  	[tilespmem:s16], [sflag:$0x1] =	stream.linear.gather [spmem:s7], $0x4000, $0x38;
	[tilespmem:$0x18400] =	vst v63  }
0x132: {  	_ =	swait.ge [sflag:s17], $0x4000  }
0x133: {  	[sflag:s17] =	ssyncset.done $0x0  }
0x134: {  	s12 =	rddreg [dreg:$0x6];
	[sflag:s17] =	ssyncadd.s32 $0xFFFFC000  }
0x135: {  	[hbm4b:s12+s3] =	stream.linear.scatter [tilespmem:s16], [sflag:$0x1], $0x4000, $0x38;
	[tilespmem:$0x18400] =	vst v63  }
0x136: {  	_ =	swait.ge [sflag:s17], $0x4000  }
0x137: {  	[sflag:s17] =	ssyncset.done $0x0  }
0x138: {  	[sflag:s17] =	ssyncadd.s32 $0xFFFFC000  }
0x139: {  	[tilespmem:s16], [sflag:$0x1] =	stream.linear.gather [spmem:s8], $0x3C00, $0x38;
	[tilespmem:$0x18400] =	vst v63  }
0x13a: {  	s9 =	sadd.s32 $0x1, s9;
	_ =	swait.ge [sflag:s17], $0x3C00  }
0x13b: {  	p0 =	sne.s32 s9, s14;
	[sflag:s17] =	ssyncset.done $0x0  }
.Ltmp3:
0x13c: {  	s13 =	rddreg [dreg:$0x7];
	[sflag:s17] =	ssyncadd.s32 $0xFFFFC400;
	(pc) =	sbr.rel @p0 .LBB2_1-.Ltmp3, $4  }
0x13d: {  	[hbm4b:s13+s3] =	stream.linear.scatter [tilespmem:s16], [sflag:$0x1], $0x3C00, $0x38;
	[tilespmem:$0x18400] =	vst v63  }
0x13e: {  	_ =	swait.ge [sflag:s17], $0x3C00  }
0x13f: {  	[sflag:s17] =	ssyncset.done $0x0  }
0x140: {  	[sflag:s17] =	ssyncadd.s32 $0xFFFFC400  }
0x141: {  	_ =	sfence.sel $0x180000  }
0x142: {  	[bflag:$0x0] =	sbarrier.arrive $0xFFFF  }
0x143: {  	_ =	strace $0x9000004A  }
0x144: {  	s0 =	stileid.u32;
	[bflag:$0x2] =	sbarrier.arrive $0xFFFF  }
0x145: {  	p0 =	sne.s32 s0, $0x0;
	s0 =	rddreg [dreg:$0x2]  }
0x146: {  	s0 =	sadd.s32 @!p0 $0x100000, s0  }
0x147: {  	[sflag:s0] =	ssyncadd.tile.s32 @!p0 $0x1;
	_ =	shalt  }
.Lfunc_end2:
_tile_overlayer_lowered:
.L_overlay_start_2:
0x148: {  	(tag) =	ssettag $0x2  }
0x149: {  	s0 =	rddreg [dreg:$0x0];
	s2 =	stileid.u32  }
0x14a: {  	s1 =	rddreg [dreg:$0x1];
	p0 =	sne.s32 s2, $0x0  }
0x14b: {  	s3 =	rddreg [dreg:$0x2];
	[bflag:$0x3] =	sbarrier.arrive $0xFFFF;
	s2 =	simm.s32 @!p0 $0x1C01  }
0x14c: {  	[timem:s3], [sflag:s2] =	dma.local @!p0 [hbm:s0], s1  }
0x14d: {  	s0 =	simm.s32 @!p0 $0x1  }
0x14e: {  	_ =	swait.ge @!p0 [sflag:s0], s1  }
0x14f: {  	s1 =	ssub.s32 @!p0 $0x0, s1;
	[sflag:s0] =	ssyncset.done @!p0 $0x0  }
0x150: {  	[sflag:s0] =	ssyncadd.s32 @!p0 s1  }
0x151: {  	[bflag:$0x3] =	sbarrier.arrive $0xFFFF  }
0x152: {  	_ =	shalt  }

// kernel: kernel.7.cloned.1.call-start
scs
__scs_entry_jumppad:
0x0: {  	(pc) =	sbr.rel $0x88, $3  }
0x1: {  	(tag) =	ssettag $0x0;
	lr =	simm.s32 $0x1  }
0x2: {  	[smem:$0x3F90] =	sst lr;
	_ =	strace $0xD0000000  }
0x3: {  	_ = 	snop  }
0x4: {  	_ = 	snop  }
0x5: {  	_ = 	snop  }
0x6: {  	_ = 	snop  }
0x7: {  	_ = 	snop  }
__scs_overlays_trampoline_lowered:
0x8: {  	[smem:$0x3F9F] =	sst s0  }
0x9: {  	[smem:$0x3FA0] =	sst s1  }
0xa: {  	[smem:$0x3FA1] =	sst s2  }
0xb: {  	[smem:$0x3FA2] =	sst s3  }
0xc: {  	[smem:$0x3FA3] =	sst s4  }
0xd: {  	[smem:$0x3FA4] =	sst s5  }
0xe: {  	[smem:$0x3FA5] =	sst s6  }
0xf: {  	[smem:$0x3FA6] =	sst s7  }
0x10: {  	[smem:$0x3FA7] =	sst s8  }
0x11: {  	[smem:$0x3FA8] =	sst s9;
	s0 =	simm.s32 @!p0 $0x0  }
0x12: {  	s1 =	sld [smem:$0x3F8E];
	s0 =	simm.s32 @p0 $0x1  }
0x13: {  	[smem:$0x3FA9] =	sst s0;
	s0 =	simm.s32 @!p1 $0x0  }
0x14: {  	s2 =	sld [smem:$0x3F8D];
	s0 =	simm.s32 @p1 $0x1  }
0x15: {  	[smem:$0x3FAA] =	sst s0;
	s0 =	simm.s32 @!p2 $0x0  }
0x16: {  	s3 =	sld [smem:$0x3FDB];
	s0 =	simm.s32 @p2 $0x1  }
0x17: {  	s4 =	simm.s32 $0x1BF5;
	[smem:$0x3FAC] =	sst s0  }
0x18: {  	s0 =	sld [smem:$0x3F8F];
	_ =	swait.ge [sflag:s4], $0x0  }
0x19: {  	s7 =	sld [smem:$0x3F90]  }
0x1a: {  	s8 =	sadd.s32 $0xFFFFE003, lr  }
0x1b: {  	s9 =	sadd.s32 $0xFFFFFEF7, lr;
	s5 =	simm.s32 $0xFFFFFFFF;
	p2 =	slt.u32 s8, $0xFFFFF086  }
0x1c: {  	p1 =	slt.u32 s9, $0xF7A;
	s5 =	simm.s32 @!p2 $0x0  }
0x1d: {  	s5 =	simm.s32 @p1 $0x1;
	p0 =	seq.s32 s7, s2  }
0x1e: {  	s7 =	smul.u32 @!p0 $0xF7A, s2;
	p2 =	seq.s32 @!p0 s5, $0x0  }
0x1f: {  	s9 =	smul.u32 $0xF7A, s1;
	s8 =	simm.s32 @!p0 $0x1BF5;
	p2 =	por !p2, p0  }
0x20: {  	[sflag:s8] =	ssyncset.s32 @!p0 $0xFFFFF086;
	s6 =	sadd.s32 @!p0 s3, s7;
	s7 =	simm.s32 @!p0 $0x108  }
0x21: {  	s3 =	sadd.s32 s3, s9;
	s6 =	sadd.s32 @!p0 $0x88, s6;
	s7 =	simm.s32 @p2 $0x1082  }
0x22: {  	[simem:s7], [sflag:s8] =	dma.local @!p0 [hbm:s6], $0xF7A  }
0x23: {  	s9 =	sor.u32 $0xD0000000, s2;
	s6 =	simm.s32 $0x108;
	_ =	swait.ge @!p0 [sflag:s8], $0x0  }
0x24: {  	s3 =	sadd.s32 $0x88, s3;
	s6 =	simm.s32 @!p1 $0x1082;
	[sflag:s4] =	ssyncset.s32 $0xFFFFF086  }
0x25: {  	[simem:s6], [sflag:s4] =	dma.local [hbm:s3], $0xF7A  }
0x26: {  	[smem:$0x3F90] =	sst s1;
	(tag) =	ssettag s2;
	_ =	strace s9  }
0x27: {  	s1 =	sld [smem:$0x3FA0]  }
0x28: {  	s2 =	sld [smem:$0x3FA1]  }
0x29: {  	s4 =	sld [smem:$0x3FA3]  }
0x2a: {  	p0 =	seq.s32 s5, $0x0;
	s5 =	sld [smem:$0x3FA4]  }
0x2b: {  	s6 =	sld [smem:$0x3FA5]  }
0x2c: {  	s7 =	sld [smem:$0x3FA6]  }
0x2d: {  	s3 =	simm.s32 $0x108;
	s8 =	sld [smem:$0x3FA7]  }
0x2e: {  	s3 =	simm.s32 @!p0 $0x1082;
	s9 =	sld [smem:$0x3FA8]  }
0x2f: {  	lr =	sadd.s32 s0, s3;
	s0 =	sld [smem:$0x3F9F]  }
0x30: {  	s3 =	sld [smem:$0x3FA2]  }
0x31: {  	[smem:$0x3FAB] =	sst s10  }
0x32: {  	s10 =	sld [smem:$0x3FA9];
	_ =	sdelay $0x3  }
0x33: {  	p0 =	seq.s32 s10, $0x1;
	s10 =	sld [smem:$0x3FAB];
	_ =	sdelay $0x3  }
0x34: {  	[smem:$0x3FAB] =	sst s10  }
0x35: {  	s10 =	sld [smem:$0x3FAA];
	_ =	sdelay $0x3  }
0x36: {  	p1 =	seq.s32 s10, $0x1;
	s10 =	sld [smem:$0x3FAB];
	_ =	sdelay $0x3  }
0x37: {  	[smem:$0x3FAB] =	sst s10  }
0x38: {  	s10 =	sld [smem:$0x3FAC]  }
0x39: {  	_ = 	snop;
	(pc) =	sbr.ind lr, $3  }
0x3a: {  	_ = 	snop  }
0x3b: {  	_ = 	snop  }
0x3c: {  	p2 =	seq.s32 s10, $0x1;
	s10 =	sld [smem:$0x3FAB]  }
0x3d: {  	_ =	shalt  }
0x3e: {  	_ =	shalt  }
0x3f: {  	_ =	shalt  }
0x40: {  	_ =	shalt  }
0x41: {  	_ =	shalt  }
0x42: {  	_ =	shalt  }
0x43: {  	_ =	shalt  }
0x44: {  	_ =	shalt  }
0x45: {  	_ =	shalt  }
0x46: {  	_ =	shalt  }
0x47: {  	_ =	shalt  }
0x48: {  	_ =	shalt  }
0x49: {  	_ =	shalt  }
0x4a: {  	_ =	shalt  }
0x4b: {  	_ =	shalt  }
0x4c: {  	_ =	shalt  }
0x4d: {  	_ =	shalt  }
0x4e: {  	_ =	shalt  }
0x4f: {  	_ =	shalt  }
0x50: {  	_ =	shalt  }
0x51: {  	_ =	shalt  }
0x52: {  	_ =	shalt  }
0x53: {  	_ =	shalt  }
0x54: {  	_ =	shalt  }
0x55: {  	_ =	shalt  }
0x56: {  	_ =	shalt  }
0x57: {  	_ =	shalt  }
0x58: {  	_ =	shalt  }
0x59: {  	_ =	shalt  }
0x5a: {  	_ =	shalt  }
0x5b: {  	_ =	shalt  }
0x5c: {  	_ =	shalt  }
0x5d: {  	_ =	shalt  }
0x5e: {  	_ =	shalt  }
0x5f: {  	_ =	shalt  }
0x60: {  	_ =	shalt  }
0x61: {  	_ =	shalt  }
0x62: {  	_ =	shalt  }
0x63: {  	_ =	shalt  }
0x64: {  	_ =	shalt  }
0x65: {  	_ =	shalt  }
0x66: {  	_ =	shalt  }
0x67: {  	_ =	shalt  }
0x68: {  	_ =	shalt  }
0x69: {  	_ =	shalt  }
0x6a: {  	_ =	shalt  }
0x6b: {  	_ =	shalt  }
0x6c: {  	_ =	shalt  }
0x6d: {  	_ =	shalt  }
0x6e: {  	_ =	shalt  }
0x6f: {  	_ =	shalt  }
0x70: {  	_ =	shalt  }
0x71: {  	_ =	shalt  }
0x72: {  	_ =	shalt  }
0x73: {  	_ =	shalt  }
0x74: {  	_ =	shalt  }
0x75: {  	_ =	shalt  }
0x76: {  	_ =	shalt  }
0x77: {  	_ =	shalt  }
0x78: {  	_ =	shalt  }
0x79: {  	_ =	shalt  }
0x7a: {  	_ =	shalt  }
0x7b: {  	_ =	shalt  }
0x7c: {  	_ =	shalt  }
0x7d: {  	_ =	shalt  }
0x7e: {  	_ =	shalt  }
0x7f: {  	_ =	shalt  }
0x80: {  	_ =	shalt  }
0x81: {  	_ =	shalt  }
0x82: {  	_ =	shalt  }
0x83: {  	_ =	shalt  }
0x84: {  	_ =	shalt  }
0x85: {  	_ =	shalt  }
0x86: {  	_ =	shalt  }
0x87: {  	_ =	shalt  }
.Lfunc_end0:
.L_simem_size_0:
called_computation_lowered:
.L_overlay_start_0:
0x88: {  	s2 =	sld [smem:$0x3FD9]  }
0x89: {  	s3 =	sld [smem:$0x3FFE];
	_ =	sdelay $0x1  }
0x8a: {  	s1 =	srdreg.scid  }
0x8b: {  	s0 =	sand.u32 $0x1, s1  }
0x8c: {  	s14 =	sshll.u32 s0, $0xA;
	s2 =	sadd.s32 s3, s2  }
0x8d: {  	s2 =	sadd.s32 s2, s14  }
0x8e: {  	[smem:$0x3FB7] =	sst s2  }
0x8f: {  	_ = 	snop  }
0x90: {  	s2 =	sld [smem:$0x3FD0];
	_ =	sdelay $0x2  }
0x91: {  	s15 =	simm.s32 $0xB;
	s4 =	simm.s32 $0x10  }
0x92: {  	[smem:s4], [sflag:s15] =	dma.local [hbm:s2], $0x1  }
0x93: {  	_ =	swait.eq [sflag:s15], $0x1  }
0x94: {  	[sflag:s15] =	ssyncset.done $0x0  }
0x95: {  	[sflag:s15] =	ssyncadd.s32 $0xFFFFFFFF  }
0x96: {  	s16 =	sld [smem:$0x10];
	(tm) =	ssettm $0x1  }
0x97: {  	s17 =	sld [smem:$0x3FFB];
	_ =	sdelay $0x3  }
0x98: {  	_ =	strace s17  }
0x99: {  	s3 =	sld [smem:$0x3FFC];
	_ =	sdelay $0x3  }
0x9a: {  	_ =	strace s3  }
0x9b: {  	s3 =	sld [smem:$0x3FFD];
	_ =	sdelay $0x3  }
0x9c: {  	_ =	strace s3  }
0x9d: {  	_ =	strace $0x8FFFFFFF  }
0x9e: {  	s18 =	sld [smem:$0x3FDB];
	_ =	sdelay $0x1  }
0x9f: {  	s19 =	simm.s32 $_scs_section_size  }
0xa0: {  	s5 =	simm.s32 $_size__tile_overlayer_lowered;
	s6 =	simm.s32 $_tile_overlayer_lowered  }
0xa1: {  	s22 =	simm.s32 $0x1BFF;
	s21 =	sshll.u32 s6, $0x1;
	s3 =	sadd.s32 s19, s18  }
0xa2: {  	s7 =	simm.s32 $0x0;
	s20 =	sshll.u32 s5, $0x1;
	s5 =	sadd.s32 s21, s3  }
0xa3: {  	[timem:s7], [sflag:s22] =	dma.local [hbm:s5], s20  }
0xa4: {  	_ =	swait.ge [sflag:s22], s20  }
0xa5: {  	s4 =	ssub.s32 $0x0, s20;
	[sflag:s22] =	ssyncset.done $0x0  }
0xa6: {  	[sflag:s22] =	ssyncadd.s32 s4;
	_ =	sdelay $0x1  }
0xa7: {  	s23 =	simm.s32 $0x1B8B  }
0xa8: {  	_ =	swait.ge [sflag:s23], $0x1  }
0xa9: {  	[sflag:s23] =	ssyncset.done $0x0  }
0xaa: {  	s25 =	simm.s32 $0x1B8E;
	s24 =	sld [smem:$0x3FFE];
	[sflag:s23] =	ssyncadd.s32 $0xFFFFFFFF  }
0xab: {  	s26 =	simm.s32 $execute0_lowered;
	[smem:$0x3FD2] =	sst s25  }
0xac: {  	s5 =	sshll.u32 s26, $0x1;
	_ =	strace $0x80000046;
	[dreg:$0x1] =	wrdreg $0xFFFFFFFF  }
0xad: {  	s28 =	simm.s32 $_size_execute0_lowered;
	s3 =	sadd.s32 s3, s5;
	[dreg:$0x0] =	wrdreg $0x0  }
0xae: {  	s5 =	sshll.u32 s28, $0x1;
	[dreg:$0x2] =	wrdreg s3  }
0xaf: {  	[dreg:$0x3] =	wrdreg s5  }
0xb0: {  	[dreg:$0x4] =	wrdreg $0xC0  }
0xb1: {  	_ =	task [dreg:s7], $0x5FFFF  }
0xb2: {  	[dreg:$0x1] =	wrdreg $0xFFFFFFFF  }
0xb3: {  	[dreg:$0x0] =	wrdreg $0x60  }
0xb4: {  	[dreg:$0x2] =	wrdreg s24  }
0xb5: {  	[dreg:$0x3] =	wrdreg s16  }
0xb6: {  	[dreg:$0x4] =	wrdreg $0x4C000  }
0xb7: {  	[dreg:$0x5] =	wrdreg $0x9  }
0xb8: {  	_ =	task.clear_ibuf [dreg:s7], $0x6FFFF;
	_ =	strace $0x90000046  }
0xb9: {  	s29 =	simm.s32 $0x9;
	_ =	strace $0x80000048  }
0xba: {  	_ =	swait.ge [sflag:s29], $0x1  }
0xbb: {  	[sflag:s29] =	ssyncadd.s32 $0xFFFFFFFF  }
0xbc: {  	_ =	strace $0x90000048  }
0xbd: {  	_ =	sfence  }
0xbe: {  	s30 =	sld [smem:$0x0];
	_ =	sdelay $0x2  }
0xbf: {  	s31 =	sshll.u32 s1, $0xD;
	s1 =	sshrl.u32 s1, $0x2  }
0xc0: {  	s3 =	sand.u32 $0x4000, s31;
	s1 =	sadd.s32 s1, s30  }
0xc1: {  	s0 =	sor.u32 s3, s0;
	s1 =	sshll.u32 s1, $0x11  }
0xc2: {  	s0 =	sor.u32 s1, s0  }
0xc3: {  	s0 =	sadd.s32 $0x8F2B, s0  }
0xc4: {  	[sflag:s0] =	ssyncadd.remote.s32 $0x1  }
0xc5: {  	_ =	sfence.sel $0xFFFF  }
0xc6: {  	[dreg:$0x0] =	wrdreg $0xFFFFFFFF;
	(pc) =	sbr.abs _section_cstart, $3  }
0xc7: {  	[dreg:$0x1] =	wrdreg $0xFFFFFFFF  }
0xc8: {  	_ =	task.clear_ibuf [dreg:s7], $0x2FFFF;
	_ =	strace $0x9FFFFFFF  }
0xc9: {  	(tm) =	ssettm $0x7FFFFFFF  }
tec
execute0_lowered:
.L_overlay_start_1:
0x0: {  	(tag) =	ssettag $0x1  }
0x1: {  	s0 =	rddreg [dreg:$0x0]  }
0x2: {  	s1 =	rddreg [dreg:$0x1];
	s3 =	srdreg.scid  }
0x3: {  	s2 =	rddreg [dreg:$0x2];
	s12 =	stileid.u32;
	s23 =	simm.s32 $0x480  }
0x4: {  	s24 =	simm.s32 $0x100;
	s28 =	simm.s32 $0x200;
	s29 =	simm.s32 $0xA00  }
0x5: {  	s30 =	simm.s32 $0x600;
	s31 =	simm.s32 $0x280;
	s8 =	smul.u32 $0x278, s12  }
0x6: {  	s6 =	sand.u32 $0x1, s3;
	s3 =	simm.s32 $0x0;
	s10 =	smul.u32 $0x4F000, s12  }
0x7: {  	s4 =	sadd.s32 $0x2A00, s0;
	s5 =	sadd.s32 $0x50C00, s0;
	s13 =	smul.u32 $0x500, s12  }
0x8: {  	s12 =	simm.s32 $0xB00;
	s7 =	smul.u32 $0x5000, s6;
	[smem:$0x7FF] =	sst s3  }
0x9: {  	s9 =	smul.u32 $0x2780, s6;
	s25 =	ssub.s32 $0x2, s6;
	_ =	strace $0x80000047  }
0xa: {  	s26 =	sshrl.u32 s10, $0x2;
	s10 =	sshrl.u32 s25, $0x1;
	[dreg:$0x7] =	wrdreg s23  }
0xb: {  	[dreg:$0x8] =	wrdreg s24;
	s23 =	simm.s32 $0x880;
	s11 =	sadd.s32 s7, s0  }
0xc: {  	s8 =	sadd.s32 s8, s9;
	s6 =	sadd.s32 s26, s2;
	s1 =	sadd.s32 s7, s1  }
0xd: {  	s26 =	simm.s32 $0x180;
	s8 =	sshll.u32 s8, $0x4;
	[dreg:$0xb] =	wrdreg s6  }
0xe: {  	s14 =	sadd.s32 $0x8000, s6;
	s15 =	sadd.s32 $0xC000, s6;
	[dreg:$0xa] =	wrdreg s26  }
0xf: {  	s11 =	sadd.s32 s13, s11;
	s21 =	sadd.s32 s13, s1;
	[dreg:$0xc] =	wrdreg s14  }
0x10: {  	s0 =	sadd.s32 s8, s0;
	s8 =	ssub.s32 s25, s10;
	[dreg:$0xd] =	wrdreg s15  }
0x11: {  	s10 =	sadd.s32 $0x4000, s6;
	s6 =	sadd.s32 $0x10000, s6;
	[dreg:$0x6] =	wrdreg s21  }
0x12: {  	s24 =	simm.s32 $0x900;
	s20 =	sadd.s32 $0x54C00, s11;
	[dreg:$0xe] =	wrdreg s6  }
0x13: {  	s7 =	simm.s32 $0x0;
	s11 =	sadd.s32 $0x5EC00, s11;
	[dreg:$0x4] =	wrdreg s20  }
0x14: {  	s26 =	simm.s32 $0x580;
	s25 =	simm.s32 $0x500;
	[dreg:$0x5] =	wrdreg s11  }
0x15: {  	s1 =	simm.s32 $0x680;
	s16 =	sadd.s32 $0x68C00, s0;
	[dreg:$0x9] =	wrdreg s25  }
0x16: {  	s13 =	simm.s32 $0x700;
	s17 =	sadd.s32 $0x69400, s0;
	[dreg:$0xf] =	wrdreg s16  }
0x17: {  	s21 =	simm.s32 $0x80;
	s18 =	sadd.s32 $0x69C00, s0;
	[dreg:$0x10] =	wrdreg s17  }
0x18: {  	s14 =	simm.s32 $0x380;
	s19 =	sadd.s32 $0x6A400, s0;
	[dreg:$0x11] =	wrdreg s18  }
0x19: {  	s15 =	simm.s32 $0xB80;
	s0 =	sadd.s32 $0x6AC00, s0;
	[dreg:$0x12] =	wrdreg s19  }
0x1a: {  	s22 =	smax.u32 s8, $0x1;
	s20 =	simm.s32 $0x800;
	[dreg:$0x13] =	wrdreg s0  }
0x1b: {  	s25 =	simm.s32 $0x980;
	s11 =	simm.s32 $0x300;
	[dreg:$0x14] =	wrdreg s22  }
0x1c: {  	s17 =	simm.s32 $0xC00;
	s18 =	simm.s32 $0x2;
	s19 =	simm.s32 $0x400  }
0x1d: {  	v0 =	vimm.f32 $0.0e+00;
	s22 =	simm.s32 $0x1;
	s0 =	simm.s32 $0xA80;
	s16 =	simm.s32 $0x780  }
.LBB2_1:
0x1e: {  	s8 =	simm.s32 $0x0;
	s9 =	simm.s32 $0x200  }
.LBB2_2:
0x1f: {  	p0 =	sne.s32 s9, $0xFE00;
	[tilespmem:s8+$0xC70] =	vst v0  }
0x20: {  	[tilespmem:s8+$0xC00] =	vst v0  }
0x21: {  	[tilespmem:s8+$0xC10] =	vst v0  }
.Ltmp0:
0x22: {  	[tilespmem:s8+$0xC20] =	vst v0;
	(pc) =	sbr.rel @p0 .LBB2_2-.Ltmp0, $4  }
0x23: {  	[tilespmem:s8+$0xC30] =	vst v0  }
0x24: {  	[tilespmem:s8+$0xC40] =	vst v0  }
0x25: {  	[tilespmem:s8+$0xC50] =	vst v0  }
0x26: {  	[tilespmem:s8+$0xC60] =	vst v0;
	s8 =	sshra.s32 s9, $0x2;
	s9 =	sadd.s32 $0x200, s9  }
0x27: {  	[tilespmem:s8+$0xC70] =	vst v0  }
0x28: {  	[tilespmem:s8+$0xC00] =	vst v0  }
0x29: {  	[tilespmem:s8+$0xC10] =	vst v0  }
0x2a: {  	[tilespmem:s8+$0xC20] =	vst v0  }
0x2b: {  	[tilespmem:s8+$0xC30] =	vst v0  }
0x2c: {  	[tilespmem:s8+$0xC40] =	vst v0  }
0x2d: {  	[tilespmem:s8+$0xC50] =	vst v0  }
0x2e: {  	[tilespmem:s8+$0xC60] =	vst v0;
	s6 =	rddreg [dreg:$0xb]  }
0x2f: {  	[spmem:s6] =	stream.linear.scatter [tilespmem:s17], [sflag:$0x2], $0x4000, $0x38;
	[tilespmem:$0x18800] =	vst v63  }
0x30: {  	_ =	swait.ge [sflag:s18], $0x4000  }
0x31: {  	[sflag:s18] =	ssyncset.done $0x0  }
0x32: {  	[sflag:s18] =	ssyncadd.s32 $0xFFFFC000  }
0x33: {  	[spmem:s10] =	stream.linear.scatter [tilespmem:s17], [sflag:$0x2], $0x4000, $0x38;
	[tilespmem:$0x18800] =	vst v63  }
0x34: {  	_ =	swait.ge [sflag:s18], $0x4000  }
0x35: {  	[sflag:s18] =	ssyncset.done $0x0  }
0x36: {  	s9 =	rddreg [dreg:$0xc];
	[sflag:s18] =	ssyncadd.s32 $0xFFFFC000  }
0x37: {  	[spmem:s9] =	stream.linear.scatter [tilespmem:s17], [sflag:$0x2], $0x4000, $0x38;
	[tilespmem:$0x18800] =	vst v63  }
0x38: {  	_ =	swait.ge [sflag:s18], $0x4000  }
0x39: {  	[sflag:s18] =	ssyncset.done $0x0  }
0x3a: {  	s6 =	smov.u32 s10;
	s10 =	rddreg [dreg:$0xd];
	[sflag:s18] =	ssyncadd.s32 $0xFFFFC000  }
0x3b: {  	[spmem:s10] =	stream.linear.scatter [tilespmem:s17], [sflag:$0x2], $0x4000, $0x38;
	[tilespmem:$0x18800] =	vst v63  }
0x3c: {  	_ =	swait.ge [sflag:s18], $0x4000  }
0x3d: {  	[sflag:s18] =	ssyncset.done $0x0  }
0x3e: {  	s9 =	rddreg [dreg:$0xe];
	[sflag:s18] =	ssyncadd.s32 $0xFFFFC000  }
0x3f: {  	[spmem:s9] =	stream.linear.scatter [tilespmem:s17], [sflag:$0x2], $0x3C00, $0x38;
	[tilespmem:$0x18800] =	vst v63  }
0x40: {  	_ =	swait.ge [sflag:s18], $0x3C00  }
0x41: {  	[sflag:s18] =	ssyncset.done $0x0  }
0x42: {  	[sflag:s18] =	ssyncadd.s32 $0xFFFFC400  }
0x43: {  	[bflag:$0x0] =	sbarrier.arrive $0xFFFF  }
0x44: {  	s10 =	rddreg [dreg:$0x6]  }
0x45: {  	s8 =	sadd.s32 $0x0, s10  }
0x46: {  	[tilespmem:s3], [sflag:$0x2] =	stream.linear.gather [hbm4b:s8+s3], $0x400, $0x38;
	[tilespmem:$0x18800] =	vst v63  }
0x47: {  	_ =	swait.ge [sflag:s18], $0x400  }
0x48: {  	s9 =	rddreg [dreg:$0x5];
	[sflag:s18] =	ssyncset.done $0x0  }
0x49: {  	[sflag:s18] =	ssyncadd.s32 $0xFFFFFC00;
	s8 =	sadd.s32 $0x0, s9  }
0x4a: {  	[tilespmem:s19], [sflag:$0x2] =	stream.linear.gather [hbm4b:s8+s3], $0x400, $0x38;
	[tilespmem:$0x18800] =	vst v63  }
0x4b: {  	_ =	swait.ge [sflag:s18], $0x400  }
0x4c: {  	s10 =	rddreg [dreg:$0x4];
	[sflag:s18] =	ssyncset.done $0x0  }
0x4d: {  	[sflag:s18] =	ssyncadd.s32 $0xFFFFFC00;
	s8 =	sadd.s32 $0x0, s10  }
0x4e: {  	[tilespmem:s20], [sflag:$0x2] =	stream.linear.gather [hbm4b:s8+s3], $0x400, $0x38;
	[tilespmem:$0x18800] =	vst v63  }
0x4f: {  	_ =	swait.ge [sflag:s18], $0x400  }
0x50: {  	[sflag:s18] =	ssyncset.done $0x0  }
0x51: {  	[sflag:s18] =	ssyncadd.s32 $0xFFFFFC00  }
0x52: {  	[tilespmem:s17], [sflag:$0x1] =	stream.indirect.gather [hbm4b:s4+s21], $0x80, s3, s21, $0xb8;
	[tilespmem:$0x18800] =	vst v63  }
0x53: {  	_ =	swait.ge [sflag:s22], $0x4000  }
0x54: {  	[sflag:s22] =	ssyncset.done $0x0  }
0x55: {  	[sflag:s22] =	ssyncadd.s32 $0xFFFFC000  }
0x56: {  	[spmem:s2] =	stream.indirect.scatter.add.f32 [tilespmem:s17], [sflag:$0x2], $0x80, s20, s21, $0xb8;
	[tilespmem:$0x18800] =	vst v63  }
0x57: {  	_ =	swait.ge [sflag:s18], $0x4000  }
0x58: {  	[sflag:s18] =	ssyncset.done $0x0  }
0x59: {  	[sflag:s18] =	ssyncadd.s32 $0xFFFFC000  }
0x5a: {  	[tilespmem:s17], [sflag:$0x1] =	stream.indirect.gather [hbm4b:s5+s21], $0x80, s19, s21, $0xb8;
	[tilespmem:$0x18800] =	vst v63  }
0x5b: {  	_ =	swait.ge [sflag:s22], $0x4000  }
0x5c: {  	[sflag:s22] =	ssyncset.done $0x0  }
0x5d: {  	[sflag:s22] =	ssyncadd.s32 $0xFFFFC000  }
0x5e: {  	[spmem:s2] =	stream.indirect.scatter.add.f32 [tilespmem:s17], [sflag:$0x2], $0x80, s20, s21, $0xb8;
	[tilespmem:$0x18800] =	vst v63  }
0x5f: {  	_ =	swait.ge [sflag:s18], $0x4000  }
0x60: {  	[sflag:s18] =	ssyncset.done $0x0  }
0x61: {  	[sflag:s18] =	ssyncadd.s32 $0xFFFFC000  }
0x62: {  	[tilespmem:s17], [sflag:$0x1] =	stream.indirect.gather [hbm4b:s4+s21], $0x80, s21, s21, $0xb8;
	[tilespmem:$0x18800] =	vst v63  }
0x63: {  	_ =	swait.ge [sflag:s22], $0x4000  }
0x64: {  	[sflag:s22] =	ssyncset.done $0x0  }
0x65: {  	[sflag:s22] =	ssyncadd.s32 $0xFFFFC000  }
0x66: {  	[spmem:s2] =	stream.indirect.scatter.add.f32 [tilespmem:s17], [sflag:$0x2], $0x80, s23, s21, $0xb8;
	[tilespmem:$0x18800] =	vst v63  }
0x67: {  	_ =	swait.ge [sflag:s18], $0x4000  }
0x68: {  	[sflag:s18] =	ssyncset.done $0x0  }
0x69: {  	s9 =	rddreg [dreg:$0x7];
	[sflag:s18] =	ssyncadd.s32 $0xFFFFC000  }
0x6a: {  	[tilespmem:s17], [sflag:$0x1] =	stream.indirect.gather [hbm4b:s5+s21], $0x80, s9, s21, $0xb8;
	[tilespmem:$0x18800] =	vst v63  }
0x6b: {  	_ =	swait.ge [sflag:s22], $0x4000  }
0x6c: {  	[sflag:s22] =	ssyncset.done $0x0  }
0x6d: {  	[sflag:s22] =	ssyncadd.s32 $0xFFFFC000  }
0x6e: {  	[spmem:s2] =	stream.indirect.scatter.add.f32 [tilespmem:s17], [sflag:$0x2], $0x80, s23, s21, $0xb8;
	[tilespmem:$0x18800] =	vst v63  }
0x6f: {  	_ =	swait.ge [sflag:s18], $0x4000  }
0x70: {  	[sflag:s18] =	ssyncset.done $0x0  }
0x71: {  	s10 =	rddreg [dreg:$0x8];
	[sflag:s18] =	ssyncadd.s32 $0xFFFFC000  }
0x72: {  	[tilespmem:s17], [sflag:$0x1] =	stream.indirect.gather [hbm4b:s4+s21], $0x80, s10, s21, $0xb8;
	[tilespmem:$0x18800] =	vst v63  }
0x73: {  	_ =	swait.ge [sflag:s22], $0x4000  }
0x74: {  	[sflag:s22] =	ssyncset.done $0x0  }
0x75: {  	[sflag:s22] =	ssyncadd.s32 $0xFFFFC000  }
0x76: {  	[spmem:s2] =	stream.indirect.scatter.add.f32 [tilespmem:s17], [sflag:$0x2], $0x80, s24, s21, $0xb8;
	[tilespmem:$0x18800] =	vst v63  }
0x77: {  	_ =	swait.ge [sflag:s18], $0x4000  }
0x78: {  	[sflag:s18] =	ssyncset.done $0x0  }
0x79: {  	s9 =	rddreg [dreg:$0x9];
	[sflag:s18] =	ssyncadd.s32 $0xFFFFC000  }
0x7a: {  	[tilespmem:s17], [sflag:$0x1] =	stream.indirect.gather [hbm4b:s5+s21], $0x80, s9, s21, $0xb8;
	[tilespmem:$0x18800] =	vst v63  }
0x7b: {  	_ =	swait.ge [sflag:s22], $0x4000  }
0x7c: {  	[sflag:s22] =	ssyncset.done $0x0  }
0x7d: {  	[sflag:s22] =	ssyncadd.s32 $0xFFFFC000  }
0x7e: {  	[spmem:s2] =	stream.indirect.scatter.add.f32 [tilespmem:s17], [sflag:$0x2], $0x80, s24, s21, $0xb8;
	[tilespmem:$0x18800] =	vst v63  }
0x7f: {  	_ =	swait.ge [sflag:s18], $0x4000  }
0x80: {  	[sflag:s18] =	ssyncset.done $0x0  }
0x81: {  	s10 =	rddreg [dreg:$0xa];
	[sflag:s18] =	ssyncadd.s32 $0xFFFFC000  }
0x82: {  	[tilespmem:s17], [sflag:$0x1] =	stream.indirect.gather [hbm4b:s4+s21], $0x80, s10, s21, $0xb8;
	[tilespmem:$0x18800] =	vst v63  }
0x83: {  	_ =	swait.ge [sflag:s22], $0x4000  }
0x84: {  	[sflag:s22] =	ssyncset.done $0x0  }
0x85: {  	[sflag:s22] =	ssyncadd.s32 $0xFFFFC000  }
0x86: {  	[spmem:s2] =	stream.indirect.scatter.add.f32 [tilespmem:s17], [sflag:$0x2], $0x80, s25, s21, $0xb8;
	[tilespmem:$0x18800] =	vst v63  }
0x87: {  	_ =	swait.ge [sflag:s18], $0x4000  }
0x88: {  	[sflag:s18] =	ssyncset.done $0x0  }
0x89: {  	[sflag:s18] =	ssyncadd.s32 $0xFFFFC000  }
0x8a: {  	[tilespmem:s17], [sflag:$0x1] =	stream.indirect.gather [hbm4b:s5+s21], $0x80, s26, s21, $0xb8;
	[tilespmem:$0x18800] =	vst v63  }
0x8b: {  	_ =	swait.ge [sflag:s22], $0x4000  }
0x8c: {  	[sflag:s22] =	ssyncset.done $0x0  }
0x8d: {  	[sflag:s22] =	ssyncadd.s32 $0xFFFFC000  }
0x8e: {  	[spmem:s2] =	stream.indirect.scatter.add.f32 [tilespmem:s17], [sflag:$0x2], $0x80, s25, s21, $0xb8;
	[tilespmem:$0x18800] =	vst v63  }
0x8f: {  	_ =	swait.ge [sflag:s18], $0x4000  }
0x90: {  	[sflag:s18] =	ssyncset.done $0x0  }
0x91: {  	[sflag:s18] =	ssyncadd.s32 $0xFFFFC000  }
0x92: {  	[tilespmem:s17], [sflag:$0x1] =	stream.indirect.gather [hbm4b:s4+s21], $0x80, s28, s21, $0xb8;
	[tilespmem:$0x18800] =	vst v63  }
0x93: {  	_ =	swait.ge [sflag:s22], $0x4000  }
0x94: {  	[sflag:s22] =	ssyncset.done $0x0  }
0x95: {  	[sflag:s22] =	ssyncadd.s32 $0xFFFFC000  }
0x96: {  	[spmem:s2] =	stream.indirect.scatter.add.f32 [tilespmem:s17], [sflag:$0x2], $0x80, s29, s21, $0xb8;
	[tilespmem:$0x18800] =	vst v63  }
0x97: {  	_ =	swait.ge [sflag:s18], $0x4000  }
0x98: {  	[sflag:s18] =	ssyncset.done $0x0  }
0x99: {  	[sflag:s18] =	ssyncadd.s32 $0xFFFFC000  }
0x9a: {  	[tilespmem:s17], [sflag:$0x1] =	stream.indirect.gather [hbm4b:s5+s21], $0x80, s30, s21, $0xb8;
	[tilespmem:$0x18800] =	vst v63  }
0x9b: {  	_ =	swait.ge [sflag:s22], $0x4000  }
0x9c: {  	[sflag:s22] =	ssyncset.done $0x0  }
0x9d: {  	[sflag:s22] =	ssyncadd.s32 $0xFFFFC000  }
0x9e: {  	[spmem:s2] =	stream.indirect.scatter.add.f32 [tilespmem:s17], [sflag:$0x2], $0x80, s29, s21, $0xb8;
	[tilespmem:$0x18800] =	vst v63  }
0x9f: {  	_ =	swait.ge [sflag:s18], $0x4000  }
0xa0: {  	[sflag:s18] =	ssyncset.done $0x0  }
0xa1: {  	[sflag:s18] =	ssyncadd.s32 $0xFFFFC000  }
0xa2: {  	[tilespmem:s17], [sflag:$0x1] =	stream.indirect.gather [hbm4b:s4+s21], $0x80, s31, s21, $0xb8;
	[tilespmem:$0x18800] =	vst v63  }
0xa3: {  	_ =	swait.ge [sflag:s22], $0x4000  }
0xa4: {  	[sflag:s22] =	ssyncset.done $0x0  }
0xa5: {  	[sflag:s22] =	ssyncadd.s32 $0xFFFFC000  }
0xa6: {  	[spmem:s2] =	stream.indirect.scatter.add.f32 [tilespmem:s17], [sflag:$0x2], $0x80, s0, s21, $0xb8;
	[tilespmem:$0x18800] =	vst v63  }
0xa7: {  	_ =	swait.ge [sflag:s18], $0x4000  }
0xa8: {  	[sflag:s18] =	ssyncset.done $0x0  }
0xa9: {  	[sflag:s18] =	ssyncadd.s32 $0xFFFFC000  }
0xaa: {  	[tilespmem:s17], [sflag:$0x1] =	stream.indirect.gather [hbm4b:s5+s21], $0x80, s1, s21, $0xb8;
	[tilespmem:$0x18800] =	vst v63  }
0xab: {  	_ =	swait.ge [sflag:s22], $0x4000  }
0xac: {  	[sflag:s22] =	ssyncset.done $0x0  }
0xad: {  	[sflag:s22] =	ssyncadd.s32 $0xFFFFC000  }
0xae: {  	[spmem:s2] =	stream.indirect.scatter.add.f32 [tilespmem:s17], [sflag:$0x2], $0x80, s0, s21, $0xb8;
	[tilespmem:$0x18800] =	vst v63  }
0xaf: {  	_ =	swait.ge [sflag:s18], $0x4000  }
0xb0: {  	[sflag:s18] =	ssyncset.done $0x0  }
0xb1: {  	[sflag:s18] =	ssyncadd.s32 $0xFFFFC000  }
0xb2: {  	[tilespmem:s17], [sflag:$0x1] =	stream.indirect.gather [hbm4b:s4+s21], $0x80, s11, s21, $0xb8;
	[tilespmem:$0x18800] =	vst v63  }
0xb3: {  	_ =	swait.ge [sflag:s22], $0x4000  }
0xb4: {  	[sflag:s22] =	ssyncset.done $0x0  }
0xb5: {  	[sflag:s22] =	ssyncadd.s32 $0xFFFFC000  }
0xb6: {  	[spmem:s2] =	stream.indirect.scatter.add.f32 [tilespmem:s17], [sflag:$0x2], $0x80, s12, s21, $0xb8;
	[tilespmem:$0x18800] =	vst v63  }
0xb7: {  	_ =	swait.ge [sflag:s18], $0x4000  }
0xb8: {  	[sflag:s18] =	ssyncset.done $0x0  }
0xb9: {  	[sflag:s18] =	ssyncadd.s32 $0xFFFFC000  }
0xba: {  	[tilespmem:s17], [sflag:$0x1] =	stream.indirect.gather [hbm4b:s5+s21], $0x80, s13, s21, $0xb8;
	[tilespmem:$0x18800] =	vst v63  }
0xbb: {  	_ =	swait.ge [sflag:s22], $0x4000  }
0xbc: {  	[sflag:s22] =	ssyncset.done $0x0  }
0xbd: {  	[sflag:s22] =	ssyncadd.s32 $0xFFFFC000  }
0xbe: {  	[spmem:s2] =	stream.indirect.scatter.add.f32 [tilespmem:s17], [sflag:$0x2], $0x80, s12, s21, $0xb8;
	[tilespmem:$0x18800] =	vst v63  }
0xbf: {  	_ =	swait.ge [sflag:s18], $0x4000  }
0xc0: {  	[sflag:s18] =	ssyncset.done $0x0  }
0xc1: {  	[sflag:s18] =	ssyncadd.s32 $0xFFFFC000  }
0xc2: {  	[tilespmem:s17], [sflag:$0x1] =	stream.indirect.gather [hbm4b:s4+s21], $0x80, s14, s21, $0xb8;
	[tilespmem:$0x18800] =	vst v63  }
0xc3: {  	_ =	swait.ge [sflag:s22], $0x4000  }
0xc4: {  	[sflag:s22] =	ssyncset.done $0x0  }
0xc5: {  	[sflag:s22] =	ssyncadd.s32 $0xFFFFC000  }
0xc6: {  	[spmem:s2] =	stream.indirect.scatter.add.f32 [tilespmem:s17], [sflag:$0x2], $0x80, s15, s21, $0xb8;
	[tilespmem:$0x18800] =	vst v63  }
0xc7: {  	_ =	swait.ge [sflag:s18], $0x4000  }
0xc8: {  	[sflag:s18] =	ssyncset.done $0x0  }
0xc9: {  	[sflag:s18] =	ssyncadd.s32 $0xFFFFC000  }
0xca: {  	[tilespmem:s17], [sflag:$0x1] =	stream.indirect.gather [hbm4b:s5+s21], $0x80, s16, s21, $0xb8;
	[tilespmem:$0x18800] =	vst v63  }
0xcb: {  	_ =	swait.ge [sflag:s22], $0x4000  }
0xcc: {  	[sflag:s22] =	ssyncset.done $0x0  }
0xcd: {  	[sflag:s22] =	ssyncadd.s32 $0xFFFFC000  }
0xce: {  	[spmem:s2] =	stream.indirect.scatter.add.f32 [tilespmem:s17], [sflag:$0x2], $0x80, s15, s21, $0xb8;
	[tilespmem:$0x18800] =	vst v63  }
0xcf: {  	s8 =	simm.s32 $0x80;
	_ =	swait.ge [sflag:s18], $0x4000  }
.LBB2_4:
0xd0: {  	s9 =	rddreg [dreg:$0x6];
	s10 =	smov.u32 s8;
	[sflag:s18] =	ssyncset.done $0x0  }
0xd1: {  	s9 =	sadd.s32 s10, s9;
	[sflag:s18] =	ssyncadd.s32 $0xFFFFC000  }
0xd2: {  	[tilespmem:s3], [sflag:$0x2] =	stream.linear.gather [hbm4b:s9+s3], $0x400, $0x38;
	[tilespmem:$0x18800] =	vst v63  }
0xd3: {  	_ =	swait.ge [sflag:s18], $0x400  }
0xd4: {  	s9 =	rddreg [dreg:$0x5];
	[sflag:s18] =	ssyncset.done $0x0  }
0xd5: {  	[sflag:s18] =	ssyncadd.s32 $0xFFFFFC00;
	s9 =	sadd.s32 s10, s9  }
0xd6: {  	[tilespmem:s19], [sflag:$0x2] =	stream.linear.gather [hbm4b:s9+s3], $0x400, $0x38;
	[tilespmem:$0x18800] =	vst v63  }
0xd7: {  	_ =	swait.ge [sflag:s18], $0x400  }
0xd8: {  	s9 =	rddreg [dreg:$0x4];
	[sflag:s18] =	ssyncset.done $0x0  }
0xd9: {  	[sflag:s18] =	ssyncadd.s32 $0xFFFFFC00;
	s9 =	sadd.s32 s10, s9  }
0xda: {  	[tilespmem:s20], [sflag:$0x2] =	stream.linear.gather [hbm4b:s9+s3], $0x400, $0x38;
	[tilespmem:$0x18800] =	vst v63  }
0xdb: {  	_ =	swait.ge [sflag:s18], $0x400  }
0xdc: {  	[sflag:s18] =	ssyncset.done $0x0  }
0xdd: {  	[sflag:s18] =	ssyncadd.s32 $0xFFFFFC00  }
0xde: {  	[tilespmem:s17], [sflag:$0x1] =	stream.indirect.gather [hbm4b:s4+s21], $0x80, s3, s21, $0xb8;
	[tilespmem:$0x18800] =	vst v63  }
0xdf: {  	_ =	swait.ge [sflag:s22], $0x4000  }
0xe0: {  	[sflag:s22] =	ssyncset.done $0x0  }
0xe1: {  	[sflag:s22] =	ssyncadd.s32 $0xFFFFC000  }
0xe2: {  	[spmem:s2] =	stream.indirect.scatter.add.f32 [tilespmem:s17], [sflag:$0x2], $0x80, s20, s21, $0xb8;
	[tilespmem:$0x18800] =	vst v63  }
0xe3: {  	_ =	swait.ge [sflag:s18], $0x4000  }
0xe4: {  	[sflag:s18] =	ssyncset.done $0x0  }
0xe5: {  	[sflag:s18] =	ssyncadd.s32 $0xFFFFC000  }
0xe6: {  	[tilespmem:s17], [sflag:$0x1] =	stream.indirect.gather [hbm4b:s5+s21], $0x80, s19, s21, $0xb8;
	[tilespmem:$0x18800] =	vst v63  }
0xe7: {  	_ =	swait.ge [sflag:s22], $0x4000  }
0xe8: {  	[sflag:s22] =	ssyncset.done $0x0  }
0xe9: {  	[sflag:s22] =	ssyncadd.s32 $0xFFFFC000  }
0xea: {  	[spmem:s2] =	stream.indirect.scatter.add.f32 [tilespmem:s17], [sflag:$0x2], $0x80, s20, s21, $0xb8;
	[tilespmem:$0x18800] =	vst v63  }
0xeb: {  	_ =	swait.ge [sflag:s18], $0x4000  }
0xec: {  	[sflag:s18] =	ssyncset.done $0x0  }
0xed: {  	[sflag:s18] =	ssyncadd.s32 $0xFFFFC000  }
0xee: {  	[tilespmem:s17], [sflag:$0x1] =	stream.indirect.gather [hbm4b:s4+s21], $0x80, s21, s21, $0xb8;
	[tilespmem:$0x18800] =	vst v63  }
0xef: {  	_ =	swait.ge [sflag:s22], $0x4000  }
0xf0: {  	[sflag:s22] =	ssyncset.done $0x0  }
0xf1: {  	[sflag:s22] =	ssyncadd.s32 $0xFFFFC000  }
0xf2: {  	[spmem:s2] =	stream.indirect.scatter.add.f32 [tilespmem:s17], [sflag:$0x2], $0x80, s23, s21, $0xb8;
	[tilespmem:$0x18800] =	vst v63  }
0xf3: {  	_ =	swait.ge [sflag:s18], $0x4000  }
0xf4: {  	[sflag:s18] =	ssyncset.done $0x0  }
0xf5: {  	s10 =	rddreg [dreg:$0x7];
	[sflag:s18] =	ssyncadd.s32 $0xFFFFC000  }
0xf6: {  	[tilespmem:s17], [sflag:$0x1] =	stream.indirect.gather [hbm4b:s5+s21], $0x80, s10, s21, $0xb8;
	[tilespmem:$0x18800] =	vst v63  }
0xf7: {  	_ =	swait.ge [sflag:s22], $0x4000  }
0xf8: {  	[sflag:s22] =	ssyncset.done $0x0  }
0xf9: {  	[sflag:s22] =	ssyncadd.s32 $0xFFFFC000  }
0xfa: {  	[spmem:s2] =	stream.indirect.scatter.add.f32 [tilespmem:s17], [sflag:$0x2], $0x80, s23, s21, $0xb8;
	[tilespmem:$0x18800] =	vst v63  }
0xfb: {  	_ =	swait.ge [sflag:s18], $0x4000  }
0xfc: {  	[sflag:s18] =	ssyncset.done $0x0  }
0xfd: {  	s10 =	rddreg [dreg:$0x8];
	[sflag:s18] =	ssyncadd.s32 $0xFFFFC000  }
0xfe: {  	[tilespmem:s17], [sflag:$0x1] =	stream.indirect.gather [hbm4b:s4+s21], $0x80, s10, s21, $0xb8;
	[tilespmem:$0x18800] =	vst v63  }
0xff: {  	_ =	swait.ge [sflag:s22], $0x4000  }
0x100: {  	[sflag:s22] =	ssyncset.done $0x0  }
0x101: {  	[sflag:s22] =	ssyncadd.s32 $0xFFFFC000  }
0x102: {  	[spmem:s2] =	stream.indirect.scatter.add.f32 [tilespmem:s17], [sflag:$0x2], $0x80, s24, s21, $0xb8;
	[tilespmem:$0x18800] =	vst v63  }
0x103: {  	_ =	swait.ge [sflag:s18], $0x4000  }
0x104: {  	[sflag:s18] =	ssyncset.done $0x0  }
0x105: {  	s10 =	rddreg [dreg:$0x9];
	[sflag:s18] =	ssyncadd.s32 $0xFFFFC000  }
0x106: {  	[tilespmem:s17], [sflag:$0x1] =	stream.indirect.gather [hbm4b:s5+s21], $0x80, s10, s21, $0xb8;
	[tilespmem:$0x18800] =	vst v63  }
0x107: {  	_ =	swait.ge [sflag:s22], $0x4000  }
0x108: {  	[sflag:s22] =	ssyncset.done $0x0  }
0x109: {  	[sflag:s22] =	ssyncadd.s32 $0xFFFFC000  }
0x10a: {  	[spmem:s2] =	stream.indirect.scatter.add.f32 [tilespmem:s17], [sflag:$0x2], $0x80, s24, s21, $0xb8;
	[tilespmem:$0x18800] =	vst v63  }
0x10b: {  	_ =	swait.ge [sflag:s18], $0x4000  }
0x10c: {  	[sflag:s18] =	ssyncset.done $0x0  }
0x10d: {  	s10 =	rddreg [dreg:$0xa];
	[sflag:s18] =	ssyncadd.s32 $0xFFFFC000  }
0x10e: {  	[tilespmem:s17], [sflag:$0x1] =	stream.indirect.gather [hbm4b:s4+s21], $0x80, s10, s21, $0xb8;
	[tilespmem:$0x18800] =	vst v63  }
0x10f: {  	_ =	swait.ge [sflag:s22], $0x4000  }
0x110: {  	[sflag:s22] =	ssyncset.done $0x0  }
0x111: {  	[sflag:s22] =	ssyncadd.s32 $0xFFFFC000  }
0x112: {  	[spmem:s2] =	stream.indirect.scatter.add.f32 [tilespmem:s17], [sflag:$0x2], $0x80, s25, s21, $0xb8;
	[tilespmem:$0x18800] =	vst v63  }
0x113: {  	_ =	swait.ge [sflag:s18], $0x4000  }
0x114: {  	[sflag:s18] =	ssyncset.done $0x0  }
0x115: {  	[sflag:s18] =	ssyncadd.s32 $0xFFFFC000  }
0x116: {  	[tilespmem:s17], [sflag:$0x1] =	stream.indirect.gather [hbm4b:s5+s21], $0x80, s26, s21, $0xb8;
	[tilespmem:$0x18800] =	vst v63  }
0x117: {  	_ =	swait.ge [sflag:s22], $0x4000  }
0x118: {  	[sflag:s22] =	ssyncset.done $0x0  }
0x119: {  	[sflag:s22] =	ssyncadd.s32 $0xFFFFC000  }
0x11a: {  	[spmem:s2] =	stream.indirect.scatter.add.f32 [tilespmem:s17], [sflag:$0x2], $0x80, s25, s21, $0xb8;
	[tilespmem:$0x18800] =	vst v63  }
0x11b: {  	_ =	swait.ge [sflag:s18], $0x4000  }
0x11c: {  	[sflag:s18] =	ssyncset.done $0x0  }
0x11d: {  	[sflag:s18] =	ssyncadd.s32 $0xFFFFC000  }
0x11e: {  	[tilespmem:s17], [sflag:$0x1] =	stream.indirect.gather [hbm4b:s4+s21], $0x80, s28, s21, $0xb8;
	[tilespmem:$0x18800] =	vst v63  }
0x11f: {  	_ =	swait.ge [sflag:s22], $0x4000  }
0x120: {  	[sflag:s22] =	ssyncset.done $0x0  }
0x121: {  	[sflag:s22] =	ssyncadd.s32 $0xFFFFC000  }
0x122: {  	[spmem:s2] =	stream.indirect.scatter.add.f32 [tilespmem:s17], [sflag:$0x2], $0x80, s29, s21, $0xb8;
	[tilespmem:$0x18800] =	vst v63  }
0x123: {  	_ =	swait.ge [sflag:s18], $0x4000  }
0x124: {  	[sflag:s18] =	ssyncset.done $0x0  }
0x125: {  	[sflag:s18] =	ssyncadd.s32 $0xFFFFC000  }
0x126: {  	[tilespmem:s17], [sflag:$0x1] =	stream.indirect.gather [hbm4b:s5+s21], $0x80, s30, s21, $0xb8;
	[tilespmem:$0x18800] =	vst v63  }
0x127: {  	_ =	swait.ge [sflag:s22], $0x4000  }
0x128: {  	[sflag:s22] =	ssyncset.done $0x0  }
0x129: {  	[sflag:s22] =	ssyncadd.s32 $0xFFFFC000  }
0x12a: {  	[spmem:s2] =	stream.indirect.scatter.add.f32 [tilespmem:s17], [sflag:$0x2], $0x80, s29, s21, $0xb8;
	[tilespmem:$0x18800] =	vst v63  }
0x12b: {  	_ =	swait.ge [sflag:s18], $0x4000  }
0x12c: {  	[sflag:s18] =	ssyncset.done $0x0  }
0x12d: {  	[sflag:s18] =	ssyncadd.s32 $0xFFFFC000  }
0x12e: {  	[tilespmem:s17], [sflag:$0x1] =	stream.indirect.gather [hbm4b:s4+s21], $0x80, s31, s21, $0xb8;
	[tilespmem:$0x18800] =	vst v63  }
0x12f: {  	_ =	swait.ge [sflag:s22], $0x4000  }
0x130: {  	[sflag:s22] =	ssyncset.done $0x0  }
0x131: {  	[sflag:s22] =	ssyncadd.s32 $0xFFFFC000  }
0x132: {  	[spmem:s2] =	stream.indirect.scatter.add.f32 [tilespmem:s17], [sflag:$0x2], $0x80, s0, s21, $0xb8;
	[tilespmem:$0x18800] =	vst v63  }
0x133: {  	_ =	swait.ge [sflag:s18], $0x4000  }
0x134: {  	[sflag:s18] =	ssyncset.done $0x0  }
0x135: {  	[sflag:s18] =	ssyncadd.s32 $0xFFFFC000  }
0x136: {  	[tilespmem:s17], [sflag:$0x1] =	stream.indirect.gather [hbm4b:s5+s21], $0x80, s1, s21, $0xb8;
	[tilespmem:$0x18800] =	vst v63  }
0x137: {  	_ =	swait.ge [sflag:s22], $0x4000  }
0x138: {  	[sflag:s22] =	ssyncset.done $0x0  }
0x139: {  	[sflag:s22] =	ssyncadd.s32 $0xFFFFC000  }
0x13a: {  	[spmem:s2] =	stream.indirect.scatter.add.f32 [tilespmem:s17], [sflag:$0x2], $0x80, s0, s21, $0xb8;
	[tilespmem:$0x18800] =	vst v63  }
0x13b: {  	_ =	swait.ge [sflag:s18], $0x4000  }
0x13c: {  	[sflag:s18] =	ssyncset.done $0x0  }
0x13d: {  	[sflag:s18] =	ssyncadd.s32 $0xFFFFC000  }
0x13e: {  	[tilespmem:s17], [sflag:$0x1] =	stream.indirect.gather [hbm4b:s4+s21], $0x80, s11, s21, $0xb8;
	[tilespmem:$0x18800] =	vst v63  }
0x13f: {  	_ =	swait.ge [sflag:s22], $0x4000  }
0x140: {  	[sflag:s22] =	ssyncset.done $0x0  }
0x141: {  	[sflag:s22] =	ssyncadd.s32 $0xFFFFC000  }
0x142: {  	[spmem:s2] =	stream.indirect.scatter.add.f32 [tilespmem:s17], [sflag:$0x2], $0x80, s12, s21, $0xb8;
	[tilespmem:$0x18800] =	vst v63  }
0x143: {  	_ =	swait.ge [sflag:s18], $0x4000  }
0x144: {  	[sflag:s18] =	ssyncset.done $0x0  }
0x145: {  	[sflag:s18] =	ssyncadd.s32 $0xFFFFC000  }
0x146: {  	[tilespmem:s17], [sflag:$0x1] =	stream.indirect.gather [hbm4b:s5+s21], $0x80, s13, s21, $0xb8;
	[tilespmem:$0x18800] =	vst v63  }
0x147: {  	_ =	swait.ge [sflag:s22], $0x4000  }
0x148: {  	[sflag:s22] =	ssyncset.done $0x0  }
0x149: {  	[sflag:s22] =	ssyncadd.s32 $0xFFFFC000  }
0x14a: {  	[spmem:s2] =	stream.indirect.scatter.add.f32 [tilespmem:s17], [sflag:$0x2], $0x80, s12, s21, $0xb8;
	[tilespmem:$0x18800] =	vst v63  }
0x14b: {  	_ =	swait.ge [sflag:s18], $0x4000  }
0x14c: {  	[sflag:s18] =	ssyncset.done $0x0  }
0x14d: {  	[sflag:s18] =	ssyncadd.s32 $0xFFFFC000  }
0x14e: {  	[tilespmem:s17], [sflag:$0x1] =	stream.indirect.gather [hbm4b:s4+s21], $0x80, s14, s21, $0xb8;
	[tilespmem:$0x18800] =	vst v63  }
0x14f: {  	_ =	swait.ge [sflag:s22], $0x4000  }
0x150: {  	[sflag:s22] =	ssyncset.done $0x0  }
0x151: {  	[sflag:s22] =	ssyncadd.s32 $0xFFFFC000  }
0x152: {  	[spmem:s2] =	stream.indirect.scatter.add.f32 [tilespmem:s17], [sflag:$0x2], $0x80, s15, s21, $0xb8;
	[tilespmem:$0x18800] =	vst v63  }
0x153: {  	_ =	swait.ge [sflag:s18], $0x4000  }
0x154: {  	[sflag:s18] =	ssyncset.done $0x0  }
0x155: {  	p0 =	sne.s32 s8, $0x480;
	[sflag:s18] =	ssyncadd.s32 $0xFFFFC000  }
0x156: {  	[tilespmem:s17], [sflag:$0x1] =	stream.indirect.gather [hbm4b:s5+s21], $0x80, s16, s21, $0xb8;
	[tilespmem:$0x18800] =	vst v63  }
.Ltmp1:
0x157: {  	_ =	swait.ge [sflag:s22], $0x4000;
	(pc) =	sbr.rel @p0 .LBB2_4-.Ltmp1, $4  }
0x158: {  	[sflag:s22] =	ssyncset.done $0x0  }
0x159: {  	[sflag:s22] =	ssyncadd.s32 $0xFFFFC000  }
0x15a: {  	[spmem:s2] =	stream.indirect.scatter.add.f32 [tilespmem:s17], [sflag:$0x2], $0x80, s15, s21, $0xb8;
	[tilespmem:$0x18800] =	vst v63  }
0x15b: {  	s8 =	sadd.s32 $0x80, s8;
	_ =	swait.ge [sflag:s18], $0x4000  }
0x15c: {  	[sflag:s18] =	ssyncset.done $0x0  }
0x15d: {  	[sflag:s18] =	ssyncadd.s32 $0xFFFFC000  }
0x15e: {  	[bflag:$0x0] =	sbarrier.arrive $0xFFFF  }
0x15f: {  	s8 =	rddreg [dreg:$0xb]  }
0x160: {  	[tilespmem:s17], [sflag:$0x2] =	stream.linear.gather [spmem:s8], $0x4000, $0x38;
	[tilespmem:$0x18800] =	vst v63  }
0x161: {  	_ =	swait.ge [sflag:s18], $0x4000  }
0x162: {  	[sflag:s18] =	ssyncset.done $0x0  }
0x163: {  	s10 =	rddreg [dreg:$0xf];
	[sflag:s18] =	ssyncadd.s32 $0xFFFFC000  }
0x164: {  	[hbm4b:s10+s3] =	stream.linear.scatter [tilespmem:s17], [sflag:$0x2], $0x4000, $0x38;
	[tilespmem:$0x18800] =	vst v63  }
0x165: {  	_ =	swait.ge [sflag:s18], $0x4000  }
0x166: {  	[sflag:s18] =	ssyncset.done $0x0  }
0x167: {  	[sflag:s18] =	ssyncadd.s32 $0xFFFFC000  }
0x168: {  	[tilespmem:s17], [sflag:$0x2] =	stream.linear.gather [spmem:s6], $0x4000, $0x38;
	[tilespmem:$0x18800] =	vst v63  }
0x169: {  	_ =	swait.ge [sflag:s18], $0x4000  }
0x16a: {  	[sflag:s18] =	ssyncset.done $0x0  }
0x16b: {  	s8 =	rddreg [dreg:$0x10];
	[sflag:s18] =	ssyncadd.s32 $0xFFFFC000  }
0x16c: {  	[hbm4b:s8+s3] =	stream.linear.scatter [tilespmem:s17], [sflag:$0x2], $0x4000, $0x38;
	[tilespmem:$0x18800] =	vst v63  }
0x16d: {  	_ =	swait.ge [sflag:s18], $0x4000  }
0x16e: {  	[sflag:s18] =	ssyncset.done $0x0  }
0x16f: {  	s9 =	rddreg [dreg:$0xc];
	[sflag:s18] =	ssyncadd.s32 $0xFFFFC000  }
0x170: {  	[tilespmem:s17], [sflag:$0x2] =	stream.linear.gather [spmem:s9], $0x4000, $0x38;
	[tilespmem:$0x18800] =	vst v63  }
0x171: {  	_ =	swait.ge [sflag:s18], $0x4000  }
0x172: {  	[sflag:s18] =	ssyncset.done $0x0  }
0x173: {  	s8 =	rddreg [dreg:$0x11];
	[sflag:s18] =	ssyncadd.s32 $0xFFFFC000  }
0x174: {  	[hbm4b:s8+s3] =	stream.linear.scatter [tilespmem:s17], [sflag:$0x2], $0x4000, $0x38;
	[tilespmem:$0x18800] =	vst v63  }
0x175: {  	_ =	swait.ge [sflag:s18], $0x4000  }
0x176: {  	[sflag:s18] =	ssyncset.done $0x0  }
0x177: {  	s9 =	rddreg [dreg:$0xd];
	[sflag:s18] =	ssyncadd.s32 $0xFFFFC000  }
0x178: {  	[tilespmem:s17], [sflag:$0x2] =	stream.linear.gather [spmem:s9], $0x4000, $0x38;
	[tilespmem:$0x18800] =	vst v63  }
0x179: {  	_ =	swait.ge [sflag:s18], $0x4000  }
0x17a: {  	[sflag:s18] =	ssyncset.done $0x0  }
0x17b: {  	s8 =	rddreg [dreg:$0x12];
	[sflag:s18] =	ssyncadd.s32 $0xFFFFC000  }
0x17c: {  	[hbm4b:s8+s3] =	stream.linear.scatter [tilespmem:s17], [sflag:$0x2], $0x4000, $0x38;
	[tilespmem:$0x18800] =	vst v63  }
0x17d: {  	_ =	swait.ge [sflag:s18], $0x4000  }
0x17e: {  	[sflag:s18] =	ssyncset.done $0x0  }
0x17f: {  	s9 =	rddreg [dreg:$0xe];
	[sflag:s18] =	ssyncadd.s32 $0xFFFFC000  }
0x180: {  	[tilespmem:s17], [sflag:$0x2] =	stream.linear.gather [spmem:s9], $0x3C00, $0x38;
	[tilespmem:$0x18800] =	vst v63  }
0x181: {  	_ =	swait.ge [sflag:s18], $0x3C00  }
0x182: {  	[sflag:s18] =	ssyncset.done $0x0  }
0x183: {  	s8 =	rddreg [dreg:$0x13];
	[sflag:s18] =	ssyncadd.s32 $0xFFFFC400  }
0x184: {  	[hbm4b:s8+s3] =	stream.linear.scatter [tilespmem:s17], [sflag:$0x2], $0x3C00, $0x38;
	[tilespmem:$0x18800] =	vst v63  }
0x185: {  	_ =	swait.ge [sflag:s18], $0x3C00  }
0x186: {  	s7 =	sadd.s32 $0x1, s7;
	s9 =	rddreg [dreg:$0x14]  }
0x187: {  	p0 =	sne.s32 s7, s9  }
.Ltmp2:
0x188: {  	_ = 	snop;
	(pc) =	sbr.rel @p0 .LBB2_1-.Ltmp2, $3  }
0x189: {  	_ =	sdelay $0x1  }
0x18a: {  	[sflag:s18] =	ssyncset.done $0x0  }
0x18b: {  	s10 =	smov.u32 s6;
	[sflag:s18] =	ssyncadd.s32 $0xFFFFC400  }
0x18c: {  	_ =	sfence.sel $0x180000  }
0x18d: {  	[bflag:$0x0] =	sbarrier.arrive $0xFFFF  }
0x18e: {  	_ =	strace $0x90000047  }
0x18f: {  	s0 =	stileid.u32;
	[bflag:$0x2] =	sbarrier.arrive $0xFFFF  }
0x190: {  	p0 =	sne.s32 s0, $0x0;
	s0 =	rddreg [dreg:$0x3]  }
0x191: {  	s0 =	sadd.s32 @!p0 $0x100000, s0  }
0x192: {  	[sflag:s0] =	ssyncadd.tile.s32 @!p0 $0x1;
	_ =	shalt  }
.Lfunc_end2:
_tile_overlayer_lowered:
.L_overlay_start_2:
0x193: {  	(tag) =	ssettag $0x2  }
0x194: {  	s0 =	rddreg [dreg:$0x0];
	s2 =	stileid.u32  }
0x195: {  	s1 =	rddreg [dreg:$0x1];
	p0 =	sne.s32 s2, $0x0  }
0x196: {  	s3 =	rddreg [dreg:$0x2];
	[bflag:$0x3] =	sbarrier.arrive $0xFFFF;
	s2 =	simm.s32 @!p0 $0x1C02  }
0x197: {  	[timem:s3], [sflag:s2] =	dma.local @!p0 [hbm:s0], s1  }
0x198: {  	s0 =	simm.s32 @!p0 $0x2  }
0x199: {  	_ =	swait.ge @!p0 [sflag:s0], s1  }
0x19a: {  	s1 =	ssub.s32 @!p0 $0x0, s1;
	[sflag:s0] =	ssyncset.done @!p0 $0x0  }
0x19b: {  	[sflag:s0] =	ssyncadd.s32 @!p0 s1  }
0x19c: {  	[bflag:$0x3] =	sbarrier.arrive $0xFFFF  }
0x19d: {  	_ =	shalt  }

</sc_bundles>
